<compile_context>
chip_gen: v7x
topology: tpu7x:2x2x1
jax: 0.10.2.dev20260603
libtpu: 0.0.44.dev20260713+nightly
codegen_flags: <defaults>
</compile_context>

<pallas_src>
import functools

import jax
import jax.numpy as jnp
from jax import lax
from jax.experimental import pallas as pl
from jax.experimental.pallas import tpu as pltpu
from jax.experimental.pallas import tpu_sc as plsc

N_NODES = 10000
N_EDGES = 320000
N_GRAPHS = 256

NC, NS = 2, 16
NROW = 10240
PAD_ROW = 10016
CHUNK = 128
G = 2
CH_ALL = 160
NPAD = NS * CH_ALL * CHUNK
W = 128
DW = 128
BLK = 512


def _mesh():
    return plsc.VectorSubcoreMesh(
        core_axis_name="c", subcore_axis_name="s", num_cores=NC, num_subcores=NS
    )


RANGE = NROW // NC
RACC = RANGE + 128
RZERO = RACC // NS
ROUT = RANGE // NS


def _sc_degree_body(dst_hbm, ones_hbm, zeros_hbm, out_hbm, dst_v, ones_v, acc, sem):
    c = lax.axis_index("c")
    s = lax.axis_index("s")
    pltpu.sync_copy(ones_hbm, ones_v)
    pltpu.sync_copy(zeros_hbm, acc.at[pl.ds(s * RZERO, RZERO)])
    pltpu.sync_copy(dst_hbm.at[s], dst_v)
    base = c * RANGE

    @pl.loop(0, CH_ALL)
    def _(k):
        for j in range(CHUNK // 16):
            sl = pl.ds(j * 16, 16)
            t = dst_v[k, sl] - base
            valid = (t >= 0) & (t < RANGE)
            dst_v[k, sl] = jnp.where(valid, t, RANGE)

    plsc.subcore_barrier()

    @pl.loop(0, CH_ALL, step=8)
    def _(k):
        for i in range(8):
            pltpu.async_copy(ones_v, acc.at[dst_v.at[k + i]], sem, add=True)
        for i in range(8):
            pltpu.make_async_copy(ones_v, acc.at[dst_v.at[k + i]], sem).wait()

    plsc.subcore_barrier()
    pltpu.sync_copy(
        acc.at[pl.ds(s * ROUT, ROUT)],
        out_hbm.at[pl.ds(c * RANGE + s * ROUT, ROUT)],
    )


@functools.cache
def _get_sc_degree():
    return functools.partial(
        pl.kernel,
        out_type=jax.ShapeDtypeStruct((NROW, DW), jnp.float32),
        mesh=_mesh(),
        scratch_types=[
            pltpu.VMEM((CH_ALL, CHUNK), jnp.int32),
            pltpu.VMEM((CHUNK, DW), jnp.float32),
            pltpu.VMEM_SHARED((RACC, DW), jnp.float32),
            pltpu.SemaphoreType.DMA,
        ],
    )(_sc_degree_body)






def _sc_edges_body(
    src_hbm, dst_hbm, table_hbm, zeros_hbm, out_hbm,
    src_v, dring, rows, acc, gsem, dsem,
):
    c = lax.axis_index("c")
    s = lax.axis_index("s")
    pltpu.sync_copy(zeros_hbm, acc.at[pl.ds(s * RZERO, RZERO)])
    pltpu.sync_copy(src_hbm.at[s], src_v)
    base = c * RANGE
    plsc.subcore_barrier()

    def gather_super(sk, b):
        pltpu.async_copy(dst_hbm.at[s, sk], dring.at[b], dsem.at[b])
        for g in range(G):
            pltpu.async_copy(
                table_hbm.at[src_v.at[sk * G + g]], rows.at[b, g], gsem.at[b]
            )

    def wait_super(sk, b):
        pltpu.make_async_copy(dst_hbm.at[s, sk], dring.at[b], dsem.at[b]).wait()
        for g in range(G):
            pltpu.make_async_copy(
                table_hbm.at[src_v.at[sk * G + g]], rows.at[b, g], gsem.at[b]
            ).wait()

    n_super = CH_ALL // G
    gather_super(0, 0)

    @pl.loop(0, n_super)
    def _(k):
        b = lax.rem(k, 2)
        wait_super(k, b)

        @pl.when(k + 1 < n_super)
        def _():
            gather_super(k + 1, 1 - b)

        for g in range(G):
            for j in range(CHUNK // 16):
                sl = pl.ds(j * 16, 16)
                t = dring[b, g, sl] - base
                valid = (t >= 0) & (t < RANGE)
                dring[b, g, sl] = jnp.where(valid, t, RANGE)

        for g in range(G):
            pltpu.sync_copy(rows.at[b, g], acc.at[dring.at[b, g]], add=True)

    plsc.subcore_barrier()
    pltpu.sync_copy(
        acc.at[pl.ds(s * ROUT, ROUT)],
        out_hbm.at[pl.ds(c * RANGE + s * ROUT, ROUT)],
    )


@functools.cache
def _get_sc_edges():
    return functools.partial(
        pl.kernel,
        out_type=jax.ShapeDtypeStruct((NROW, W), jnp.float32),
        mesh=_mesh(),
        scratch_types=[
            pltpu.VMEM((CH_ALL, CHUNK), jnp.int32),
            pltpu.VMEM((2, G, CHUNK), jnp.int32),
            pltpu.VMEM((2, G, CHUNK, W), jnp.float32),
            pltpu.VMEM_SHARED((RACC, W), jnp.float32),
            pltpu.SemaphoreType.DMA((2,)),
            pltpu.SemaphoreType.DMA((2,)),
        ],
    )(_sc_edges_body)


def _dinv_of(degp_ref):
    deg = degp_ref[:, :1] + 1.0
    return lax.rsqrt(deg)


def _tc_scale_body(x_ref, degp_ref, u_ref):
    u_ref[:] = x_ref[:] * _dinv_of(degp_ref)


def _tc_scale(x_pad, degp):
    return pl.pallas_call(
        _tc_scale_body,
        grid=(NROW // BLK,),
        in_specs=[
            pl.BlockSpec((BLK, 128), lambda r: (r, 0)),
            pl.BlockSpec((BLK, DW), lambda r: (r, 0)),
        ],
        out_specs=pl.BlockSpec((BLK, 128), lambda r: (r, 0)),
        out_shape=jax.ShapeDtypeStruct((NROW, 128), jnp.float32),
    )(x_pad, degp)


def _tc_layer1_body(t_ref, u_ref, degp_ref, w1_ref, b1_ref, u2_ref):
    dinv = _dinv_of(degp_ref)
    v = (t_ref[:] + u_ref[:]) * dinv
    h1 = jnp.maximum(
        jnp.dot(v, w1_ref[:], preferred_element_type=jnp.float32)
        + b1_ref[:][None, :],
        0.0,
    )
    u2_ref[:] = h1 * dinv


def _tc_layer1(t1p, u1, degp, w1, b1):
    return pl.pallas_call(
        _tc_layer1_body,
        grid=(NROW // BLK,),
        in_specs=[
            pl.BlockSpec((BLK, 128), lambda r: (r, 0)),
            pl.BlockSpec((BLK, 128), lambda r: (r, 0)),
            pl.BlockSpec((BLK, DW), lambda r: (r, 0)),
            pl.BlockSpec((128, 128), lambda r: (0, 0)),
            pl.BlockSpec((128,), lambda r: (0,)),
        ],
        out_specs=pl.BlockSpec((BLK, 128), lambda r: (r, 0)),
        out_shape=jax.ShapeDtypeStruct((NROW, 128), jnp.float32),
    )(t1p, u1, degp, w1, b1)


def _tc_final_body(
    t_ref, u_ref, degp_ref, w2_ref, b2_ref, batch_ref, wg1_ref, bg1_ref,
    wg2_ref, bg2_ref, out_ref, psum, cnt,
):
    r = pl.program_id(0)

    @pl.when(r == 0)
    def _():
        psum[:] = jnp.zeros_like(psum)
        cnt[:] = jnp.zeros_like(cnt)

    dinv = _dinv_of(degp_ref)
    v = (t_ref[:] + u_ref[:]) * dinv
    h2 = jnp.maximum(
        jnp.dot(v, w2_ref[:], preferred_element_type=jnp.float32)
        + b2_ref[:][None, :],
        0.0,
    )
    oh = (
        batch_ref[:][:, None]
        == lax.broadcasted_iota(jnp.int32, (1, N_GRAPHS), 1)
    ).astype(jnp.float32)
    psum[:] += lax.dot_general(
        oh, h2, (((0,), (0,)), ((), ())), preferred_element_type=jnp.float32
    )
    cnt[:] += jnp.sum(oh, axis=0, keepdims=True)

    @pl.when(r == pl.num_programs(0) - 1)
    def _():
        g = psum[:] / jnp.maximum(cnt[:], 1.0).reshape(N_GRAPHS, 1)
        t = jnp.maximum(
            jnp.dot(g, wg1_ref[:], preferred_element_type=jnp.float32)
            + bg1_ref[:][None, :],
            0.0,
        )
        out_ref[:] = (
            jnp.dot(t, wg2_ref[:], preferred_element_type=jnp.float32)
            + bg2_ref[:][None, :]
        )


def _tc_final(t2p, u2, degp, w2, b2, batch_pad, wg1, bg1, wg2, bg2):
    return pl.pallas_call(
        _tc_final_body,
        grid=(NROW // BLK,),
        in_specs=[
            pl.BlockSpec((BLK, 128), lambda r: (r, 0)),
            pl.BlockSpec((BLK, 128), lambda r: (r, 0)),
            pl.BlockSpec((BLK, DW), lambda r: (r, 0)),
            pl.BlockSpec((128, 256), lambda r: (0, 0)),
            pl.BlockSpec((256,), lambda r: (0,)),
            pl.BlockSpec((BLK,), lambda r: (r,)),
            pl.BlockSpec((256, 1024), lambda r: (0, 0)),
            pl.BlockSpec((1024,), lambda r: (0,)),
            pl.BlockSpec((1024, 128), lambda r: (0, 0)),
            pl.BlockSpec((128,), lambda r: (0,)),
        ],
        out_specs=pl.BlockSpec((N_GRAPHS, 128), lambda r: (0, 0)),
        out_shape=jax.ShapeDtypeStruct((N_GRAPHS, 128), jnp.float32),
        scratch_shapes=[
            pltpu.VMEM((N_GRAPHS, N_GRAPHS), jnp.float32),
            pltpu.VMEM((1, N_GRAPHS), jnp.float32),
        ],
    )(t2p, u2, degp, w2, b2, batch_pad, wg1, bg1, wg2, bg2)


def kernel(x, edge_index, batch, W1, b1, W2, b2, Wg1, bg1, Wg2, bg2):
    i32 = jnp.int32
    src = edge_index[0].astype(i32)
    dst = edge_index[1].astype(i32)
    pad = NPAD - N_EDGES
    src_r = jnp.concatenate([src, jnp.full((pad,), PAD_ROW, i32)]).reshape(
        NS, CH_ALL, CHUNK
    )
    dst_r = jnp.concatenate([dst, jnp.full((pad,), PAD_ROW, i32)]).reshape(
        NS, CH_ALL, CHUNK
    )

    x_pad = jnp.pad(x, ((0, NROW - N_NODES), (0, 0)))
    batch_pad = jnp.pad(
        batch.astype(i32), (0, NROW - N_NODES), constant_values=N_GRAPHS
    )

    ones_blk = jnp.ones((CHUNK, W), jnp.float32)
    zeros_blk = jnp.zeros((RZERO, W), jnp.float32)

    degp = _get_sc_degree()(dst_r, ones_blk, zeros_blk)
    u1 = _tc_scale(x_pad, degp)
    dst4 = dst_r.reshape(NS, CH_ALL // G, G, CHUNK)
    t1p = _get_sc_edges()(src_r, dst4, u1, zeros_blk)
    u2 = _tc_layer1(t1p, u1, degp, W1, b1)
    t2p = _get_sc_edges()(src_r, dst4, u2, zeros_blk)
    return _tc_final(t2p, u2, degp, W2, b2, batch_pad, Wg1, bg1, Wg2, bg2)

# --- scband reference (transcript-rebuilt; emitter-appended) ---
"""Pipeline reference for scband-drug-gcn-20100446945576 (READ-ONLY COPY).

The authoritative reference and input builder live on the scoring server;
editing this copy changes nothing except your own understanding.
"""

import jax, jax.numpy as jnp
import numpy as np

N_NODES = 10000
N_EDGES = 320000
D_FEAT = 128
HIDDEN = 128
OUT_DIM = 128
N_GRAPHS = 256


def gcn_conv(x, edge_index, W, b):
    # GCNConv: x' = D^-1/2 (A + I) D^-1/2 X W + b
    N = x.shape[0]
    src = edge_index[0]
    dst = edge_index[1]
    loop = jnp.arange(N, dtype=src.dtype)
    src = jnp.concatenate([src, loop])
    dst = jnp.concatenate([dst, loop])
    deg = jax.ops.segment_sum(jnp.ones(src.shape[0], dtype=x.dtype), dst, num_segments=N)
    dinv = jnp.where(deg > 0, deg ** -0.5, 0.0)
    norm = dinv[src] * dinv[dst]
    h = x @ W
    msg = jnp.take(h, src, axis=0) * norm[:, None]
    out = jax.ops.segment_sum(msg, dst, num_segments=N)
    return out + b


def global_mean_pool(x, batch, num_graphs):
    sums = jax.ops.segment_sum(x, batch, num_segments=num_graphs)
    counts = jax.ops.segment_sum(jnp.ones(x.shape[0], dtype=x.dtype), batch, num_segments=num_graphs)
    return sums / jnp.clip(counts, 1.0)[:, None]


def setup_inputs(seed: int = 0) -> dict:
    key = jax.random.key(seed)
    ks = jax.random.split(key, 12)
    x = jax.random.normal(ks[0], (N_NODES, D_FEAT), dtype=jnp.float32)
    edge_index = jax.random.randint(ks[1], (2, N_EDGES), 0, N_NODES, dtype=jnp.int64)
    batch = jnp.sort(jax.random.randint(ks[2], (N_NODES,), 0, N_GRAPHS, dtype=jnp.int64))
    s1 = 1.0 / np.sqrt(D_FEAT)
    W1 = jax.random.uniform(ks[3], (D_FEAT, HIDDEN), minval=-s1, maxval=s1, dtype=jnp.float32)
    b1 = jnp.zeros((HIDDEN,), dtype=jnp.float32)
    s2 = 1.0 / np.sqrt(HIDDEN)
    W2 = jax.random.uniform(ks[4], (HIDDEN, HIDDEN * 2), minval=-s2, maxval=s2, dtype=jnp.float32)
    b2 = jnp.zeros((HIDDEN * 2,), dtype=jnp.float32)
    s3 = 1.0 / np.sqrt(HIDDEN * 2)
    Wg1 = jax.random.uniform(ks[5], (HIDDEN * 2, 1024), minval=-s3, maxval=s3, dtype=jnp.float32)
    bg1 = jax.random.uniform(ks[6], (1024,), minval=-s3, maxval=s3, dtype=jnp.float32)
    s4 = 1.0 / np.sqrt(1024)
    Wg2 = jax.random.uniform(ks[7], (1024, OUT_DIM), minval=-s4, maxval=s4, dtype=jnp.float32)
    bg2 = jax.random.uniform(ks[8], (OUT_DIM,), minval=-s4, maxval=s4, dtype=jnp.float32)
    return {"x": x, "edge_index": edge_index, "batch": batch,
            "W1": W1, "b1": b1, "W2": W2, "b2": b2,
            "Wg1": Wg1, "bg1": bg1, "Wg2": Wg2, "bg2": bg2}


def reference(x, edge_index, batch, W1, b1, W2, b2, Wg1, bg1, Wg2, bg2):
    h = jax.nn.relu(gcn_conv(x, edge_index, W1, b1))
    h = jax.nn.relu(gcn_conv(h, edge_index, W2, b2))
    g = global_mean_pool(h, batch, N_GRAPHS)
    g = jax.nn.relu(g @ Wg1 + bg1)
    # dropout is identity in eval mode
    g = g @ Wg2 + bg2
    return g

if __name__ == "__main__":
    import jax
    _d = setup_inputs()
    print(jax.jit(kernel)(*tuple(_d.values())))

</pallas_src>

<mosaic_0001>
#map = affine_map<(d0, d1) -> (0, 0, 0)>
#map1 = affine_map<(d0, d1) -> (0, 0, 0, 0)>
#map2 = affine_map<(d0, d1) -> (0, 0)>
module attributes {stable_mosaic.version = 14 : i64} {
  func.func @_sc_edges_body(%arg0: i32, %arg1: i32, %arg2: memref<16x160x128xi32, #tpu.memory_space<hbm>>, %arg3: memref<16x80x2x128xi32, #tpu.memory_space<hbm>>, %arg4: memref<10240x128xf32, #tpu.memory_space<hbm>>, %arg5: memref<328x128xf32, #tpu.memory_space<hbm>>, %arg6: memref<10240x128xf32, #tpu.memory_space<hbm>>, %arg7: memref<160x128xi32, #tpu.memory_space<vmem>>, %arg8: memref<2x2x128xi32, #tpu.memory_space<vmem>>, %arg9: memref<2x2x128x128xf32, #tpu.memory_space<vmem>>, %arg10: memref<5248x128xf32, #tpu.memory_space<vmem_shared>>, %arg11: memref<2x!tpu.dma_semaphore, #tpu.memory_space<semaphore_mem>>, %arg12: memref<2x!tpu.dma_semaphore, #tpu.memory_space<semaphore_mem>>) attributes {dimension_semantics = [#tpu.dimension_semantics<core_parallel>, #tpu.dimension_semantics<subcore_parallel>], iteration_bounds = array<i64: 2, 16>, scalar_prefetch = 0 : i64, scratch_operands = 6 : i64, tpu.core_type = #tpu.core_type<sc_vector_subcore>, window_params = [{transform_indices = #map}, {transform_indices = #map1}, {transform_indices = #map2}, {transform_indices = #map2}, {transform_indices = #map2}]} {
    %mul3A = arith.constant 328 : i32
    %mul3A_0 = arith.muli %arg1, %mul3A : i32
    "tpu.region"() ({
      %run_scoped3A = tpu.sem_alloc : memref<!tpu.dma_semaphore, #tpu.memory_space<semaphore_mem>>
      %dma_start3A_66 = arith.constant 0 : i32
      %dma_start3A_67 = tpu.memref_slice %arg10[%mul3A_0, %dma_start3A_66] : memref<5248x128xf32, #tpu.memory_space<vmem_shared>> -> memref<328x128xf32, #tpu.memory_space<vmem_shared>>
      tpu.enqueue_dma source(%arg5 : memref<328x128xf32, #tpu.memory_space<hbm>>) target(%dma_start3A_67 : memref<328x128xf32, #tpu.memory_space<vmem_shared>>) target_semaphore(%run_scoped3A : memref<!tpu.dma_semaphore, #tpu.memory_space<semaphore_mem>>)
      %dma_wait3A = arith.constant 0 : i32
      %dma_wait3A_68 = tpu.memref_slice %arg10[%mul3A_0, %dma_wait3A] : memref<5248x128xf32, #tpu.memory_space<vmem_shared>> -> memref<328x128xf32, #tpu.memory_space<vmem_shared>>
      tpu.wait_dma2 semaphore(%run_scoped3A : memref<!tpu.dma_semaphore, #tpu.memory_space<semaphore_mem>>) src(%arg5 : memref<328x128xf32, #tpu.memory_space<hbm>>) dst(%dma_wait3A_68 : memref<328x128xf32, #tpu.memory_space<vmem_shared>>)
      tpu.yield
    }) : () -> ()
    "tpu.region"() ({
      %run_scoped3A = tpu.sem_alloc : memref<!tpu.dma_semaphore, #tpu.memory_space<semaphore_mem>>
      %dma_start3A_66 = arith.constant 0 : i32
      %dma_start3A_67 = arith.constant 0 : i32
      %dma_start3A_68 = tpu.memref_slice %arg2[%arg1, %dma_start3A_66, %dma_start3A_67] : memref<16x160x128xi32, #tpu.memory_space<hbm>> -> memref<1x160x128xi32, #tpu.memory_space<hbm>>
      %dma_start3A_69 = tpu.memref_squeeze %dma_start3A_68 : memref<1x160x128xi32, #tpu.memory_space<hbm>> -> memref<160x128xi32, #tpu.memory_space<hbm>>
      %dma_start3A_70 = arith.constant 0 : i32
      %dma_start3A_71 = arith.constant 0 : i32
      %dma_start3A_72 = tpu.memref_slice %arg2[%arg1, %dma_start3A_70, %dma_start3A_71] : memref<16x160x128xi32, #tpu.memory_space<hbm>> -> memref<1x160x128xi32, #tpu.memory_space<hbm>>
      %dma_start3A_73 = tpu.memref_squeeze %dma_start3A_72 : memref<1x160x128xi32, #tpu.memory_space<hbm>> -> memref<160x128xi32, #tpu.memory_space<hbm>>
      tpu.enqueue_dma source(%dma_start3A_73 : memref<160x128xi32, #tpu.memory_space<hbm>>) target(%arg7 : memref<160x128xi32, #tpu.memory_space<vmem>>) target_semaphore(%run_scoped3A : memref<!tpu.dma_semaphore, #tpu.memory_space<semaphore_mem>>)
      %dma_wait3A = arith.constant 0 : i32
      %dma_wait3A_74 = arith.constant 0 : i32
      %dma_wait3A_75 = tpu.memref_slice %arg2[%arg1, %dma_wait3A, %dma_wait3A_74] : memref<16x160x128xi32, #tpu.memory_space<hbm>> -> memref<1x160x128xi32, #tpu.memory_space<hbm>>
      %dma_wait3A_76 = tpu.memref_squeeze %dma_wait3A_75 : memref<1x160x128xi32, #tpu.memory_space<hbm>> -> memref<160x128xi32, #tpu.memory_space<hbm>>
      %dma_wait3A_77 = arith.constant 0 : i32
      %dma_wait3A_78 = arith.constant 0 : i32
      %dma_wait3A_79 = tpu.memref_slice %arg2[%arg1, %dma_wait3A_77, %dma_wait3A_78] : memref<16x160x128xi32, #tpu.memory_space<hbm>> -> memref<1x160x128xi32, #tpu.memory_space<hbm>>
      %dma_wait3A_80 = tpu.memref_squeeze %dma_wait3A_79 : memref<1x160x128xi32, #tpu.memory_space<hbm>> -> memref<160x128xi32, #tpu.memory_space<hbm>>
      tpu.wait_dma2 semaphore(%run_scoped3A : memref<!tpu.dma_semaphore, #tpu.memory_space<semaphore_mem>>) src(%dma_wait3A_80 : memref<160x128xi32, #tpu.memory_space<hbm>>) dst(%arg7 : memref<160x128xi32, #tpu.memory_space<vmem>>)
      tpu.yield
    }) : () -> ()
    %mul3A_1 = arith.constant 5120 : i32
    %mul3A_2 = arith.muli %arg0, %mul3A_1 : i32
    %barrier3A = arith.constant 0 : index
    tpu.barrier barrier_id(%barrier3A)
    %dma_start3A = arith.constant 0 : i32
    %dma_start3A_3 = arith.constant 0 : i32
    %dma_start3A_4 = arith.constant 0 : i32
    %dma_start3A_5 = arith.constant 0 : i32
    %dma_start3A_6 = arith.constant 0 : i32
    %dma_start3A_7 = tpu.memref_slice %arg8[%dma_start3A_3, %dma_start3A_5, %dma_start3A_6] : memref<2x2x128xi32, #tpu.memory_space<vmem>> -> memref<1x2x128xi32, #tpu.memory_space<vmem>>
    %dma_start3A_8 = tpu.memref_squeeze %dma_start3A_7 : memref<1x2x128xi32, #tpu.memory_space<vmem>> -> memref<2x128xi32, #tpu.memory_space<vmem>>
    %dma_start3A_9 = arith.constant 0 : i32
    %dma_start3A_10 = arith.constant 0 : i32
    %dma_start3A_11 = tpu.memref_slice %arg3[%arg1, %dma_start3A, %dma_start3A_9, %dma_start3A_10] : memref<16x80x2x128xi32, #tpu.memory_space<hbm>> -> memref<1x1x2x128xi32, #tpu.memory_space<hbm>>
    %dma_start3A_12 = tpu.memref_squeeze %dma_start3A_11 : memref<1x1x2x128xi32, #tpu.memory_space<hbm>> -> memref<2x128xi32, #tpu.memory_space<hbm>>
    %dma_start3A_13 = tpu.memref_slice %arg12[%dma_start3A_4] : memref<2x!tpu.dma_semaphore, #tpu.memory_space<semaphore_mem>> -> memref<1x!tpu.dma_semaphore, #tpu.memory_space<semaphore_mem>>
    %dma_start3A_14 = tpu.memref_squeeze %dma_start3A_13 : memref<1x!tpu.dma_semaphore, #tpu.memory_space<semaphore_mem>> -> memref<!tpu.dma_semaphore, #tpu.memory_space<semaphore_mem>>
    %dma_start3A_15 = arith.constant 0 : i32
    %dma_start3A_16 = arith.constant 0 : i32
    %dma_start3A_17 = tpu.memref_slice %arg8[%dma_start3A_3, %dma_start3A_15, %dma_start3A_16] : memref<2x2x128xi32, #tpu.memory_space<vmem>> -> memref<1x2x128xi32, #tpu.memory_space<vmem>>
    %dma_start3A_18 = tpu.memref_squeeze %dma_start3A_17 : memref<1x2x128xi32, #tpu.memory_space<vmem>> -> memref<2x128xi32, #tpu.memory_space<vmem>>
    %dma_start3A_19 = arith.constant 0 : i32
    %dma_start3A_20 = arith.constant 0 : i32
    %dma_start3A_21 = tpu.memref_slice %arg3[%arg1, %dma_start3A, %dma_start3A_19, %dma_start3A_20] : memref<16x80x2x128xi32, #tpu.memory_space<hbm>> -> memref<1x1x2x128xi32, #tpu.memory_space<hbm>>
    %dma_start3A_22 = tpu.memref_squeeze %dma_start3A_21 : memref<1x1x2x128xi32, #tpu.memory_space<hbm>> -> memref<2x128xi32, #tpu.memory_space<hbm>>
    tpu.enqueue_dma source(%dma_start3A_22 : memref<2x128xi32, #tpu.memory_space<hbm>>) target(%dma_start3A_18 : memref<2x128xi32, #tpu.memory_space<vmem>>) target_semaphore(%dma_start3A_14 : memref<!tpu.dma_semaphore, #tpu.memory_space<semaphore_mem>>)
    %dma_start3A_23 = arith.constant 0 : i32
    %dma_start3A_24 = arith.constant 0 : i32
    %dma_start3A_25 = arith.constant 0 : i32
    %dma_start3A_26 = arith.constant 0 : i32
    %dma_start3A_27 = arith.constant 0 : i32
    %dma_start3A_28 = arith.constant 0 : i32
    %dma_start3A_29 = tpu.memref_slice %arg9[%dma_start3A_24, %dma_start3A_25, %dma_start3A_27, %dma_start3A_28] : memref<2x2x128x128xf32, #tpu.memory_space<vmem>> -> memref<1x1x128x128xf32, #tpu.memory_space<vmem>>
    %dma_start3A_30 = tpu.memref_squeeze %dma_start3A_29 : memref<1x1x128x128xf32, #tpu.memory_space<vmem>> -> memref<128x128xf32, #tpu.memory_space<vmem>>
    %dma_start3A_31 = arith.constant 0 : i32
    %dma_start3A_32 = tpu.memref_slice %arg7[%dma_start3A_23, %dma_start3A_31] : memref<160x128xi32, #tpu.memory_space<vmem>> -> memref<1x128xi32, #tpu.memory_space<vmem>>
    %dma_start3A_33 = tpu.memref_squeeze %dma_start3A_32 : memref<1x128xi32, #tpu.memory_space<vmem>> -> memref<128xi32, #tpu.memory_space<vmem>>
    %dma_start3A_34 = arith.constant 0 : i32
    %dma_start3A_35 = arith.constant 0 : i32
    %dma_start3A_36 = tpu.memref_slice %arg4[%dma_start3A_34, %dma_start3A_35] : memref<10240x128xf32, #tpu.memory_space<hbm>> -> memref<10240x128xf32, #tpu.memory_space<hbm>>
    %dma_start3A_37 = tpu.memref_slice %arg11[%dma_start3A_26] : memref<2x!tpu.dma_semaphore, #tpu.memory_space<semaphore_mem>> -> memref<1x!tpu.dma_semaphore, #tpu.memory_space<semaphore_mem>>
    %dma_start3A_38 = tpu.memref_squeeze %dma_start3A_37 : memref<1x!tpu.dma_semaphore, #tpu.memory_space<semaphore_mem>> -> memref<!tpu.dma_semaphore, #tpu.memory_space<semaphore_mem>>
    tpu.enqueue_indirect_dma source(%dma_start3A_36 : memref<10240x128xf32, #tpu.memory_space<hbm>>) target(%dma_start3A_30 : memref<128x128xf32, #tpu.memory_space<vmem>>) offsets(%dma_start3A_33 : memref<128xi32, #tpu.memory_space<vmem>>) semaphore(%dma_start3A_38 : memref<!tpu.dma_semaphore, #tpu.memory_space<semaphore_mem>>)
    %dma_start3A_39 = arith.constant 1 : i32
    %dma_start3A_40 = arith.constant 0 : i32
    %dma_start3A_41 = arith.constant 1 : i32
    %dma_start3A_42 = arith.constant 0 : i32
    %dma_start3A_43 = arith.constant 0 : i32
    %dma_start3A_44 = arith.constant 0 : i32
    %dma_start3A_45 = tpu.memref_slice %arg9[%dma_start3A_40, %dma_start3A_41, %dma_start3A_43, %dma_start3A_44] : memref<2x2x128x128xf32, #tpu.memory_space<vmem>> -> memref<1x1x128x128xf32, #tpu.memory_space<vmem>>
    %dma_start3A_46 = tpu.memref_squeeze %dma_start3A_45 : memref<1x1x128x128xf32, #tpu.memory_space<vmem>> -> memref<128x128xf32, #tpu.memory_space<vmem>>
    %dma_start3A_47 = arith.constant 0 : i32
    %dma_start3A_48 = tpu.memref_slice %arg7[%dma_start3A_39, %dma_start3A_47] : memref<160x128xi32, #tpu.memory_space<vmem>> -> memref<1x128xi32, #tpu.memory_space<vmem>>
    %dma_start3A_49 = tpu.memref_squeeze %dma_start3A_48 : memref<1x128xi32, #tpu.memory_space<vmem>> -> memref<128xi32, #tpu.memory_space<vmem>>
    %dma_start3A_50 = arith.constant 0 : i32
    %dma_start3A_51 = arith.constant 0 : i32
    %dma_start3A_52 = tpu.memref_slice %arg4[%dma_start3A_50, %dma_start3A_51] : memref<10240x128xf32, #tpu.memory_space<hbm>> -> memref<10240x128xf32, #tpu.memory_space<hbm>>
    %dma_start3A_53 = tpu.memref_slice %arg11[%dma_start3A_42] : memref<2x!tpu.dma_semaphore, #tpu.memory_space<semaphore_mem>> -> memref<1x!tpu.dma_semaphore, #tpu.memory_space<semaphore_mem>>
    %dma_start3A_54 = tpu.memref_squeeze %dma_start3A_53 : memref<1x!tpu.dma_semaphore, #tpu.memory_space<semaphore_mem>> -> memref<!tpu.dma_semaphore, #tpu.memory_space<semaphore_mem>>
    tpu.enqueue_indirect_dma source(%dma_start3A_52 : memref<10240x128xf32, #tpu.memory_space<hbm>>) target(%dma_start3A_46 : memref<128x128xf32, #tpu.memory_space<vmem>>) offsets(%dma_start3A_49 : memref<128xi32, #tpu.memory_space<vmem>>) semaphore(%dma_start3A_54 : memref<!tpu.dma_semaphore, #tpu.memory_space<semaphore_mem>>)
    %scan3A = arith.constant 0 : i32
    %scan3A_55 = arith.constant 80 : i32
    %scan3A_56 = arith.addi %scan3A, %scan3A_55 : i32
    %scan3A_57 = arith.constant 1 : i32
    scf.for %scan3A_66 = %scan3A to %scan3A_56 step %scan3A_57  : i32 {
      %mul3A_67 = arith.constant 1 : i32
      %mul3A_68 = arith.muli %scan3A_66, %mul3A_67 : i32
      %add3A_69 = arith.constant 0 : i32
      %add3A_70 = arith.addi %add3A_69, %mul3A_68 : i32
      %rem3A = arith.constant 2 : i32
      %rem3A_71 = arith.remsi %add3A_70, %rem3A : i32
      %dma_wait3A = arith.constant 0 : i32
      %dma_wait3A_72 = arith.constant 0 : i32
      %dma_wait3A_73 = tpu.memref_slice %arg8[%rem3A_71, %dma_wait3A, %dma_wait3A_72] : memref<2x2x128xi32, #tpu.memory_space<vmem>> -> memref<1x2x128xi32, #tpu.memory_space<vmem>>
      %dma_wait3A_74 = tpu.memref_squeeze %dma_wait3A_73 : memref<1x2x128xi32, #tpu.memory_space<vmem>> -> memref<2x128xi32, #tpu.memory_space<vmem>>
      %dma_wait3A_75 = arith.constant 0 : i32
      %dma_wait3A_76 = arith.constant 0 : i32
      %dma_wait3A_77 = tpu.memref_slice %arg3[%arg1, %add3A_70, %dma_wait3A_75, %dma_wait3A_76] : memref<16x80x2x128xi32, #tpu.memory_space<hbm>> -> memref<1x1x2x128xi32, #tpu.memory_space<hbm>>
      %dma_wait3A_78 = tpu.memref_squeeze %dma_wait3A_77 : memref<1x1x2x128xi32, #tpu.memory_space<hbm>> -> memref<2x128xi32, #tpu.memory_space<hbm>>
      %dma_wait3A_79 = tpu.memref_slice %arg12[%rem3A_71] : memref<2x!tpu.dma_semaphore, #tpu.memory_space<semaphore_mem>> -> memref<1x!tpu.dma_semaphore, #tpu.memory_space<semaphore_mem>>
      %dma_wait3A_80 = tpu.memref_squeeze %dma_wait3A_79 : memref<1x!tpu.dma_semaphore, #tpu.memory_space<semaphore_mem>> -> memref<!tpu.dma_semaphore, #tpu.memory_space<semaphore_mem>>
      %dma_wait3A_81 = arith.constant 0 : i32
      %dma_wait3A_82 = arith.constant 0 : i32
      %dma_wait3A_83 = tpu.memref_slice %arg8[%rem3A_71, %dma_wait3A_81, %dma_wait3A_82] : memref<2x2x128xi32, #tpu.memory_space<vmem>> -> memref<1x2x128xi32, #tpu.memory_space<vmem>>
      %dma_wait3A_84 = tpu.memref_squeeze %dma_wait3A_83 : memref<1x2x128xi32, #tpu.memory_space<vmem>> -> memref<2x128xi32, #tpu.memory_space<vmem>>
      %dma_wait3A_85 = arith.constant 0 : i32
      %dma_wait3A_86 = arith.constant 0 : i32
      %dma_wait3A_87 = tpu.memref_slice %arg3[%arg1, %add3A_70, %dma_wait3A_85, %dma_wait3A_86] : memref<16x80x2x128xi32, #tpu.memory_space<hbm>> -> memref<1x1x2x128xi32, #tpu.memory_space<hbm>>
      %dma_wait3A_88 = tpu.memref_squeeze %dma_wait3A_87 : memref<1x1x2x128xi32, #tpu.memory_space<hbm>> -> memref<2x128xi32, #tpu.memory_space<hbm>>
      tpu.wait_dma2 semaphore(%dma_wait3A_80 : memref<!tpu.dma_semaphore, #tpu.memory_space<semaphore_mem>>) src(%dma_wait3A_88 : memref<2x128xi32, #tpu.memory_space<hbm>>) dst(%dma_wait3A_84 : memref<2x128xi32, #tpu.memory_space<vmem>>)
      %mul3A_89 = arith.constant 2 : i32
      %mul3A_90 = arith.muli %add3A_70, %mul3A_89 : i32
      %add3A_91 = arith.constant 0 : i32
      %add3A_92 = arith.addi %mul3A_90, %add3A_91 : i32
      %dma_wait3A_93 = arith.constant 0 : i32
      %dma_wait3A_94 = arith.constant 0 : i32
      %dma_wait3A_95 = arith.constant 0 : i32
      %dma_wait3A_96 = tpu.memref_slice %arg9[%rem3A_71, %dma_wait3A_93, %dma_wait3A_94, %dma_wait3A_95] : memref<2x2x128x128xf32, #tpu.memory_space<vmem>> -> memref<1x1x128x128xf32, #tpu.memory_space<vmem>>
      %dma_wait3A_97 = tpu.memref_squeeze %dma_wait3A_96 : memref<1x1x128x128xf32, #tpu.memory_space<vmem>> -> memref<128x128xf32, #tpu.memory_space<vmem>>
      %dma_wait3A_98 = arith.constant 0 : i32
      %dma_wait3A_99 = tpu.memref_slice %arg7[%add3A_92, %dma_wait3A_98] : memref<160x128xi32, #tpu.memory_space<vmem>> -> memref<1x128xi32, #tpu.memory_space<vmem>>
      %dma_wait3A_100 = tpu.memref_squeeze %dma_wait3A_99 : memref<1x128xi32, #tpu.memory_space<vmem>> -> memref<128xi32, #tpu.memory_space<vmem>>
      %dma_wait3A_101 = arith.constant 0 : i32
      %dma_wait3A_102 = arith.constant 0 : i32
      %dma_wait3A_103 = tpu.memref_slice %arg4[%dma_wait3A_101, %dma_wait3A_102] : memref<10240x128xf32, #tpu.memory_space<hbm>> -> memref<10240x128xf32, #tpu.memory_space<hbm>>
      %dma_wait3A_104 = tpu.memref_slice %arg11[%rem3A_71] : memref<2x!tpu.dma_semaphore, #tpu.memory_space<semaphore_mem>> -> memref<1x!tpu.dma_semaphore, #tpu.memory_space<semaphore_mem>>
      %dma_wait3A_105 = tpu.memref_squeeze %dma_wait3A_104 : memref<1x!tpu.dma_semaphore, #tpu.memory_space<semaphore_mem>> -> memref<!tpu.dma_semaphore, #tpu.memory_space<semaphore_mem>>
      tpu.wait_indirect_dma semaphore(%dma_wait3A_105 : memref<!tpu.dma_semaphore, #tpu.memory_space<semaphore_mem>>) src(%dma_wait3A_103 : memref<10240x128xf32, #tpu.memory_space<hbm>>) dst(%dma_wait3A_97 : memref<128x128xf32, #tpu.memory_space<vmem>>)
      %mul3A_106 = arith.constant 2 : i32
      %mul3A_107 = arith.muli %add3A_70, %mul3A_106 : i32
      %add3A_108 = arith.constant 1 : i32
      %add3A_109 = arith.addi %mul3A_107, %add3A_108 : i32
      %dma_wait3A_110 = arith.constant 1 : i32
      %dma_wait3A_111 = arith.constant 0 : i32
      %dma_wait3A_112 = arith.constant 0 : i32
      %dma_wait3A_113 = tpu.memref_slice %arg9[%rem3A_71, %dma_wait3A_110, %dma_wait3A_111, %dma_wait3A_112] : memref<2x2x128x128xf32, #tpu.memory_space<vmem>> -> memref<1x1x128x128xf32, #tpu.memory_space<vmem>>
      %dma_wait3A_114 = tpu.memref_squeeze %dma_wait3A_113 : memref<1x1x128x128xf32, #tpu.memory_space<vmem>> -> memref<128x128xf32, #tpu.memory_space<vmem>>
      %dma_wait3A_115 = arith.constant 0 : i32
      %dma_wait3A_116 = tpu.memref_slice %arg7[%add3A_109, %dma_wait3A_115] : memref<160x128xi32, #tpu.memory_space<vmem>> -> memref<1x128xi32, #tpu.memory_space<vmem>>
      %dma_wait3A_117 = tpu.memref_squeeze %dma_wait3A_116 : memref<1x128xi32, #tpu.memory_space<vmem>> -> memref<128xi32, #tpu.memory_space<vmem>>
      %dma_wait3A_118 = arith.constant 0 : i32
      %dma_wait3A_119 = arith.constant 0 : i32
      %dma_wait3A_120 = tpu.memref_slice %arg4[%dma_wait3A_118, %dma_wait3A_119] : memref<10240x128xf32, #tpu.memory_space<hbm>> -> memref<10240x128xf32, #tpu.memory_space<hbm>>
      %dma_wait3A_121 = tpu.memref_slice %arg11[%rem3A_71] : memref<2x!tpu.dma_semaphore, #tpu.memory_space<semaphore_mem>> -> memref<1x!tpu.dma_semaphore, #tpu.memory_space<semaphore_mem>>
      %dma_wait3A_122 = tpu.memref_squeeze %dma_wait3A_121 : memref<1x!tpu.dma_semaphore, #tpu.memory_space<semaphore_mem>> -> memref<!tpu.dma_semaphore, #tpu.memory_space<semaphore_mem>>
      tpu.wait_indirect_dma semaphore(%dma_wait3A_122 : memref<!tpu.dma_semaphore, #tpu.memory_space<semaphore_mem>>) src(%dma_wait3A_120 : memref<10240x128xf32, #tpu.memory_space<hbm>>) dst(%dma_wait3A_114 : memref<128x128xf32, #tpu.memory_space<vmem>>)
      %add3A_123 = arith.constant 1 : i32
      %add3A_124 = arith.addi %add3A_70, %add3A_123 : i32
      %lt3A = arith.constant 80 : i32
      %lt3A_125 = arith.cmpi slt, %add3A_124, %lt3A : i32
      %convert_element_type3A = arith.extui %lt3A_125 : i1 to i32
      %cond3A = arith.constant 0 : i32
      %cond3A_126 = arith.cmpi ne, %convert_element_type3A, %cond3A : i32
      scf.if %cond3A_126 {
        %add3A_522 = arith.constant 1 : i32
        %add3A_523 = arith.addi %add3A_70, %add3A_522 : i32
        %sub3A_524 = arith.constant 1 : i32
        %sub3A_525 = arith.subi %sub3A_524, %rem3A_71 : i32
        %dma_start3A_526 = arith.constant 0 : i32
        %dma_start3A_527 = arith.constant 0 : i32
        %dma_start3A_528 = tpu.memref_slice %arg8[%sub3A_525, %dma_start3A_526, %dma_start3A_527] : memref<2x2x128xi32, #tpu.memory_space<vmem>> -> memref<1x2x128xi32, #tpu.memory_space<vmem>>
        %dma_start3A_529 = tpu.memref_squeeze %dma_start3A_528 : memref<1x2x128xi32, #tpu.memory_space<vmem>> -> memref<2x128xi32, #tpu.memory_space<vmem>>
        %dma_start3A_530 = arith.constant 0 : i32
        %dma_start3A_531 = arith.constant 0 : i32
        %dma_start3A_532 = tpu.memref_slice %arg3[%arg1, %add3A_523, %dma_start3A_530, %dma_start3A_531] : memref<16x80x2x128xi32, #tpu.memory_space<hbm>> -> memref<1x1x2x128xi32, #tpu.memory_space<hbm>>
        %dma_start3A_533 = tpu.memref_squeeze %dma_start3A_532 : memref<1x1x2x128xi32, #tpu.memory_space<hbm>> -> memref<2x128xi32, #tpu.memory_space<hbm>>
        %dma_start3A_534 = tpu.memref_slice %arg12[%sub3A_525] : memref<2x!tpu.dma_semaphore, #tpu.memory_space<semaphore_mem>> -> memref<1x!tpu.dma_semaphore, #tpu.memory_space<semaphore_mem>>
        %dma_start3A_535 = tpu.memref_squeeze %dma_start3A_534 : memref<1x!tpu.dma_semaphore, #tpu.memory_space<semaphore_mem>> -> memref<!tpu.dma_semaphore, #tpu.memory_space<semaphore_mem>>
        %dma_start3A_536 = arith.constant 0 : i32
        %dma_start3A_537 = arith.constant 0 : i32
        %dma_start3A_538 = tpu.memref_slice %arg8[%sub3A_525, %dma_start3A_536, %dma_start3A_537] : memref<2x2x128xi32, #tpu.memory_space<vmem>> -> memref<1x2x128xi32, #tpu.memory_space<vmem>>
        %dma_start3A_539 = tpu.memref_squeeze %dma_start3A_538 : memref<1x2x128xi32, #tpu.memory_space<vmem>> -> memref<2x128xi32, #tpu.memory_space<vmem>>
        %dma_start3A_540 = arith.constant 0 : i32
        %dma_start3A_541 = arith.constant 0 : i32
        %dma_start3A_542 = tpu.memref_slice %arg3[%arg1, %add3A_523, %dma_start3A_540, %dma_start3A_541] : memref<16x80x2x128xi32, #tpu.memory_space<hbm>> -> memref<1x1x2x128xi32, #tpu.memory_space<hbm>>
        %dma_start3A_543 = tpu.memref_squeeze %dma_start3A_542 : memref<1x1x2x128xi32, #tpu.memory_space<hbm>> -> memref<2x128xi32, #tpu.memory_space<hbm>>
        tpu.enqueue_dma source(%dma_start3A_543 : memref<2x128xi32, #tpu.memory_space<hbm>>) target(%dma_start3A_539 : memref<2x128xi32, #tpu.memory_space<vmem>>) target_semaphore(%dma_start3A_535 : memref<!tpu.dma_semaphore, #tpu.memory_space<semaphore_mem>>)
        %mul3A_544 = arith.constant 2 : i32
        %mul3A_545 = arith.muli %add3A_523, %mul3A_544 : i32
        %add3A_546 = arith.constant 0 : i32
        %add3A_547 = arith.addi %mul3A_545, %add3A_546 : i32
        %dma_start3A_548 = arith.constant 0 : i32
        %dma_start3A_549 = arith.constant 0 : i32
        %dma_start3A_550 = arith.constant 0 : i32
        %dma_start3A_551 = tpu.memref_slice %arg9[%sub3A_525, %dma_start3A_548, %dma_start3A_549, %dma_start3A_550] : memref<2x2x128x128xf32, #tpu.memory_space<vmem>> -> memref<1x1x128x128xf32, #tpu.memory_space<vmem>>
        %dma_start3A_552 = tpu.memref_squeeze %dma_start3A_551 : memref<1x1x128x128xf32, #tpu.memory_space<vmem>> -> memref<128x128xf32, #tpu.memory_space<vmem>>
        %dma_start3A_553 = arith.constant 0 : i32
        %dma_start3A_554 = tpu.memref_slice %arg7[%add3A_547, %dma_start3A_553] : memref<160x128xi32, #tpu.memory_space<vmem>> -> memref<1x128xi32, #tpu.memory_space<vmem>>
        %dma_start3A_555 = tpu.memref_squeeze %dma_start3A_554 : memref<1x128xi32, #tpu.memory_space<vmem>> -> memref<128xi32, #tpu.memory_space<vmem>>
        %dma_start3A_556 = arith.constant 0 : i32
        %dma_start3A_557 = arith.constant 0 : i32
        %dma_start3A_558 = tpu.memref_slice %arg4[%dma_start3A_556, %dma_start3A_557] : memref<10240x128xf32, #tpu.memory_space<hbm>> -> memref<10240x128xf32, #tpu.memory_space<hbm>>
        %dma_start3A_559 = tpu.memref_slice %arg11[%sub3A_525] : memref<2x!tpu.dma_semaphore, #tpu.memory_space<semaphore_mem>> -> memref<1x!tpu.dma_semaphore, #tpu.memory_space<semaphore_mem>>
        %dma_start3A_560 = tpu.memref_squeeze %dma_start3A_559 : memref<1x!tpu.dma_semaphore, #tpu.memory_space<semaphore_mem>> -> memref<!tpu.dma_semaphore, #tpu.memory_space<semaphore_mem>>
        tpu.enqueue_indirect_dma source(%dma_start3A_558 : memref<10240x128xf32, #tpu.memory_space<hbm>>) target(%dma_start3A_552 : memref<128x128xf32, #tpu.memory_space<vmem>>) offsets(%dma_start3A_555 : memref<128xi32, #tpu.memory_space<vmem>>) semaphore(%dma_start3A_560 : memref<!tpu.dma_semaphore, #tpu.memory_space<semaphore_mem>>)
        %mul3A_561 = arith.constant 2 : i32
        %mul3A_562 = arith.muli %add3A_523, %mul3A_561 : i32
        %add3A_563 = arith.constant 1 : i32
        %add3A_564 = arith.addi %mul3A_562, %add3A_563 : i32
        %dma_start3A_565 = arith.constant 1 : i32
        %dma_start3A_566 = arith.constant 0 : i32
        %dma_start3A_567 = arith.constant 0 : i32
        %dma_start3A_568 = tpu.memref_slice %arg9[%sub3A_525, %dma_start3A_565, %dma_start3A_566, %dma_start3A_567] : memref<2x2x128x128xf32, #tpu.memory_space<vmem>> -> memref<1x1x128x128xf32, #tpu.memory_space<vmem>>
        %dma_start3A_569 = tpu.memref_squeeze %dma_start3A_568 : memref<1x1x128x128xf32, #tpu.memory_space<vmem>> -> memref<128x128xf32, #tpu.memory_space<vmem>>
        %dma_start3A_570 = arith.constant 0 : i32
        %dma_start3A_571 = tpu.memref_slice %arg7[%add3A_564, %dma_start3A_570] : memref<160x128xi32, #tpu.memory_space<vmem>> -> memref<1x128xi32, #tpu.memory_space<vmem>>
        %dma_start3A_572 = tpu.memref_squeeze %dma_start3A_571 : memref<1x128xi32, #tpu.memory_space<vmem>> -> memref<128xi32, #tpu.memory_space<vmem>>
        %dma_start3A_573 = arith.constant 0 : i32
        %dma_start3A_574 = arith.constant 0 : i32
        %dma_start3A_575 = tpu.memref_slice %arg4[%dma_start3A_573, %dma_start3A_574] : memref<10240x128xf32, #tpu.memory_space<hbm>> -> memref<10240x128xf32, #tpu.memory_space<hbm>>
        %dma_start3A_576 = tpu.memref_slice %arg11[%sub3A_525] : memref<2x!tpu.dma_semaphore, #tpu.memory_space<semaphore_mem>> -> memref<1x!tpu.dma_semaphore, #tpu.memory_space<semaphore_mem>>
        %dma_start3A_577 = tpu.memref_squeeze %dma_start3A_576 : memref<1x!tpu.dma_semaphore, #tpu.memory_space<semaphore_mem>> -> memref<!tpu.dma_semaphore, #tpu.memory_space<semaphore_mem>>
        tpu.enqueue_indirect_dma source(%dma_start3A_575 : memref<10240x128xf32, #tpu.memory_space<hbm>>) target(%dma_start3A_569 : memref<128x128xf32, #tpu.memory_space<vmem>>) offsets(%dma_start3A_572 : memref<128xi32, #tpu.memory_space<vmem>>) semaphore(%dma_start3A_577 : memref<!tpu.dma_semaphore, #tpu.memory_space<semaphore_mem>>)
      } else {
      }
      %get3A = arith.constant 0 : i32
      %get3A_127 = arith.index_cast %rem3A_71 : i32 to index
      %get3A_128 = arith.index_cast %get3A : i32 to index
      %get3A_129 = arith.constant 0 : index
      %get3A_130 = tpu.vector_load %arg8[%get3A_127, %get3A_128, %get3A_129] {strides = array<i32>} : memref<2x2x128xi32, #tpu.memory_space<vmem>>, vector<1x1x16xi32>,
      %get3A_131 = vector.shape_cast %get3A_130 : vector<1x1x16xi32> to vector<16xi32>
      %sub3A = vector.broadcast %mul3A_2 : i32 to vector<16xi32>
      %sub3A_132 = arith.subi %get3A_131, %sub3A : vector<16xi32>
      %ge3A = arith.constant 0 : i32
      %ge3A_133 = vector.broadcast %ge3A : i32 to vector<16xi32>
      %ge3A_134 = arith.cmpi sge, %sub3A_132, %ge3A_133 : vector<16xi32>
      %lt3A_135 = arith.constant 5120 : i32
      %lt3A_136 = vector.broadcast %lt3A_135 : i32 to vector<16xi32>
      %lt3A_137 = arith.cmpi slt, %sub3A_132, %lt3A_136 : vector<16xi32>
      %and3A = arith.andi %ge3A_134, %lt3A_137 : vector<16xi1>
      %jit3A = arith.constant 5120 : i32
      %broadcast_in_dim3A = vector.broadcast %jit3A : i32 to vector<16xi32>
      %select_n3A = arith.select %and3A, %sub3A_132, %broadcast_in_dim3A : vector<16xi1>, vector<16xi32>
      %swap3A = arith.constant 0 : i32
      %swap3A_138 = arith.index_cast %rem3A_71 : i32 to index
      %swap3A_139 = arith.index_cast %swap3A : i32 to index
      %swap3A_140 = arith.constant 0 : index
      %swap3A_141 = tpu.vector_load %arg8[%swap3A_138, %swap3A_139, %swap3A_140] {strides = array<i32>} : memref<2x2x128xi32, #tpu.memory_space<vmem>>, vector<1x1x16xi32>,
      %swap3A_142 = vector.shape_cast %swap3A_141 : vector<1x1x16xi32> to vector<16xi32>
      %swap3A_143 = vector.shape_cast %select_n3A : vector<16xi32> to vector<1x1x16xi32>
      tpu.vector_store %arg8[%swap3A_138, %swap3A_139, %swap3A_140], %swap3A_143 {strides = array<i32>} : memref<2x2x128xi32, #tpu.memory_space<vmem>>, vector<1x1x16xi32>,
      %get3A_144 = arith.constant 0 : i32
      %get3A_145 = arith.index_cast %rem3A_71 : i32 to index
      %get3A_146 = arith.index_cast %get3A_144 : i32 to index
      %get3A_147 = arith.constant 16 : index
      %get3A_148 = tpu.vector_load %arg8[%get3A_145, %get3A_146, %get3A_147] {strides = array<i32>} : memref<2x2x128xi32, #tpu.memory_space<vmem>>, vector<1x1x16xi32>,
      %get3A_149 = vector.shape_cast %get3A_148 : vector<1x1x16xi32> to vector<16xi32>
      %sub3A_150 = vector.broadcast %mul3A_2 : i32 to vector<16xi32>
      %sub3A_151 = arith.subi %get3A_149, %sub3A_150 : vector<16xi32>
      %ge3A_152 = arith.constant 0 : i32
      %ge3A_153 = vector.broadcast %ge3A_152 : i32 to vector<16xi32>
      %ge3A_154 = arith.cmpi sge, %sub3A_151, %ge3A_153 : vector<16xi32>
      %lt3A_155 = arith.constant 5120 : i32
      %lt3A_156 = vector.broadcast %lt3A_155 : i32 to vector<16xi32>
      %lt3A_157 = arith.cmpi slt, %sub3A_151, %lt3A_156 : vector<16xi32>
      %and3A_158 = arith.andi %ge3A_154, %lt3A_157 : vector<16xi1>
      %jit3A_159 = arith.constant 5120 : i32
      %broadcast_in_dim3A_160 = vector.broadcast %jit3A_159 : i32 to vector<16xi32>
      %select_n3A_161 = arith.select %and3A_158, %sub3A_151, %broadcast_in_dim3A_160 : vector<16xi1>, vector<16xi32>
      %swap3A_162 = arith.constant 0 : i32
      %swap3A_163 = arith.index_cast %rem3A_71 : i32 to index
      %swap3A_164 = arith.index_cast %swap3A_162 : i32 to index
      %swap3A_165 = arith.constant 16 : index
      %swap3A_166 = tpu.vector_load %arg8[%swap3A_163, %swap3A_164, %swap3A_165] {strides = array<i32>} : memref<2x2x128xi32, #tpu.memory_space<vmem>>, vector<1x1x16xi32>,
      %swap3A_167 = vector.shape_cast %swap3A_166 : vector<1x1x16xi32> to vector<16xi32>
      %swap3A_168 = vector.shape_cast %select_n3A_161 : vector<16xi32> to vector<1x1x16xi32>
      tpu.vector_store %arg8[%swap3A_163, %swap3A_164, %swap3A_165], %swap3A_168 {strides = array<i32>} : memref<2x2x128xi32, #tpu.memory_space<vmem>>, vector<1x1x16xi32>,
      %get3A_169 = arith.constant 0 : i32
      %get3A_170 = arith.index_cast %rem3A_71 : i32 to index
      %get3A_171 = arith.index_cast %get3A_169 : i32 to index
      %get3A_172 = arith.constant 32 : index
      %get3A_173 = tpu.vector_load %arg8[%get3A_170, %get3A_171, %get3A_172] {strides = array<i32>} : memref<2x2x128xi32, #tpu.memory_space<vmem>>, vector<1x1x16xi32>,
      %get3A_174 = vector.shape_cast %get3A_173 : vector<1x1x16xi32> to vector<16xi32>
      %sub3A_175 = vector.broadcast %mul3A_2 : i32 to vector<16xi32>
      %sub3A_176 = arith.subi %get3A_174, %sub3A_175 : vector<16xi32>
      %ge3A_177 = arith.constant 0 : i32
      %ge3A_178 = vector.broadcast %ge3A_177 : i32 to vector<16xi32>
      %ge3A_179 = arith.cmpi sge, %sub3A_176, %ge3A_178 : vector<16xi32>
      %lt3A_180 = arith.constant 5120 : i32
      %lt3A_181 = vector.broadcast %lt3A_180 : i32 to vector<16xi32>
      %lt3A_182 = arith.cmpi slt, %sub3A_176, %lt3A_181 : vector<16xi32>
      %and3A_183 = arith.andi %ge3A_179, %lt3A_182 : vector<16xi1>
      %jit3A_184 = arith.constant 5120 : i32
      %broadcast_in_dim3A_185 = vector.broadcast %jit3A_184 : i32 to vector<16xi32>
      %select_n3A_186 = arith.select %and3A_183, %sub3A_176, %broadcast_in_dim3A_185 : vector<16xi1>, vector<16xi32>
      %swap3A_187 = arith.constant 0 : i32
      %swap3A_188 = arith.index_cast %rem3A_71 : i32 to index
      %swap3A_189 = arith.index_cast %swap3A_187 : i32 to index
      %swap3A_190 = arith.constant 32 : index
      %swap3A_191 = tpu.vector_load %arg8[%swap3A_188, %swap3A_189, %swap3A_190] {strides = array<i32>} : memref<2x2x128xi32, #tpu.memory_space<vmem>>, vector<1x1x16xi32>,
      %swap3A_192 = vector.shape_cast %swap3A_191 : vector<1x1x16xi32> to vector<16xi32>
      %swap3A_193 = vector.shape_cast %select_n3A_186 : vector<16xi32> to vector<1x1x16xi32>
      tpu.vector_store %arg8[%swap3A_188, %swap3A_189, %swap3A_190], %swap3A_193 {strides = array<i32>} : memref<2x2x128xi32, #tpu.memory_space<vmem>>, vector<1x1x16xi32>,
      %get3A_194 = arith.constant 0 : i32
      %get3A_195 = arith.index_cast %rem3A_71 : i32 to index
      %get3A_196 = arith.index_cast %get3A_194 : i32 to index
      %get3A_197 = arith.constant 48 : index
      %get3A_198 = tpu.vector_load %arg8[%get3A_195, %get3A_196, %get3A_197] {strides = array<i32>} : memref<2x2x128xi32, #tpu.memory_space<vmem>>, vector<1x1x16xi32>,
      %get3A_199 = vector.shape_cast %get3A_198 : vector<1x1x16xi32> to vector<16xi32>
      %sub3A_200 = vector.broadcast %mul3A_2 : i32 to vector<16xi32>
      %sub3A_201 = arith.subi %get3A_199, %sub3A_200 : vector<16xi32>
      %ge3A_202 = arith.constant 0 : i32
      %ge3A_203 = vector.broadcast %ge3A_202 : i32 to vector<16xi32>
      %ge3A_204 = arith.cmpi sge, %sub3A_201, %ge3A_203 : vector<16xi32>
      %lt3A_205 = arith.constant 5120 : i32
      %lt3A_206 = vector.broadcast %lt3A_205 : i32 to vector<16xi32>
      %lt3A_207 = arith.cmpi slt, %sub3A_201, %lt3A_206 : vector<16xi32>
      %and3A_208 = arith.andi %ge3A_204, %lt3A_207 : vector<16xi1>
      %jit3A_209 = arith.constant 5120 : i32
      %broadcast_in_dim3A_210 = vector.broadcast %jit3A_209 : i32 to vector<16xi32>
      %select_n3A_211 = arith.select %and3A_208, %sub3A_201, %broadcast_in_dim3A_210 : vector<16xi1>, vector<16xi32>
      %swap3A_212 = arith.constant 0 : i32
      %swap3A_213 = arith.index_cast %rem3A_71 : i32 to index
      %swap3A_214 = arith.index_cast %swap3A_212 : i32 to index
      %swap3A_215 = arith.constant 48 : index
      %swap3A_216 = tpu.vector_load %arg8[%swap3A_213, %swap3A_214, %swap3A_215] {strides = array<i32>} : memref<2x2x128xi32, #tpu.memory_space<vmem>>, vector<1x1x16xi32>,
      %swap3A_217 = vector.shape_cast %swap3A_216 : vector<1x1x16xi32> to vector<16xi32>
      %swap3A_218 = vector.shape_cast %select_n3A_211 : vector<16xi32> to vector<1x1x16xi32>
      tpu.vector_store %arg8[%swap3A_213, %swap3A_214, %swap3A_215], %swap3A_218 {strides = array<i32>} : memref<2x2x128xi32, #tpu.memory_space<vmem>>, vector<1x1x16xi32>,
      %get3A_219 = arith.constant 0 : i32
      %get3A_220 = arith.index_cast %rem3A_71 : i32 to index
      %get3A_221 = arith.index_cast %get3A_219 : i32 to index
      %get3A_222 = arith.constant 64 : index
      %get3A_223 = tpu.vector_load %arg8[%get3A_220, %get3A_221, %get3A_222] {strides = array<i32>} : memref<2x2x128xi32, #tpu.memory_space<vmem>>, vector<1x1x16xi32>,
      %get3A_224 = vector.shape_cast %get3A_223 : vector<1x1x16xi32> to vector<16xi32>
      %sub3A_225 = vector.broadcast %mul3A_2 : i32 to vector<16xi32>
      %sub3A_226 = arith.subi %get3A_224, %sub3A_225 : vector<16xi32>
      %ge3A_227 = arith.constant 0 : i32
      %ge3A_228 = vector.broadcast %ge3A_227 : i32 to vector<16xi32>
      %ge3A_229 = arith.cmpi sge, %sub3A_226, %ge3A_228 : vector<16xi32>
      %lt3A_230 = arith.constant 5120 : i32
      %lt3A_231 = vector.broadcast %lt3A_230 : i32 to vector<16xi32>
      %lt3A_232 = arith.cmpi slt, %sub3A_226, %lt3A_231 : vector<16xi32>
      %and3A_233 = arith.andi %ge3A_229, %lt3A_232 : vector<16xi1>
      %jit3A_234 = arith.constant 5120 : i32
      %broadcast_in_dim3A_235 = vector.broadcast %jit3A_234 : i32 to vector<16xi32>
      %select_n3A_236 = arith.select %and3A_233, %sub3A_226, %broadcast_in_dim3A_235 : vector<16xi1>, vector<16xi32>
      %swap3A_237 = arith.constant 0 : i32
      %swap3A_238 = arith.index_cast %rem3A_71 : i32 to index
      %swap3A_239 = arith.index_cast %swap3A_237 : i32 to index
      %swap3A_240 = arith.constant 64 : index
      %swap3A_241 = tpu.vector_load %arg8[%swap3A_238, %swap3A_239, %swap3A_240] {strides = array<i32>} : memref<2x2x128xi32, #tpu.memory_space<vmem>>, vector<1x1x16xi32>,
      %swap3A_242 = vector.shape_cast %swap3A_241 : vector<1x1x16xi32> to vector<16xi32>
      %swap3A_243 = vector.shape_cast %select_n3A_236 : vector<16xi32> to vector<1x1x16xi32>
      tpu.vector_store %arg8[%swap3A_238, %swap3A_239, %swap3A_240], %swap3A_243 {strides = array<i32>} : memref<2x2x128xi32, #tpu.memory_space<vmem>>, vector<1x1x16xi32>,
      %get3A_244 = arith.constant 0 : i32
      %get3A_245 = arith.index_cast %rem3A_71 : i32 to index
      %get3A_246 = arith.index_cast %get3A_244 : i32 to index
      %get3A_247 = arith.constant 80 : index
      %get3A_248 = tpu.vector_load %arg8[%get3A_245, %get3A_246, %get3A_247] {strides = array<i32>} : memref<2x2x128xi32, #tpu.memory_space<vmem>>, vector<1x1x16xi32>,
      %get3A_249 = vector.shape_cast %get3A_248 : vector<1x1x16xi32> to vector<16xi32>
      %sub3A_250 = vector.broadcast %mul3A_2 : i32 to vector<16xi32>
      %sub3A_251 = arith.subi %get3A_249, %sub3A_250 : vector<16xi32>
      %ge3A_252 = arith.constant 0 : i32
      %ge3A_253 = vector.broadcast %ge3A_252 : i32 to vector<16xi32>
      %ge3A_254 = arith.cmpi sge, %sub3A_251, %ge3A_253 : vector<16xi32>
      %lt3A_255 = arith.constant 5120 : i32
      %lt3A_256 = vector.broadcast %lt3A_255 : i32 to vector<16xi32>
      %lt3A_257 = arith.cmpi slt, %sub3A_251, %lt3A_256 : vector<16xi32>
      %and3A_258 = arith.andi %ge3A_254, %lt3A_257 : vector<16xi1>
      %jit3A_259 = arith.constant 5120 : i32
      %broadcast_in_dim3A_260 = vector.broadcast %jit3A_259 : i32 to vector<16xi32>
      %select_n3A_261 = arith.select %and3A_258, %sub3A_251, %broadcast_in_dim3A_260 : vector<16xi1>, vector<16xi32>
      %swap3A_262 = arith.constant 0 : i32
      %swap3A_263 = arith.index_cast %rem3A_71 : i32 to index
      %swap3A_264 = arith.index_cast %swap3A_262 : i32 to index
      %swap3A_265 = arith.constant 80 : index
      %swap3A_266 = tpu.vector_load %arg8[%swap3A_263, %swap3A_264, %swap3A_265] {strides = array<i32>} : memref<2x2x128xi32, #tpu.memory_space<vmem>>, vector<1x1x16xi32>,
      %swap3A_267 = vector.shape_cast %swap3A_266 : vector<1x1x16xi32> to vector<16xi32>
      %swap3A_268 = vector.shape_cast %select_n3A_261 : vector<16xi32> to vector<1x1x16xi32>
      tpu.vector_store %arg8[%swap3A_263, %swap3A_264, %swap3A_265], %swap3A_268 {strides = array<i32>} : memref<2x2x128xi32, #tpu.memory_space<vmem>>, vector<1x1x16xi32>,
      %get3A_269 = arith.constant 0 : i32
      %get3A_270 = arith.index_cast %rem3A_71 : i32 to index
      %get3A_271 = arith.index_cast %get3A_269 : i32 to index
      %get3A_272 = arith.constant 96 : index
      %get3A_273 = tpu.vector_load %arg8[%get3A_270, %get3A_271, %get3A_272] {strides = array<i32>} : memref<2x2x128xi32, #tpu.memory_space<vmem>>, vector<1x1x16xi32>,
      %get3A_274 = vector.shape_cast %get3A_273 : vector<1x1x16xi32> to vector<16xi32>
      %sub3A_275 = vector.broadcast %mul3A_2 : i32 to vector<16xi32>
      %sub3A_276 = arith.subi %get3A_274, %sub3A_275 : vector<16xi32>
      %ge3A_277 = arith.constant 0 : i32
      %ge3A_278 = vector.broadcast %ge3A_277 : i32 to vector<16xi32>
      %ge3A_279 = arith.cmpi sge, %sub3A_276, %ge3A_278 : vector<16xi32>
      %lt3A_280 = arith.constant 5120 : i32
      %lt3A_281 = vector.broadcast %lt3A_280 : i32 to vector<16xi32>
      %lt3A_282 = arith.cmpi slt, %sub3A_276, %lt3A_281 : vector<16xi32>
      %and3A_283 = arith.andi %ge3A_279, %lt3A_282 : vector<16xi1>
      %jit3A_284 = arith.constant 5120 : i32
      %broadcast_in_dim3A_285 = vector.broadcast %jit3A_284 : i32 to vector<16xi32>
      %select_n3A_286 = arith.select %and3A_283, %sub3A_276, %broadcast_in_dim3A_285 : vector<16xi1>, vector<16xi32>
      %swap3A_287 = arith.constant 0 : i32
      %swap3A_288 = arith.index_cast %rem3A_71 : i32 to index
      %swap3A_289 = arith.index_cast %swap3A_287 : i32 to index
      %swap3A_290 = arith.constant 96 : index
      %swap3A_291 = tpu.vector_load %arg8[%swap3A_288, %swap3A_289, %swap3A_290] {strides = array<i32>} : memref<2x2x128xi32, #tpu.memory_space<vmem>>, vector<1x1x16xi32>,
      %swap3A_292 = vector.shape_cast %swap3A_291 : vector<1x1x16xi32> to vector<16xi32>
      %swap3A_293 = vector.shape_cast %select_n3A_286 : vector<16xi32> to vector<1x1x16xi32>
      tpu.vector_store %arg8[%swap3A_288, %swap3A_289, %swap3A_290], %swap3A_293 {strides = array<i32>} : memref<2x2x128xi32, #tpu.memory_space<vmem>>, vector<1x1x16xi32>,
      %get3A_294 = arith.constant 0 : i32
      %get3A_295 = arith.index_cast %rem3A_71 : i32 to index
      %get3A_296 = arith.index_cast %get3A_294 : i32 to index
      %get3A_297 = arith.constant 112 : index
      %get3A_298 = tpu.vector_load %arg8[%get3A_295, %get3A_296, %get3A_297] {strides = array<i32>} : memref<2x2x128xi32, #tpu.memory_space<vmem>>, vector<1x1x16xi32>,
      %get3A_299 = vector.shape_cast %get3A_298 : vector<1x1x16xi32> to vector<16xi32>
      %sub3A_300 = vector.broadcast %mul3A_2 : i32 to vector<16xi32>
      %sub3A_301 = arith.subi %get3A_299, %sub3A_300 : vector<16xi32>
      %ge3A_302 = arith.constant 0 : i32
      %ge3A_303 = vector.broadcast %ge3A_302 : i32 to vector<16xi32>
      %ge3A_304 = arith.cmpi sge, %sub3A_301, %ge3A_303 : vector<16xi32>
      %lt3A_305 = arith.constant 5120 : i32
      %lt3A_306 = vector.broadcast %lt3A_305 : i32 to vector<16xi32>
      %lt3A_307 = arith.cmpi slt, %sub3A_301, %lt3A_306 : vector<16xi32>
      %and3A_308 = arith.andi %ge3A_304, %lt3A_307 : vector<16xi1>
      %jit3A_309 = arith.constant 5120 : i32
      %broadcast_in_dim3A_310 = vector.broadcast %jit3A_309 : i32 to vector<16xi32>
      %select_n3A_311 = arith.select %and3A_308, %sub3A_301, %broadcast_in_dim3A_310 : vector<16xi1>, vector<16xi32>
      %swap3A_312 = arith.constant 0 : i32
      %swap3A_313 = arith.index_cast %rem3A_71 : i32 to index
      %swap3A_314 = arith.index_cast %swap3A_312 : i32 to index
      %swap3A_315 = arith.constant 112 : index
      %swap3A_316 = tpu.vector_load %arg8[%swap3A_313, %swap3A_314, %swap3A_315] {strides = array<i32>} : memref<2x2x128xi32, #tpu.memory_space<vmem>>, vector<1x1x16xi32>,
      %swap3A_317 = vector.shape_cast %swap3A_316 : vector<1x1x16xi32> to vector<16xi32>
      %swap3A_318 = vector.shape_cast %select_n3A_311 : vector<16xi32> to vector<1x1x16xi32>
      tpu.vector_store %arg8[%swap3A_313, %swap3A_314, %swap3A_315], %swap3A_318 {strides = array<i32>} : memref<2x2x128xi32, #tpu.memory_space<vmem>>, vector<1x1x16xi32>,
      %get3A_319 = arith.constant 1 : i32
      %get3A_320 = arith.index_cast %rem3A_71 : i32 to index
      %get3A_321 = arith.index_cast %get3A_319 : i32 to index
      %get3A_322 = arith.constant 0 : index
      %get3A_323 = tpu.vector_load %arg8[%get3A_320, %get3A_321, %get3A_322] {strides = array<i32>} : memref<2x2x128xi32, #tpu.memory_space<vmem>>, vector<1x1x16xi32>,
      %get3A_324 = vector.shape_cast %get3A_323 : vector<1x1x16xi32> to vector<16xi32>
      %sub3A_325 = vector.broadcast %mul3A_2 : i32 to vector<16xi32>
      %sub3A_326 = arith.subi %get3A_324, %sub3A_325 : vector<16xi32>
      %ge3A_327 = arith.constant 0 : i32
      %ge3A_328 = vector.broadcast %ge3A_327 : i32 to vector<16xi32>
      %ge3A_329 = arith.cmpi sge, %sub3A_326, %ge3A_328 : vector<16xi32>
      %lt3A_330 = arith.constant 5120 : i32
      %lt3A_331 = vector.broadcast %lt3A_330 : i32 to vector<16xi32>
      %lt3A_332 = arith.cmpi slt, %sub3A_326, %lt3A_331 : vector<16xi32>
      %and3A_333 = arith.andi %ge3A_329, %lt3A_332 : vector<16xi1>
      %jit3A_334 = arith.constant 5120 : i32
      %broadcast_in_dim3A_335 = vector.broadcast %jit3A_334 : i32 to vector<16xi32>
      %select_n3A_336 = arith.select %and3A_333, %sub3A_326, %broadcast_in_dim3A_335 : vector<16xi1>, vector<16xi32>
      %swap3A_337 = arith.constant 1 : i32
      %swap3A_338 = arith.index_cast %rem3A_71 : i32 to index
      %swap3A_339 = arith.index_cast %swap3A_337 : i32 to index
      %swap3A_340 = arith.constant 0 : index
      %swap3A_341 = tpu.vector_load %arg8[%swap3A_338, %swap3A_339, %swap3A_340] {strides = array<i32>} : memref<2x2x128xi32, #tpu.memory_space<vmem>>, vector<1x1x16xi32>,
      %swap3A_342 = vector.shape_cast %swap3A_341 : vector<1x1x16xi32> to vector<16xi32>
      %swap3A_343 = vector.shape_cast %select_n3A_336 : vector<16xi32> to vector<1x1x16xi32>
      tpu.vector_store %arg8[%swap3A_338, %swap3A_339, %swap3A_340], %swap3A_343 {strides = array<i32>} : memref<2x2x128xi32, #tpu.memory_space<vmem>>, vector<1x1x16xi32>,
      %get3A_344 = arith.constant 1 : i32
      %get3A_345 = arith.index_cast %rem3A_71 : i32 to index
      %get3A_346 = arith.index_cast %get3A_344 : i32 to index
      %get3A_347 = arith.constant 16 : index
      %get3A_348 = tpu.vector_load %arg8[%get3A_345, %get3A_346, %get3A_347] {strides = array<i32>} : memref<2x2x128xi32, #tpu.memory_space<vmem>>, vector<1x1x16xi32>,
      %get3A_349 = vector.shape_cast %get3A_348 : vector<1x1x16xi32> to vector<16xi32>
      %sub3A_350 = vector.broadcast %mul3A_2 : i32 to vector<16xi32>
      %sub3A_351 = arith.subi %get3A_349, %sub3A_350 : vector<16xi32>
      %ge3A_352 = arith.constant 0 : i32
      %ge3A_353 = vector.broadcast %ge3A_352 : i32 to vector<16xi32>
      %ge3A_354 = arith.cmpi sge, %sub3A_351, %ge3A_353 : vector<16xi32>
      %lt3A_355 = arith.constant 5120 : i32
      %lt3A_356 = vector.broadcast %lt3A_355 : i32 to vector<16xi32>
      %lt3A_357 = arith.cmpi slt, %sub3A_351, %lt3A_356 : vector<16xi32>
      %and3A_358 = arith.andi %ge3A_354, %lt3A_357 : vector<16xi1>
      %jit3A_359 = arith.constant 5120 : i32
      %broadcast_in_dim3A_360 = vector.broadcast %jit3A_359 : i32 to vector<16xi32>
      %select_n3A_361 = arith.select %and3A_358, %sub3A_351, %broadcast_in_dim3A_360 : vector<16xi1>, vector<16xi32>
      %swap3A_362 = arith.constant 1 : i32
      %swap3A_363 = arith.index_cast %rem3A_71 : i32 to index
      %swap3A_364 = arith.index_cast %swap3A_362 : i32 to index
      %swap3A_365 = arith.constant 16 : index
      %swap3A_366 = tpu.vector_load %arg8[%swap3A_363, %swap3A_364, %swap3A_365] {strides = array<i32>} : memref<2x2x128xi32, #tpu.memory_space<vmem>>, vector<1x1x16xi32>,
      %swap3A_367 = vector.shape_cast %swap3A_366 : vector<1x1x16xi32> to vector<16xi32>
      %swap3A_368 = vector.shape_cast %select_n3A_361 : vector<16xi32> to vector<1x1x16xi32>
      tpu.vector_store %arg8[%swap3A_363, %swap3A_364, %swap3A_365], %swap3A_368 {strides = array<i32>} : memref<2x2x128xi32, #tpu.memory_space<vmem>>, vector<1x1x16xi32>,
      %get3A_369 = arith.constant 1 : i32
      %get3A_370 = arith.index_cast %rem3A_71 : i32 to index
      %get3A_371 = arith.index_cast %get3A_369 : i32 to index
      %get3A_372 = arith.constant 32 : index
      %get3A_373 = tpu.vector_load %arg8[%get3A_370, %get3A_371, %get3A_372] {strides = array<i32>} : memref<2x2x128xi32, #tpu.memory_space<vmem>>, vector<1x1x16xi32>,
      %get3A_374 = vector.shape_cast %get3A_373 : vector<1x1x16xi32> to vector<16xi32>
      %sub3A_375 = vector.broadcast %mul3A_2 : i32 to vector<16xi32>
      %sub3A_376 = arith.subi %get3A_374, %sub3A_375 : vector<16xi32>
      %ge3A_377 = arith.constant 0 : i32
      %ge3A_378 = vector.broadcast %ge3A_377 : i32 to vector<16xi32>
      %ge3A_379 = arith.cmpi sge, %sub3A_376, %ge3A_378 : vector<16xi32>
      %lt3A_380 = arith.constant 5120 : i32
      %lt3A_381 = vector.broadcast %lt3A_380 : i32 to vector<16xi32>
      %lt3A_382 = arith.cmpi slt, %sub3A_376, %lt3A_381 : vector<16xi32>
      %and3A_383 = arith.andi %ge3A_379, %lt3A_382 : vector<16xi1>
      %jit3A_384 = arith.constant 5120 : i32
      %broadcast_in_dim3A_385 = vector.broadcast %jit3A_384 : i32 to vector<16xi32>
      %select_n3A_386 = arith.select %and3A_383, %sub3A_376, %broadcast_in_dim3A_385 : vector<16xi1>, vector<16xi32>
      %swap3A_387 = arith.constant 1 : i32
      %swap3A_388 = arith.index_cast %rem3A_71 : i32 to index
      %swap3A_389 = arith.index_cast %swap3A_387 : i32 to index
      %swap3A_390 = arith.constant 32 : index
      %swap3A_391 = tpu.vector_load %arg8[%swap3A_388, %swap3A_389, %swap3A_390] {strides = array<i32>} : memref<2x2x128xi32, #tpu.memory_space<vmem>>, vector<1x1x16xi32>,
      %swap3A_392 = vector.shape_cast %swap3A_391 : vector<1x1x16xi32> to vector<16xi32>
      %swap3A_393 = vector.shape_cast %select_n3A_386 : vector<16xi32> to vector<1x1x16xi32>
      tpu.vector_store %arg8[%swap3A_388, %swap3A_389, %swap3A_390], %swap3A_393 {strides = array<i32>} : memref<2x2x128xi32, #tpu.memory_space<vmem>>, vector<1x1x16xi32>,
      %get3A_394 = arith.constant 1 : i32
      %get3A_395 = arith.index_cast %rem3A_71 : i32 to index
      %get3A_396 = arith.index_cast %get3A_394 : i32 to index
      %get3A_397 = arith.constant 48 : index
      %get3A_398 = tpu.vector_load %arg8[%get3A_395, %get3A_396, %get3A_397] {strides = array<i32>} : memref<2x2x128xi32, #tpu.memory_space<vmem>>, vector<1x1x16xi32>,
      %get3A_399 = vector.shape_cast %get3A_398 : vector<1x1x16xi32> to vector<16xi32>
      %sub3A_400 = vector.broadcast %mul3A_2 : i32 to vector<16xi32>
      %sub3A_401 = arith.subi %get3A_399, %sub3A_400 : vector<16xi32>
      %ge3A_402 = arith.constant 0 : i32
      %ge3A_403 = vector.broadcast %ge3A_402 : i32 to vector<16xi32>
      %ge3A_404 = arith.cmpi sge, %sub3A_401, %ge3A_403 : vector<16xi32>
      %lt3A_405 = arith.constant 5120 : i32
      %lt3A_406 = vector.broadcast %lt3A_405 : i32 to vector<16xi32>
      %lt3A_407 = arith.cmpi slt, %sub3A_401, %lt3A_406 : vector<16xi32>
      %and3A_408 = arith.andi %ge3A_404, %lt3A_407 : vector<16xi1>
      %jit3A_409 = arith.constant 5120 : i32
      %broadcast_in_dim3A_410 = vector.broadcast %jit3A_409 : i32 to vector<16xi32>
      %select_n3A_411 = arith.select %and3A_408, %sub3A_401, %broadcast_in_dim3A_410 : vector<16xi1>, vector<16xi32>
      %swap3A_412 = arith.constant 1 : i32
      %swap3A_413 = arith.index_cast %rem3A_71 : i32 to index
      %swap3A_414 = arith.index_cast %swap3A_412 : i32 to index
      %swap3A_415 = arith.constant 48 : index
      %swap3A_416 = tpu.vector_load %arg8[%swap3A_413, %swap3A_414, %swap3A_415] {strides = array<i32>} : memref<2x2x128xi32, #tpu.memory_space<vmem>>, vector<1x1x16xi32>,
      %swap3A_417 = vector.shape_cast %swap3A_416 : vector<1x1x16xi32> to vector<16xi32>
      %swap3A_418 = vector.shape_cast %select_n3A_411 : vector<16xi32> to vector<1x1x16xi32>
      tpu.vector_store %arg8[%swap3A_413, %swap3A_414, %swap3A_415], %swap3A_418 {strides = array<i32>} : memref<2x2x128xi32, #tpu.memory_space<vmem>>, vector<1x1x16xi32>,
      %get3A_419 = arith.constant 1 : i32
      %get3A_420 = arith.index_cast %rem3A_71 : i32 to index
      %get3A_421 = arith.index_cast %get3A_419 : i32 to index
      %get3A_422 = arith.constant 64 : index
      %get3A_423 = tpu.vector_load %arg8[%get3A_420, %get3A_421, %get3A_422] {strides = array<i32>} : memref<2x2x128xi32, #tpu.memory_space<vmem>>, vector<1x1x16xi32>,
      %get3A_424 = vector.shape_cast %get3A_423 : vector<1x1x16xi32> to vector<16xi32>
      %sub3A_425 = vector.broadcast %mul3A_2 : i32 to vector<16xi32>
      %sub3A_426 = arith.subi %get3A_424, %sub3A_425 : vector<16xi32>
      %ge3A_427 = arith.constant 0 : i32
      %ge3A_428 = vector.broadcast %ge3A_427 : i32 to vector<16xi32>
      %ge3A_429 = arith.cmpi sge, %sub3A_426, %ge3A_428 : vector<16xi32>
      %lt3A_430 = arith.constant 5120 : i32
      %lt3A_431 = vector.broadcast %lt3A_430 : i32 to vector<16xi32>
      %lt3A_432 = arith.cmpi slt, %sub3A_426, %lt3A_431 : vector<16xi32>
      %and3A_433 = arith.andi %ge3A_429, %lt3A_432 : vector<16xi1>
      %jit3A_434 = arith.constant 5120 : i32
      %broadcast_in_dim3A_435 = vector.broadcast %jit3A_434 : i32 to vector<16xi32>
      %select_n3A_436 = arith.select %and3A_433, %sub3A_426, %broadcast_in_dim3A_435 : vector<16xi1>, vector<16xi32>
      %swap3A_437 = arith.constant 1 : i32
      %swap3A_438 = arith.index_cast %rem3A_71 : i32 to index
      %swap3A_439 = arith.index_cast %swap3A_437 : i32 to index
      %swap3A_440 = arith.constant 64 : index
      %swap3A_441 = tpu.vector_load %arg8[%swap3A_438, %swap3A_439, %swap3A_440] {strides = array<i32>} : memref<2x2x128xi32, #tpu.memory_space<vmem>>, vector<1x1x16xi32>,
      %swap3A_442 = vector.shape_cast %swap3A_441 : vector<1x1x16xi32> to vector<16xi32>
      %swap3A_443 = vector.shape_cast %select_n3A_436 : vector<16xi32> to vector<1x1x16xi32>
      tpu.vector_store %arg8[%swap3A_438, %swap3A_439, %swap3A_440], %swap3A_443 {strides = array<i32>} : memref<2x2x128xi32, #tpu.memory_space<vmem>>, vector<1x1x16xi32>,
      %get3A_444 = arith.constant 1 : i32
      %get3A_445 = arith.index_cast %rem3A_71 : i32 to index
      %get3A_446 = arith.index_cast %get3A_444 : i32 to index
      %get3A_447 = arith.constant 80 : index
      %get3A_448 = tpu.vector_load %arg8[%get3A_445, %get3A_446, %get3A_447] {strides = array<i32>} : memref<2x2x128xi32, #tpu.memory_space<vmem>>, vector<1x1x16xi32>,
      %get3A_449 = vector.shape_cast %get3A_448 : vector<1x1x16xi32> to vector<16xi32>
      %sub3A_450 = vector.broadcast %mul3A_2 : i32 to vector<16xi32>
      %sub3A_451 = arith.subi %get3A_449, %sub3A_450 : vector<16xi32>
      %ge3A_452 = arith.constant 0 : i32
      %ge3A_453 = vector.broadcast %ge3A_452 : i32 to vector<16xi32>
      %ge3A_454 = arith.cmpi sge, %sub3A_451, %ge3A_453 : vector<16xi32>
      %lt3A_455 = arith.constant 5120 : i32
      %lt3A_456 = vector.broadcast %lt3A_455 : i32 to vector<16xi32>
      %lt3A_457 = arith.cmpi slt, %sub3A_451, %lt3A_456 : vector<16xi32>
      %and3A_458 = arith.andi %ge3A_454, %lt3A_457 : vector<16xi1>
      %jit3A_459 = arith.constant 5120 : i32
      %broadcast_in_dim3A_460 = vector.broadcast %jit3A_459 : i32 to vector<16xi32>
      %select_n3A_461 = arith.select %and3A_458, %sub3A_451, %broadcast_in_dim3A_460 : vector<16xi1>, vector<16xi32>
      %swap3A_462 = arith.constant 1 : i32
      %swap3A_463 = arith.index_cast %rem3A_71 : i32 to index
      %swap3A_464 = arith.index_cast %swap3A_462 : i32 to index
      %swap3A_465 = arith.constant 80 : index
      %swap3A_466 = tpu.vector_load %arg8[%swap3A_463, %swap3A_464, %swap3A_465] {strides = array<i32>} : memref<2x2x128xi32, #tpu.memory_space<vmem>>, vector<1x1x16xi32>,
      %swap3A_467 = vector.shape_cast %swap3A_466 : vector<1x1x16xi32> to vector<16xi32>
      %swap3A_468 = vector.shape_cast %select_n3A_461 : vector<16xi32> to vector<1x1x16xi32>
      tpu.vector_store %arg8[%swap3A_463, %swap3A_464, %swap3A_465], %swap3A_468 {strides = array<i32>} : memref<2x2x128xi32, #tpu.memory_space<vmem>>, vector<1x1x16xi32>,
      %get3A_469 = arith.constant 1 : i32
      %get3A_470 = arith.index_cast %rem3A_71 : i32 to index
      %get3A_471 = arith.index_cast %get3A_469 : i32 to index
      %get3A_472 = arith.constant 96 : index
      %get3A_473 = tpu.vector_load %arg8[%get3A_470, %get3A_471, %get3A_472] {strides = array<i32>} : memref<2x2x128xi32, #tpu.memory_space<vmem>>, vector<1x1x16xi32>,
      %get3A_474 = vector.shape_cast %get3A_473 : vector<1x1x16xi32> to vector<16xi32>
      %sub3A_475 = vector.broadcast %mul3A_2 : i32 to vector<16xi32>
      %sub3A_476 = arith.subi %get3A_474, %sub3A_475 : vector<16xi32>
      %ge3A_477 = arith.constant 0 : i32
      %ge3A_478 = vector.broadcast %ge3A_477 : i32 to vector<16xi32>
      %ge3A_479 = arith.cmpi sge, %sub3A_476, %ge3A_478 : vector<16xi32>
      %lt3A_480 = arith.constant 5120 : i32
      %lt3A_481 = vector.broadcast %lt3A_480 : i32 to vector<16xi32>
      %lt3A_482 = arith.cmpi slt, %sub3A_476, %lt3A_481 : vector<16xi32>
      %and3A_483 = arith.andi %ge3A_479, %lt3A_482 : vector<16xi1>
      %jit3A_484 = arith.constant 5120 : i32
      %broadcast_in_dim3A_485 = vector.broadcast %jit3A_484 : i32 to vector<16xi32>
      %select_n3A_486 = arith.select %and3A_483, %sub3A_476, %broadcast_in_dim3A_485 : vector<16xi1>, vector<16xi32>
      %swap3A_487 = arith.constant 1 : i32
      %swap3A_488 = arith.index_cast %rem3A_71 : i32 to index
      %swap3A_489 = arith.index_cast %swap3A_487 : i32 to index
      %swap3A_490 = arith.constant 96 : index
      %swap3A_491 = tpu.vector_load %arg8[%swap3A_488, %swap3A_489, %swap3A_490] {strides = array<i32>} : memref<2x2x128xi32, #tpu.memory_space<vmem>>, vector<1x1x16xi32>,
      %swap3A_492 = vector.shape_cast %swap3A_491 : vector<1x1x16xi32> to vector<16xi32>
      %swap3A_493 = vector.shape_cast %select_n3A_486 : vector<16xi32> to vector<1x1x16xi32>
      tpu.vector_store %arg8[%swap3A_488, %swap3A_489, %swap3A_490], %swap3A_493 {strides = array<i32>} : memref<2x2x128xi32, #tpu.memory_space<vmem>>, vector<1x1x16xi32>,
      %get3A_494 = arith.constant 1 : i32
      %get3A_495 = arith.index_cast %rem3A_71 : i32 to index
      %get3A_496 = arith.index_cast %get3A_494 : i32 to index
      %get3A_497 = arith.constant 112 : index
      %get3A_498 = tpu.vector_load %arg8[%get3A_495, %get3A_496, %get3A_497] {strides = array<i32>} : memref<2x2x128xi32, #tpu.memory_space<vmem>>, vector<1x1x16xi32>,
      %get3A_499 = vector.shape_cast %get3A_498 : vector<1x1x16xi32> to vector<16xi32>
      %sub3A_500 = vector.broadcast %mul3A_2 : i32 to vector<16xi32>
      %sub3A_501 = arith.subi %get3A_499, %sub3A_500 : vector<16xi32>
      %ge3A_502 = arith.constant 0 : i32
      %ge3A_503 = vector.broadcast %ge3A_502 : i32 to vector<16xi32>
      %ge3A_504 = arith.cmpi sge, %sub3A_501, %ge3A_503 : vector<16xi32>
      %lt3A_505 = arith.constant 5120 : i32
      %lt3A_506 = vector.broadcast %lt3A_505 : i32 to vector<16xi32>
      %lt3A_507 = arith.cmpi slt, %sub3A_501, %lt3A_506 : vector<16xi32>
      %and3A_508 = arith.andi %ge3A_504, %lt3A_507 : vector<16xi1>
      %jit3A_509 = arith.constant 5120 : i32
      %broadcast_in_dim3A_510 = vector.broadcast %jit3A_509 : i32 to vector<16xi32>
      %select_n3A_511 = arith.select %and3A_508, %sub3A_501, %broadcast_in_dim3A_510 : vector<16xi1>, vector<16xi32>
      %swap3A_512 = arith.constant 1 : i32
      %swap3A_513 = arith.index_cast %rem3A_71 : i32 to index
      %swap3A_514 = arith.index_cast %swap3A_512 : i32 to index
      %swap3A_515 = arith.constant 112 : index
      %swap3A_516 = tpu.vector_load %arg8[%swap3A_513, %swap3A_514, %swap3A_515] {strides = array<i32>} : memref<2x2x128xi32, #tpu.memory_space<vmem>>, vector<1x1x16xi32>,
      %swap3A_517 = vector.shape_cast %swap3A_516 : vector<1x1x16xi32> to vector<16xi32>
      %swap3A_518 = vector.shape_cast %select_n3A_511 : vector<16xi32> to vector<1x1x16xi32>
      tpu.vector_store %arg8[%swap3A_513, %swap3A_514, %swap3A_515], %swap3A_518 {strides = array<i32>} : memref<2x2x128xi32, #tpu.memory_space<vmem>>, vector<1x1x16xi32>,
      %run_scoped3A = arith.constant 0 : i32
      %run_scoped3A_519 = arith.constant 0 : i32
      "tpu.region"() ({
        %run_scoped3A_522 = tpu.sem_alloc : memref<!tpu.dma_semaphore, #tpu.memory_space<semaphore_mem>>
        %dma_start3A_523 = arith.constant 0 : i32
        %dma_start3A_524 = arith.constant 0 : i32
        %dma_start3A_525 = tpu.memref_slice %arg9[%rem3A_71, %run_scoped3A, %dma_start3A_523, %dma_start3A_524] : memref<2x2x128x128xf32, #tpu.memory_space<vmem>> -> memref<1x1x128x128xf32, #tpu.memory_space<vmem>>
        %dma_start3A_526 = tpu.memref_squeeze %dma_start3A_525 : memref<1x1x128x128xf32, #tpu.memory_space<vmem>> -> memref<128x128xf32, #tpu.memory_space<vmem>>
        %dma_start3A_527 = arith.constant 0 : i32
        %dma_start3A_528 = tpu.memref_slice %arg8[%rem3A_71, %run_scoped3A_519, %dma_start3A_527] : memref<2x2x128xi32, #tpu.memory_space<vmem>> -> memref<1x1x128xi32, #tpu.memory_space<vmem>>
        %dma_start3A_529 = tpu.memref_squeeze %dma_start3A_528 : memref<1x1x128xi32, #tpu.memory_space<vmem>> -> memref<128xi32, #tpu.memory_space<vmem>>
        %dma_start3A_530 = arith.constant 0 : i32
        %dma_start3A_531 = arith.constant 0 : i32
        %dma_start3A_532 = tpu.memref_slice %arg10[%dma_start3A_530, %dma_start3A_531] : memref<5248x128xf32, #tpu.memory_space<vmem_shared>> -> memref<5248x128xf32, #tpu.memory_space<vmem_shared>>
        tpu.enqueue_indirect_dma source(%dma_start3A_526 : memref<128x128xf32, #tpu.memory_space<vmem>>) target(%dma_start3A_532 : memref<5248x128xf32, #tpu.memory_space<vmem_shared>>) offsets(%dma_start3A_529 : memref<128xi32, #tpu.memory_space<vmem>>) semaphore(%run_scoped3A_522 : memref<!tpu.dma_semaphore, #tpu.memory_space<semaphore_mem>>) {add = true}
        %dma_wait3A_533 = arith.constant 0 : i32
        %dma_wait3A_534 = arith.constant 0 : i32
        %dma_wait3A_535 = tpu.memref_slice %arg9[%rem3A_71, %run_scoped3A, %dma_wait3A_533, %dma_wait3A_534] : memref<2x2x128x128xf32, #tpu.memory_space<vmem>> -> memref<1x1x128x128xf32, #tpu.memory_space<vmem>>
        %dma_wait3A_536 = tpu.memref_squeeze %dma_wait3A_535 : memref<1x1x128x128xf32, #tpu.memory_space<vmem>> -> memref<128x128xf32, #tpu.memory_space<vmem>>
        %dma_wait3A_537 = arith.constant 0 : i32
        %dma_wait3A_538 = tpu.memref_slice %arg8[%rem3A_71, %run_scoped3A_519, %dma_wait3A_537] : memref<2x2x128xi32, #tpu.memory_space<vmem>> -> memref<1x1x128xi32, #tpu.memory_space<vmem>>
        %dma_wait3A_539 = tpu.memref_squeeze %dma_wait3A_538 : memref<1x1x128xi32, #tpu.memory_space<vmem>> -> memref<128xi32, #tpu.memory_space<vmem>>
        %dma_wait3A_540 = arith.constant 0 : i32
        %dma_wait3A_541 = arith.constant 0 : i32
        %dma_wait3A_542 = tpu.memref_slice %arg10[%dma_wait3A_540, %dma_wait3A_541] : memref<5248x128xf32, #tpu.memory_space<vmem_shared>> -> memref<5248x128xf32, #tpu.memory_space<vmem_shared>>
        tpu.wait_indirect_dma semaphore(%run_scoped3A_522 : memref<!tpu.dma_semaphore, #tpu.memory_space<semaphore_mem>>) src(%dma_wait3A_536 : memref<128x128xf32, #tpu.memory_space<vmem>>) dst(%dma_wait3A_542 : memref<5248x128xf32, #tpu.memory_space<vmem_shared>>)
        tpu.yield
      }) : () -> ()
      %run_scoped3A_520 = arith.constant 1 : i32
      %run_scoped3A_521 = arith.constant 1 : i32
      "tpu.region"() ({
        %run_scoped3A_522 = tpu.sem_alloc : memref<!tpu.dma_semaphore, #tpu.memory_space<semaphore_mem>>
        %dma_start3A_523 = arith.constant 0 : i32
        %dma_start3A_524 = arith.constant 0 : i32
        %dma_start3A_525 = tpu.memref_slice %arg9[%rem3A_71, %run_scoped3A_520, %dma_start3A_523, %dma_start3A_524] : memref<2x2x128x128xf32, #tpu.memory_space<vmem>> -> memref<1x1x128x128xf32, #tpu.memory_space<vmem>>
        %dma_start3A_526 = tpu.memref_squeeze %dma_start3A_525 : memref<1x1x128x128xf32, #tpu.memory_space<vmem>> -> memref<128x128xf32, #tpu.memory_space<vmem>>
        %dma_start3A_527 = arith.constant 0 : i32
        %dma_start3A_528 = tpu.memref_slice %arg8[%rem3A_71, %run_scoped3A_521, %dma_start3A_527] : memref<2x2x128xi32, #tpu.memory_space<vmem>> -> memref<1x1x128xi32, #tpu.memory_space<vmem>>
        %dma_start3A_529 = tpu.memref_squeeze %dma_start3A_528 : memref<1x1x128xi32, #tpu.memory_space<vmem>> -> memref<128xi32, #tpu.memory_space<vmem>>
        %dma_start3A_530 = arith.constant 0 : i32
        %dma_start3A_531 = arith.constant 0 : i32
        %dma_start3A_532 = tpu.memref_slice %arg10[%dma_start3A_530, %dma_start3A_531] : memref<5248x128xf32, #tpu.memory_space<vmem_shared>> -> memref<5248x128xf32, #tpu.memory_space<vmem_shared>>
        tpu.enqueue_indirect_dma source(%dma_start3A_526 : memref<128x128xf32, #tpu.memory_space<vmem>>) target(%dma_start3A_532 : memref<5248x128xf32, #tpu.memory_space<vmem_shared>>) offsets(%dma_start3A_529 : memref<128xi32, #tpu.memory_space<vmem>>) semaphore(%run_scoped3A_522 : memref<!tpu.dma_semaphore, #tpu.memory_space<semaphore_mem>>) {add = true}
        %dma_wait3A_533 = arith.constant 0 : i32
        %dma_wait3A_534 = arith.constant 0 : i32
        %dma_wait3A_535 = tpu.memref_slice %arg9[%rem3A_71, %run_scoped3A_520, %dma_wait3A_533, %dma_wait3A_534] : memref<2x2x128x128xf32, #tpu.memory_space<vmem>> -> memref<1x1x128x128xf32, #tpu.memory_space<vmem>>
        %dma_wait3A_536 = tpu.memref_squeeze %dma_wait3A_535 : memref<1x1x128x128xf32, #tpu.memory_space<vmem>> -> memref<128x128xf32, #tpu.memory_space<vmem>>
        %dma_wait3A_537 = arith.constant 0 : i32
        %dma_wait3A_538 = tpu.memref_slice %arg8[%rem3A_71, %run_scoped3A_521, %dma_wait3A_537] : memref<2x2x128xi32, #tpu.memory_space<vmem>> -> memref<1x1x128xi32, #tpu.memory_space<vmem>>
        %dma_wait3A_539 = tpu.memref_squeeze %dma_wait3A_538 : memref<1x1x128xi32, #tpu.memory_space<vmem>> -> memref<128xi32, #tpu.memory_space<vmem>>
        %dma_wait3A_540 = arith.constant 0 : i32
        %dma_wait3A_541 = arith.constant 0 : i32
        %dma_wait3A_542 = tpu.memref_slice %arg10[%dma_wait3A_540, %dma_wait3A_541] : memref<5248x128xf32, #tpu.memory_space<vmem_shared>> -> memref<5248x128xf32, #tpu.memory_space<vmem_shared>>
        tpu.wait_indirect_dma semaphore(%run_scoped3A_522 : memref<!tpu.dma_semaphore, #tpu.memory_space<semaphore_mem>>) src(%dma_wait3A_536 : memref<128x128xf32, #tpu.memory_space<vmem>>) dst(%dma_wait3A_542 : memref<5248x128xf32, #tpu.memory_space<vmem_shared>>)
        tpu.yield
      }) : () -> ()
    }
    %scan3A_58 = arith.constant 80 : i32
    %barrier3A_59 = arith.constant 0 : index
    tpu.barrier barrier_id(%barrier3A_59)
    %mul3A_60 = arith.constant 320 : i32
    %mul3A_61 = arith.muli %arg1, %mul3A_60 : i32
    %mul3A_62 = arith.constant 5120 : i32
    %mul3A_63 = arith.muli %arg0, %mul3A_62 : i32
    %mul3A_64 = arith.constant 320 : i32
    %mul3A_65 = arith.muli %arg1, %mul3A_64 : i32
    %add3A = arith.addi %mul3A_63, %mul3A_65 : i32
    "tpu.region"() ({
      %run_scoped3A = tpu.sem_alloc : memref<!tpu.dma_semaphore, #tpu.memory_space<semaphore_mem>>
      %dma_start3A_66 = arith.constant 0 : i32
      %dma_start3A_67 = tpu.memref_slice %arg6[%add3A, %dma_start3A_66] : memref<10240x128xf32, #tpu.memory_space<hbm>> -> memref<320x128xf32, #tpu.memory_space<hbm>>
      %dma_start3A_68 = arith.constant 0 : i32
      %dma_start3A_69 = tpu.memref_slice %arg10[%mul3A_61, %dma_start3A_68] : memref<5248x128xf32, #tpu.memory_space<vmem_shared>> -> memref<320x128xf32, #tpu.memory_space<vmem_shared>>
      tpu.enqueue_dma source(%dma_start3A_69 : memref<320x128xf32, #tpu.memory_space<vmem_shared>>) target(%dma_start3A_67 : memref<320x128xf32, #tpu.memory_space<hbm>>) target_semaphore(%run_scoped3A : memref<!tpu.dma_semaphore, #tpu.memory_space<semaphore_mem>>)
      %dma_wait3A = arith.constant 0 : i32
      %dma_wait3A_70 = tpu.memref_slice %arg6[%add3A, %dma_wait3A] : memref<10240x128xf32, #tpu.memory_space<hbm>> -> memref<320x128xf32, #tpu.memory_space<hbm>>
      %dma_wait3A_71 = arith.constant 0 : i32
      %dma_wait3A_72 = tpu.memref_slice %arg10[%mul3A_61, %dma_wait3A_71] : memref<5248x128xf32, #tpu.memory_space<vmem_shared>> -> memref<320x128xf32, #tpu.memory_space<vmem_shared>>
      tpu.wait_dma2 semaphore(%run_scoped3A : memref<!tpu.dma_semaphore, #tpu.memory_space<semaphore_mem>>) src(%dma_wait3A_72 : memref<320x128xf32, #tpu.memory_space<vmem_shared>>) dst(%dma_wait3A_70 : memref<320x128xf32, #tpu.memory_space<hbm>>)
      tpu.yield
    }) : () -> ()
    return
  }
}

#map = affine_map<(d0, d1) -> (0, 0, 0)>
#map1 = affine_map<(d0, d1) -> (0, 0)>
module attributes {stable_mosaic.version = 14 : i64} {
  func.func @_sc_degree_body(%arg0: i32, %arg1: i32, %arg2: memref<16x160x128xi32, #tpu.memory_space<hbm>>, %arg3: memref<128x128xf32, #tpu.memory_space<hbm>>, %arg4: memref<328x128xf32, #tpu.memory_space<hbm>>, %arg5: memref<10240x128xf32, #tpu.memory_space<hbm>>, %arg6: memref<160x128xi32, #tpu.memory_space<vmem>>, %arg7: memref<128x128xf32, #tpu.memory_space<vmem>>, %arg8: memref<5248x128xf32, #tpu.memory_space<vmem_shared>>, %arg9: memref<!tpu.dma_semaphore, #tpu.memory_space<semaphore_mem>>) attributes {dimension_semantics = [#tpu.dimension_semantics<core_parallel>, #tpu.dimension_semantics<subcore_parallel>], iteration_bounds = array<i64: 2, 16>, scalar_prefetch = 0 : i64, scratch_operands = 4 : i64, tpu.core_type = #tpu.core_type<sc_vector_subcore>, window_params = [{transform_indices = #map}, {transform_indices = #map1}, {transform_indices = #map1}, {transform_indices = #map1}]} {
    "tpu.region"() ({
      %run_scoped3A = tpu.sem_alloc : memref<!tpu.dma_semaphore, #tpu.memory_space<semaphore_mem>>
      tpu.enqueue_dma source(%arg3 : memref<128x128xf32, #tpu.memory_space<hbm>>) target(%arg7 : memref<128x128xf32, #tpu.memory_space<vmem>>) target_semaphore(%run_scoped3A : memref<!tpu.dma_semaphore, #tpu.memory_space<semaphore_mem>>)
      tpu.wait_dma2 semaphore(%run_scoped3A : memref<!tpu.dma_semaphore, #tpu.memory_space<semaphore_mem>>) src(%arg3 : memref<128x128xf32, #tpu.memory_space<hbm>>) dst(%arg7 : memref<128x128xf32, #tpu.memory_space<vmem>>)
      tpu.yield
    }) : () -> ()
    %mul3A = arith.constant 328 : i32
    %mul3A_0 = arith.muli %arg1, %mul3A : i32
    "tpu.region"() ({
      %run_scoped3A = tpu.sem_alloc : memref<!tpu.dma_semaphore, #tpu.memory_space<semaphore_mem>>
      %dma_start3A = arith.constant 0 : i32
      %dma_start3A_19 = tpu.memref_slice %arg8[%mul3A_0, %dma_start3A] : memref<5248x128xf32, #tpu.memory_space<vmem_shared>> -> memref<328x128xf32, #tpu.memory_space<vmem_shared>>
      tpu.enqueue_dma source(%arg4 : memref<328x128xf32, #tpu.memory_space<hbm>>) target(%dma_start3A_19 : memref<328x128xf32, #tpu.memory_space<vmem_shared>>) target_semaphore(%run_scoped3A : memref<!tpu.dma_semaphore, #tpu.memory_space<semaphore_mem>>)
      %dma_wait3A = arith.constant 0 : i32
      %dma_wait3A_20 = tpu.memref_slice %arg8[%mul3A_0, %dma_wait3A] : memref<5248x128xf32, #tpu.memory_space<vmem_shared>> -> memref<328x128xf32, #tpu.memory_space<vmem_shared>>
      tpu.wait_dma2 semaphore(%run_scoped3A : memref<!tpu.dma_semaphore, #tpu.memory_space<semaphore_mem>>) src(%arg4 : memref<328x128xf32, #tpu.memory_space<hbm>>) dst(%dma_wait3A_20 : memref<328x128xf32, #tpu.memory_space<vmem_shared>>)
      tpu.yield
    }) : () -> ()
    "tpu.region"() ({
      %run_scoped3A = tpu.sem_alloc : memref<!tpu.dma_semaphore, #tpu.memory_space<semaphore_mem>>
      %dma_start3A = arith.constant 0 : i32
      %dma_start3A_19 = arith.constant 0 : i32
      %dma_start3A_20 = tpu.memref_slice %arg2[%arg1, %dma_start3A, %dma_start3A_19] : memref<16x160x128xi32, #tpu.memory_space<hbm>> -> memref<1x160x128xi32, #tpu.memory_space<hbm>>
      %dma_start3A_21 = tpu.memref_squeeze %dma_start3A_20 : memref<1x160x128xi32, #tpu.memory_space<hbm>> -> memref<160x128xi32, #tpu.memory_space<hbm>>
      %dma_start3A_22 = arith.constant 0 : i32
      %dma_start3A_23 = arith.constant 0 : i32
      %dma_start3A_24 = tpu.memref_slice %arg2[%arg1, %dma_start3A_22, %dma_start3A_23] : memref<16x160x128xi32, #tpu.memory_space<hbm>> -> memref<1x160x128xi32, #tpu.memory_space<hbm>>
      %dma_start3A_25 = tpu.memref_squeeze %dma_start3A_24 : memref<1x160x128xi32, #tpu.memory_space<hbm>> -> memref<160x128xi32, #tpu.memory_space<hbm>>
      tpu.enqueue_dma source(%dma_start3A_25 : memref<160x128xi32, #tpu.memory_space<hbm>>) target(%arg6 : memref<160x128xi32, #tpu.memory_space<vmem>>) target_semaphore(%run_scoped3A : memref<!tpu.dma_semaphore, #tpu.memory_space<semaphore_mem>>)
      %dma_wait3A = arith.constant 0 : i32
      %dma_wait3A_26 = arith.constant 0 : i32
      %dma_wait3A_27 = tpu.memref_slice %arg2[%arg1, %dma_wait3A, %dma_wait3A_26] : memref<16x160x128xi32, #tpu.memory_space<hbm>> -> memref<1x160x128xi32, #tpu.memory_space<hbm>>
      %dma_wait3A_28 = tpu.memref_squeeze %dma_wait3A_27 : memref<1x160x128xi32, #tpu.memory_space<hbm>> -> memref<160x128xi32, #tpu.memory_space<hbm>>
      %dma_wait3A_29 = arith.constant 0 : i32
      %dma_wait3A_30 = arith.constant 0 : i32
      %dma_wait3A_31 = tpu.memref_slice %arg2[%arg1, %dma_wait3A_29, %dma_wait3A_30] : memref<16x160x128xi32, #tpu.memory_space<hbm>> -> memref<1x160x128xi32, #tpu.memory_space<hbm>>
      %dma_wait3A_32 = tpu.memref_squeeze %dma_wait3A_31 : memref<1x160x128xi32, #tpu.memory_space<hbm>> -> memref<160x128xi32, #tpu.memory_space<hbm>>
      tpu.wait_dma2 semaphore(%run_scoped3A : memref<!tpu.dma_semaphore, #tpu.memory_space<semaphore_mem>>) src(%dma_wait3A_32 : memref<160x128xi32, #tpu.memory_space<hbm>>) dst(%arg6 : memref<160x128xi32, #tpu.memory_space<vmem>>)
      tpu.yield
    }) : () -> ()
    %mul3A_1 = arith.constant 5120 : i32
    %mul3A_2 = arith.muli %arg0, %mul3A_1 : i32
    %scan3A = arith.constant 0 : i32
    %scan3A_3 = arith.constant 160 : i32
    %scan3A_4 = arith.addi %scan3A, %scan3A_3 : i32
    %scan3A_5 = arith.constant 1 : i32
    scf.for %scan3A_19 = %scan3A to %scan3A_4 step %scan3A_5  : i32 {
      %mul3A_20 = arith.constant 1 : i32
      %mul3A_21 = arith.muli %scan3A_19, %mul3A_20 : i32
      %add3A_22 = arith.constant 0 : i32
      %add3A_23 = arith.addi %add3A_22, %mul3A_21 : i32
      %get3A = arith.index_cast %add3A_23 : i32 to index
      %get3A_24 = arith.constant 0 : index
      %get3A_25 = tpu.vector_load %arg6[%get3A, %get3A_24] {strides = array<i32>} : memref<160x128xi32, #tpu.memory_space<vmem>>, vector<1x16xi32>,
      %get3A_26 = vector.shape_cast %get3A_25 : vector<1x16xi32> to vector<16xi32>
      %sub3A = vector.broadcast %mul3A_2 : i32 to vector<16xi32>
      %sub3A_27 = arith.subi %get3A_26, %sub3A : vector<16xi32>
      %ge3A = arith.constant 0 : i32
      %ge3A_28 = vector.broadcast %ge3A : i32 to vector<16xi32>
      %ge3A_29 = arith.cmpi sge, %sub3A_27, %ge3A_28 : vector<16xi32>
      %lt3A = arith.constant 5120 : i32
      %lt3A_30 = vector.broadcast %lt3A : i32 to vector<16xi32>
      %lt3A_31 = arith.cmpi slt, %sub3A_27, %lt3A_30 : vector<16xi32>
      %and3A = arith.andi %ge3A_29, %lt3A_31 : vector<16xi1>
      %jit3A = arith.constant 5120 : i32
      %broadcast_in_dim3A = vector.broadcast %jit3A : i32 to vector<16xi32>
      %select_n3A = arith.select %and3A, %sub3A_27, %broadcast_in_dim3A : vector<16xi1>, vector<16xi32>
      %swap3A = arith.index_cast %add3A_23 : i32 to index
      %swap3A_32 = arith.constant 0 : index
      %swap3A_33 = tpu.vector_load %arg6[%swap3A, %swap3A_32] {strides = array<i32>} : memref<160x128xi32, #tpu.memory_space<vmem>>, vector<1x16xi32>,
      %swap3A_34 = vector.shape_cast %swap3A_33 : vector<1x16xi32> to vector<16xi32>
      %swap3A_35 = vector.shape_cast %select_n3A : vector<16xi32> to vector<1x16xi32>
      tpu.vector_store %arg6[%swap3A, %swap3A_32], %swap3A_35 {strides = array<i32>} : memref<160x128xi32, #tpu.memory_space<vmem>>, vector<1x16xi32>,
      %get3A_36 = arith.index_cast %add3A_23 : i32 to index
      %get3A_37 = arith.constant 16 : index
      %get3A_38 = tpu.vector_load %arg6[%get3A_36, %get3A_37] {strides = array<i32>} : memref<160x128xi32, #tpu.memory_space<vmem>>, vector<1x16xi32>,
      %get3A_39 = vector.shape_cast %get3A_38 : vector<1x16xi32> to vector<16xi32>
      %sub3A_40 = vector.broadcast %mul3A_2 : i32 to vector<16xi32>
      %sub3A_41 = arith.subi %get3A_39, %sub3A_40 : vector<16xi32>
      %ge3A_42 = arith.constant 0 : i32
      %ge3A_43 = vector.broadcast %ge3A_42 : i32 to vector<16xi32>
      %ge3A_44 = arith.cmpi sge, %sub3A_41, %ge3A_43 : vector<16xi32>
      %lt3A_45 = arith.constant 5120 : i32
      %lt3A_46 = vector.broadcast %lt3A_45 : i32 to vector<16xi32>
      %lt3A_47 = arith.cmpi slt, %sub3A_41, %lt3A_46 : vector<16xi32>
      %and3A_48 = arith.andi %ge3A_44, %lt3A_47 : vector<16xi1>
      %jit3A_49 = arith.constant 5120 : i32
      %broadcast_in_dim3A_50 = vector.broadcast %jit3A_49 : i32 to vector<16xi32>
      %select_n3A_51 = arith.select %and3A_48, %sub3A_41, %broadcast_in_dim3A_50 : vector<16xi1>, vector<16xi32>
      %swap3A_52 = arith.index_cast %add3A_23 : i32 to index
      %swap3A_53 = arith.constant 16 : index
      %swap3A_54 = tpu.vector_load %arg6[%swap3A_52, %swap3A_53] {strides = array<i32>} : memref<160x128xi32, #tpu.memory_space<vmem>>, vector<1x16xi32>,
      %swap3A_55 = vector.shape_cast %swap3A_54 : vector<1x16xi32> to vector<16xi32>
      %swap3A_56 = vector.shape_cast %select_n3A_51 : vector<16xi32> to vector<1x16xi32>
      tpu.vector_store %arg6[%swap3A_52, %swap3A_53], %swap3A_56 {strides = array<i32>} : memref<160x128xi32, #tpu.memory_space<vmem>>, vector<1x16xi32>,
      %get3A_57 = arith.index_cast %add3A_23 : i32 to index
      %get3A_58 = arith.constant 32 : index
      %get3A_59 = tpu.vector_load %arg6[%get3A_57, %get3A_58] {strides = array<i32>} : memref<160x128xi32, #tpu.memory_space<vmem>>, vector<1x16xi32>,
      %get3A_60 = vector.shape_cast %get3A_59 : vector<1x16xi32> to vector<16xi32>
      %sub3A_61 = vector.broadcast %mul3A_2 : i32 to vector<16xi32>
      %sub3A_62 = arith.subi %get3A_60, %sub3A_61 : vector<16xi32>
      %ge3A_63 = arith.constant 0 : i32
      %ge3A_64 = vector.broadcast %ge3A_63 : i32 to vector<16xi32>
      %ge3A_65 = arith.cmpi sge, %sub3A_62, %ge3A_64 : vector<16xi32>
      %lt3A_66 = arith.constant 5120 : i32
      %lt3A_67 = vector.broadcast %lt3A_66 : i32 to vector<16xi32>
      %lt3A_68 = arith.cmpi slt, %sub3A_62, %lt3A_67 : vector<16xi32>
      %and3A_69 = arith.andi %ge3A_65, %lt3A_68 : vector<16xi1>
      %jit3A_70 = arith.constant 5120 : i32
      %broadcast_in_dim3A_71 = vector.broadcast %jit3A_70 : i32 to vector<16xi32>
      %select_n3A_72 = arith.select %and3A_69, %sub3A_62, %broadcast_in_dim3A_71 : vector<16xi1>, vector<16xi32>
      %swap3A_73 = arith.index_cast %add3A_23 : i32 to index
      %swap3A_74 = arith.constant 32 : index
      %swap3A_75 = tpu.vector_load %arg6[%swap3A_73, %swap3A_74] {strides = array<i32>} : memref<160x128xi32, #tpu.memory_space<vmem>>, vector<1x16xi32>,
      %swap3A_76 = vector.shape_cast %swap3A_75 : vector<1x16xi32> to vector<16xi32>
      %swap3A_77 = vector.shape_cast %select_n3A_72 : vector<16xi32> to vector<1x16xi32>
      tpu.vector_store %arg6[%swap3A_73, %swap3A_74], %swap3A_77 {strides = array<i32>} : memref<160x128xi32, #tpu.memory_space<vmem>>, vector<1x16xi32>,
      %get3A_78 = arith.index_cast %add3A_23 : i32 to index
      %get3A_79 = arith.constant 48 : index
      %get3A_80 = tpu.vector_load %arg6[%get3A_78, %get3A_79] {strides = array<i32>} : memref<160x128xi32, #tpu.memory_space<vmem>>, vector<1x16xi32>,
      %get3A_81 = vector.shape_cast %get3A_80 : vector<1x16xi32> to vector<16xi32>
      %sub3A_82 = vector.broadcast %mul3A_2 : i32 to vector<16xi32>
      %sub3A_83 = arith.subi %get3A_81, %sub3A_82 : vector<16xi32>
      %ge3A_84 = arith.constant 0 : i32
      %ge3A_85 = vector.broadcast %ge3A_84 : i32 to vector<16xi32>
      %ge3A_86 = arith.cmpi sge, %sub3A_83, %ge3A_85 : vector<16xi32>
      %lt3A_87 = arith.constant 5120 : i32
      %lt3A_88 = vector.broadcast %lt3A_87 : i32 to vector<16xi32>
      %lt3A_89 = arith.cmpi slt, %sub3A_83, %lt3A_88 : vector<16xi32>
      %and3A_90 = arith.andi %ge3A_86, %lt3A_89 : vector<16xi1>
      %jit3A_91 = arith.constant 5120 : i32
      %broadcast_in_dim3A_92 = vector.broadcast %jit3A_91 : i32 to vector<16xi32>
      %select_n3A_93 = arith.select %and3A_90, %sub3A_83, %broadcast_in_dim3A_92 : vector<16xi1>, vector<16xi32>
      %swap3A_94 = arith.index_cast %add3A_23 : i32 to index
      %swap3A_95 = arith.constant 48 : index
      %swap3A_96 = tpu.vector_load %arg6[%swap3A_94, %swap3A_95] {strides = array<i32>} : memref<160x128xi32, #tpu.memory_space<vmem>>, vector<1x16xi32>,
      %swap3A_97 = vector.shape_cast %swap3A_96 : vector<1x16xi32> to vector<16xi32>
      %swap3A_98 = vector.shape_cast %select_n3A_93 : vector<16xi32> to vector<1x16xi32>
      tpu.vector_store %arg6[%swap3A_94, %swap3A_95], %swap3A_98 {strides = array<i32>} : memref<160x128xi32, #tpu.memory_space<vmem>>, vector<1x16xi32>,
      %get3A_99 = arith.index_cast %add3A_23 : i32 to index
      %get3A_100 = arith.constant 64 : index
      %get3A_101 = tpu.vector_load %arg6[%get3A_99, %get3A_100] {strides = array<i32>} : memref<160x128xi32, #tpu.memory_space<vmem>>, vector<1x16xi32>,
      %get3A_102 = vector.shape_cast %get3A_101 : vector<1x16xi32> to vector<16xi32>
      %sub3A_103 = vector.broadcast %mul3A_2 : i32 to vector<16xi32>
      %sub3A_104 = arith.subi %get3A_102, %sub3A_103 : vector<16xi32>
      %ge3A_105 = arith.constant 0 : i32
      %ge3A_106 = vector.broadcast %ge3A_105 : i32 to vector<16xi32>
      %ge3A_107 = arith.cmpi sge, %sub3A_104, %ge3A_106 : vector<16xi32>
      %lt3A_108 = arith.constant 5120 : i32
      %lt3A_109 = vector.broadcast %lt3A_108 : i32 to vector<16xi32>
      %lt3A_110 = arith.cmpi slt, %sub3A_104, %lt3A_109 : vector<16xi32>
      %and3A_111 = arith.andi %ge3A_107, %lt3A_110 : vector<16xi1>
      %jit3A_112 = arith.constant 5120 : i32
      %broadcast_in_dim3A_113 = vector.broadcast %jit3A_112 : i32 to vector<16xi32>
      %select_n3A_114 = arith.select %and3A_111, %sub3A_104, %broadcast_in_dim3A_113 : vector<16xi1>, vector<16xi32>
      %swap3A_115 = arith.index_cast %add3A_23 : i32 to index
      %swap3A_116 = arith.constant 64 : index
      %swap3A_117 = tpu.vector_load %arg6[%swap3A_115, %swap3A_116] {strides = array<i32>} : memref<160x128xi32, #tpu.memory_space<vmem>>, vector<1x16xi32>,
      %swap3A_118 = vector.shape_cast %swap3A_117 : vector<1x16xi32> to vector<16xi32>
      %swap3A_119 = vector.shape_cast %select_n3A_114 : vector<16xi32> to vector<1x16xi32>
      tpu.vector_store %arg6[%swap3A_115, %swap3A_116], %swap3A_119 {strides = array<i32>} : memref<160x128xi32, #tpu.memory_space<vmem>>, vector<1x16xi32>,
      %get3A_120 = arith.index_cast %add3A_23 : i32 to index
      %get3A_121 = arith.constant 80 : index
      %get3A_122 = tpu.vector_load %arg6[%get3A_120, %get3A_121] {strides = array<i32>} : memref<160x128xi32, #tpu.memory_space<vmem>>, vector<1x16xi32>,
      %get3A_123 = vector.shape_cast %get3A_122 : vector<1x16xi32> to vector<16xi32>
      %sub3A_124 = vector.broadcast %mul3A_2 : i32 to vector<16xi32>
      %sub3A_125 = arith.subi %get3A_123, %sub3A_124 : vector<16xi32>
      %ge3A_126 = arith.constant 0 : i32
      %ge3A_127 = vector.broadcast %ge3A_126 : i32 to vector<16xi32>
      %ge3A_128 = arith.cmpi sge, %sub3A_125, %ge3A_127 : vector<16xi32>
      %lt3A_129 = arith.constant 5120 : i32
      %lt3A_130 = vector.broadcast %lt3A_129 : i32 to vector<16xi32>
      %lt3A_131 = arith.cmpi slt, %sub3A_125, %lt3A_130 : vector<16xi32>
      %and3A_132 = arith.andi %ge3A_128, %lt3A_131 : vector<16xi1>
      %jit3A_133 = arith.constant 5120 : i32
      %broadcast_in_dim3A_134 = vector.broadcast %jit3A_133 : i32 to vector<16xi32>
      %select_n3A_135 = arith.select %and3A_132, %sub3A_125, %broadcast_in_dim3A_134 : vector<16xi1>, vector<16xi32>
      %swap3A_136 = arith.index_cast %add3A_23 : i32 to index
      %swap3A_137 = arith.constant 80 : index
      %swap3A_138 = tpu.vector_load %arg6[%swap3A_136, %swap3A_137] {strides = array<i32>} : memref<160x128xi32, #tpu.memory_space<vmem>>, vector<1x16xi32>,
      %swap3A_139 = vector.shape_cast %swap3A_138 : vector<1x16xi32> to vector<16xi32>
      %swap3A_140 = vector.shape_cast %select_n3A_135 : vector<16xi32> to vector<1x16xi32>
      tpu.vector_store %arg6[%swap3A_136, %swap3A_137], %swap3A_140 {strides = array<i32>} : memref<160x128xi32, #tpu.memory_space<vmem>>, vector<1x16xi32>,
      %get3A_141 = arith.index_cast %add3A_23 : i32 to index
      %get3A_142 = arith.constant 96 : index
      %get3A_143 = tpu.vector_load %arg6[%get3A_141, %get3A_142] {strides = array<i32>} : memref<160x128xi32, #tpu.memory_space<vmem>>, vector<1x16xi32>,
      %get3A_144 = vector.shape_cast %get3A_143 : vector<1x16xi32> to vector<16xi32>
      %sub3A_145 = vector.broadcast %mul3A_2 : i32 to vector<16xi32>
      %sub3A_146 = arith.subi %get3A_144, %sub3A_145 : vector<16xi32>
      %ge3A_147 = arith.constant 0 : i32
      %ge3A_148 = vector.broadcast %ge3A_147 : i32 to vector<16xi32>
      %ge3A_149 = arith.cmpi sge, %sub3A_146, %ge3A_148 : vector<16xi32>
      %lt3A_150 = arith.constant 5120 : i32
      %lt3A_151 = vector.broadcast %lt3A_150 : i32 to vector<16xi32>
      %lt3A_152 = arith.cmpi slt, %sub3A_146, %lt3A_151 : vector<16xi32>
      %and3A_153 = arith.andi %ge3A_149, %lt3A_152 : vector<16xi1>
      %jit3A_154 = arith.constant 5120 : i32
      %broadcast_in_dim3A_155 = vector.broadcast %jit3A_154 : i32 to vector<16xi32>
      %select_n3A_156 = arith.select %and3A_153, %sub3A_146, %broadcast_in_dim3A_155 : vector<16xi1>, vector<16xi32>
      %swap3A_157 = arith.index_cast %add3A_23 : i32 to index
      %swap3A_158 = arith.constant 96 : index
      %swap3A_159 = tpu.vector_load %arg6[%swap3A_157, %swap3A_158] {strides = array<i32>} : memref<160x128xi32, #tpu.memory_space<vmem>>, vector<1x16xi32>,
      %swap3A_160 = vector.shape_cast %swap3A_159 : vector<1x16xi32> to vector<16xi32>
      %swap3A_161 = vector.shape_cast %select_n3A_156 : vector<16xi32> to vector<1x16xi32>
      tpu.vector_store %arg6[%swap3A_157, %swap3A_158], %swap3A_161 {strides = array<i32>} : memref<160x128xi32, #tpu.memory_space<vmem>>, vector<1x16xi32>,
      %get3A_162 = arith.index_cast %add3A_23 : i32 to index
      %get3A_163 = arith.constant 112 : index
      %get3A_164 = tpu.vector_load %arg6[%get3A_162, %get3A_163] {strides = array<i32>} : memref<160x128xi32, #tpu.memory_space<vmem>>, vector<1x16xi32>,
      %get3A_165 = vector.shape_cast %get3A_164 : vector<1x16xi32> to vector<16xi32>
      %sub3A_166 = vector.broadcast %mul3A_2 : i32 to vector<16xi32>
      %sub3A_167 = arith.subi %get3A_165, %sub3A_166 : vector<16xi32>
      %ge3A_168 = arith.constant 0 : i32
      %ge3A_169 = vector.broadcast %ge3A_168 : i32 to vector<16xi32>
      %ge3A_170 = arith.cmpi sge, %sub3A_167, %ge3A_169 : vector<16xi32>
      %lt3A_171 = arith.constant 5120 : i32
      %lt3A_172 = vector.broadcast %lt3A_171 : i32 to vector<16xi32>
      %lt3A_173 = arith.cmpi slt, %sub3A_167, %lt3A_172 : vector<16xi32>
      %and3A_174 = arith.andi %ge3A_170, %lt3A_173 : vector<16xi1>
      %jit3A_175 = arith.constant 5120 : i32
      %broadcast_in_dim3A_176 = vector.broadcast %jit3A_175 : i32 to vector<16xi32>
      %select_n3A_177 = arith.select %and3A_174, %sub3A_167, %broadcast_in_dim3A_176 : vector<16xi1>, vector<16xi32>
      %swap3A_178 = arith.index_cast %add3A_23 : i32 to index
      %swap3A_179 = arith.constant 112 : index
      %swap3A_180 = tpu.vector_load %arg6[%swap3A_178, %swap3A_179] {strides = array<i32>} : memref<160x128xi32, #tpu.memory_space<vmem>>, vector<1x16xi32>,
      %swap3A_181 = vector.shape_cast %swap3A_180 : vector<1x16xi32> to vector<16xi32>
      %swap3A_182 = vector.shape_cast %select_n3A_177 : vector<16xi32> to vector<1x16xi32>
      tpu.vector_store %arg6[%swap3A_178, %swap3A_179], %swap3A_182 {strides = array<i32>} : memref<160x128xi32, #tpu.memory_space<vmem>>, vector<1x16xi32>,
    }
    %scan3A_6 = arith.constant 160 : i32
    %barrier3A = arith.constant 0 : index
    tpu.barrier barrier_id(%barrier3A)
    %scan3A_7 = arith.constant 0 : i32
    %scan3A_8 = arith.constant 20 : i32
    %scan3A_9 = arith.addi %scan3A_7, %scan3A_8 : i32
    %scan3A_10 = arith.constant 1 : i32
    scf.for %scan3A_19 = %scan3A_7 to %scan3A_9 step %scan3A_10  : i32 {
      %mul3A_20 = arith.constant 8 : i32
      %mul3A_21 = arith.muli %scan3A_19, %mul3A_20 : i32
      %add3A_22 = arith.constant 0 : i32
      %add3A_23 = arith.addi %add3A_22, %mul3A_21 : i32
      %add3A_24 = arith.constant 0 : i32
      %add3A_25 = arith.addi %add3A_23, %add3A_24 : i32
      %dma_start3A = arith.constant 0 : i32
      %dma_start3A_26 = tpu.memref_slice %arg6[%add3A_25, %dma_start3A] : memref<160x128xi32, #tpu.memory_space<vmem>> -> memref<1x128xi32, #tpu.memory_space<vmem>>
      %dma_start3A_27 = tpu.memref_squeeze %dma_start3A_26 : memref<1x128xi32, #tpu.memory_space<vmem>> -> memref<128xi32, #tpu.memory_space<vmem>>
      %dma_start3A_28 = arith.constant 0 : i32
      %dma_start3A_29 = arith.constant 0 : i32
      %dma_start3A_30 = tpu.memref_slice %arg8[%dma_start3A_28, %dma_start3A_29] : memref<5248x128xf32, #tpu.memory_space<vmem_shared>> -> memref<5248x128xf32, #tpu.memory_space<vmem_shared>>
      tpu.enqueue_indirect_dma source(%arg7 : memref<128x128xf32, #tpu.memory_space<vmem>>) target(%dma_start3A_30 : memref<5248x128xf32, #tpu.memory_space<vmem_shared>>) offsets(%dma_start3A_27 : memref<128xi32, #tpu.memory_space<vmem>>) semaphore(%arg9 : memref<!tpu.dma_semaphore, #tpu.memory_space<semaphore_mem>>) {add = true}
      %add3A_31 = arith.constant 1 : i32
      %add3A_32 = arith.addi %add3A_23, %add3A_31 : i32
      %dma_start3A_33 = arith.constant 0 : i32
      %dma_start3A_34 = tpu.memref_slice %arg6[%add3A_32, %dma_start3A_33] : memref<160x128xi32, #tpu.memory_space<vmem>> -> memref<1x128xi32, #tpu.memory_space<vmem>>
      %dma_start3A_35 = tpu.memref_squeeze %dma_start3A_34 : memref<1x128xi32, #tpu.memory_space<vmem>> -> memref<128xi32, #tpu.memory_space<vmem>>
      %dma_start3A_36 = arith.constant 0 : i32
      %dma_start3A_37 = arith.constant 0 : i32
      %dma_start3A_38 = tpu.memref_slice %arg8[%dma_start3A_36, %dma_start3A_37] : memref<5248x128xf32, #tpu.memory_space<vmem_shared>> -> memref<5248x128xf32, #tpu.memory_space<vmem_shared>>
      tpu.enqueue_indirect_dma source(%arg7 : memref<128x128xf32, #tpu.memory_space<vmem>>) target(%dma_start3A_38 : memref<5248x128xf32, #tpu.memory_space<vmem_shared>>) offsets(%dma_start3A_35 : memref<128xi32, #tpu.memory_space<vmem>>) semaphore(%arg9 : memref<!tpu.dma_semaphore, #tpu.memory_space<semaphore_mem>>) {add = true}
      %add3A_39 = arith.constant 2 : i32
      %add3A_40 = arith.addi %add3A_23, %add3A_39 : i32
      %dma_start3A_41 = arith.constant 0 : i32
      %dma_start3A_42 = tpu.memref_slice %arg6[%add3A_40, %dma_start3A_41] : memref<160x128xi32, #tpu.memory_space<vmem>> -> memref<1x128xi32, #tpu.memory_space<vmem>>
      %dma_start3A_43 = tpu.memref_squeeze %dma_start3A_42 : memref<1x128xi32, #tpu.memory_space<vmem>> -> memref<128xi32, #tpu.memory_space<vmem>>
      %dma_start3A_44 = arith.constant 0 : i32
      %dma_start3A_45 = arith.constant 0 : i32
      %dma_start3A_46 = tpu.memref_slice %arg8[%dma_start3A_44, %dma_start3A_45] : memref<5248x128xf32, #tpu.memory_space<vmem_shared>> -> memref<5248x128xf32, #tpu.memory_space<vmem_shared>>
      tpu.enqueue_indirect_dma source(%arg7 : memref<128x128xf32, #tpu.memory_space<vmem>>) target(%dma_start3A_46 : memref<5248x128xf32, #tpu.memory_space<vmem_shared>>) offsets(%dma_start3A_43 : memref<128xi32, #tpu.memory_space<vmem>>) semaphore(%arg9 : memref<!tpu.dma_semaphore, #tpu.memory_space<semaphore_mem>>) {add = true}
      %add3A_47 = arith.constant 3 : i32
      %add3A_48 = arith.addi %add3A_23, %add3A_47 : i32
      %dma_start3A_49 = arith.constant 0 : i32
      %dma_start3A_50 = tpu.memref_slice %arg6[%add3A_48, %dma_start3A_49] : memref<160x128xi32, #tpu.memory_space<vmem>> -> memref<1x128xi32, #tpu.memory_space<vmem>>
      %dma_start3A_51 = tpu.memref_squeeze %dma_start3A_50 : memref<1x128xi32, #tpu.memory_space<vmem>> -> memref<128xi32, #tpu.memory_space<vmem>>
      %dma_start3A_52 = arith.constant 0 : i32
      %dma_start3A_53 = arith.constant 0 : i32
      %dma_start3A_54 = tpu.memref_slice %arg8[%dma_start3A_52, %dma_start3A_53] : memref<5248x128xf32, #tpu.memory_space<vmem_shared>> -> memref<5248x128xf32, #tpu.memory_space<vmem_shared>>
      tpu.enqueue_indirect_dma source(%arg7 : memref<128x128xf32, #tpu.memory_space<vmem>>) target(%dma_start3A_54 : memref<5248x128xf32, #tpu.memory_space<vmem_shared>>) offsets(%dma_start3A_51 : memref<128xi32, #tpu.memory_space<vmem>>) semaphore(%arg9 : memref<!tpu.dma_semaphore, #tpu.memory_space<semaphore_mem>>) {add = true}
      %add3A_55 = arith.constant 4 : i32
      %add3A_56 = arith.addi %add3A_23, %add3A_55 : i32
      %dma_start3A_57 = arith.constant 0 : i32
      %dma_start3A_58 = tpu.memref_slice %arg6[%add3A_56, %dma_start3A_57] : memref<160x128xi32, #tpu.memory_space<vmem>> -> memref<1x128xi32, #tpu.memory_space<vmem>>
      %dma_start3A_59 = tpu.memref_squeeze %dma_start3A_58 : memref<1x128xi32, #tpu.memory_space<vmem>> -> memref<128xi32, #tpu.memory_space<vmem>>
      %dma_start3A_60 = arith.constant 0 : i32
      %dma_start3A_61 = arith.constant 0 : i32
      %dma_start3A_62 = tpu.memref_slice %arg8[%dma_start3A_60, %dma_start3A_61] : memref<5248x128xf32, #tpu.memory_space<vmem_shared>> -> memref<5248x128xf32, #tpu.memory_space<vmem_shared>>
      tpu.enqueue_indirect_dma source(%arg7 : memref<128x128xf32, #tpu.memory_space<vmem>>) target(%dma_start3A_62 : memref<5248x128xf32, #tpu.memory_space<vmem_shared>>) offsets(%dma_start3A_59 : memref<128xi32, #tpu.memory_space<vmem>>) semaphore(%arg9 : memref<!tpu.dma_semaphore, #tpu.memory_space<semaphore_mem>>) {add = true}
      %add3A_63 = arith.constant 5 : i32
      %add3A_64 = arith.addi %add3A_23, %add3A_63 : i32
      %dma_start3A_65 = arith.constant 0 : i32
      %dma_start3A_66 = tpu.memref_slice %arg6[%add3A_64, %dma_start3A_65] : memref<160x128xi32, #tpu.memory_space<vmem>> -> memref<1x128xi32, #tpu.memory_space<vmem>>
      %dma_start3A_67 = tpu.memref_squeeze %dma_start3A_66 : memref<1x128xi32, #tpu.memory_space<vmem>> -> memref<128xi32, #tpu.memory_space<vmem>>
      %dma_start3A_68 = arith.constant 0 : i32
      %dma_start3A_69 = arith.constant 0 : i32
      %dma_start3A_70 = tpu.memref_slice %arg8[%dma_start3A_68, %dma_start3A_69] : memref<5248x128xf32, #tpu.memory_space<vmem_shared>> -> memref<5248x128xf32, #tpu.memory_space<vmem_shared>>
      tpu.enqueue_indirect_dma source(%arg7 : memref<128x128xf32, #tpu.memory_space<vmem>>) target(%dma_start3A_70 : memref<5248x128xf32, #tpu.memory_space<vmem_shared>>) offsets(%dma_start3A_67 : memref<128xi32, #tpu.memory_space<vmem>>) semaphore(%arg9 : memref<!tpu.dma_semaphore, #tpu.memory_space<semaphore_mem>>) {add = true}
      %add3A_71 = arith.constant 6 : i32
      %add3A_72 = arith.addi %add3A_23, %add3A_71 : i32
      %dma_start3A_73 = arith.constant 0 : i32
      %dma_start3A_74 = tpu.memref_slice %arg6[%add3A_72, %dma_start3A_73] : memref<160x128xi32, #tpu.memory_space<vmem>> -> memref<1x128xi32, #tpu.memory_space<vmem>>
      %dma_start3A_75 = tpu.memref_squeeze %dma_start3A_74 : memref<1x128xi32, #tpu.memory_space<vmem>> -> memref<128xi32, #tpu.memory_space<vmem>>
      %dma_start3A_76 = arith.constant 0 : i32
      %dma_start3A_77 = arith.constant 0 : i32
      %dma_start3A_78 = tpu.memref_slice %arg8[%dma_start3A_76, %dma_start3A_77] : memref<5248x128xf32, #tpu.memory_space<vmem_shared>> -> memref<5248x128xf32, #tpu.memory_space<vmem_shared>>
      tpu.enqueue_indirect_dma source(%arg7 : memref<128x128xf32, #tpu.memory_space<vmem>>) target(%dma_start3A_78 : memref<5248x128xf32, #tpu.memory_space<vmem_shared>>) offsets(%dma_start3A_75 : memref<128xi32, #tpu.memory_space<vmem>>) semaphore(%arg9 : memref<!tpu.dma_semaphore, #tpu.memory_space<semaphore_mem>>) {add = true}
      %add3A_79 = arith.constant 7 : i32
      %add3A_80 = arith.addi %add3A_23, %add3A_79 : i32
      %dma_start3A_81 = arith.constant 0 : i32
      %dma_start3A_82 = tpu.memref_slice %arg6[%add3A_80, %dma_start3A_81] : memref<160x128xi32, #tpu.memory_space<vmem>> -> memref<1x128xi32, #tpu.memory_space<vmem>>
      %dma_start3A_83 = tpu.memref_squeeze %dma_start3A_82 : memref<1x128xi32, #tpu.memory_space<vmem>> -> memref<128xi32, #tpu.memory_space<vmem>>
      %dma_start3A_84 = arith.constant 0 : i32
      %dma_start3A_85 = arith.constant 0 : i32
      %dma_start3A_86 = tpu.memref_slice %arg8[%dma_start3A_84, %dma_start3A_85] : memref<5248x128xf32, #tpu.memory_space<vmem_shared>> -> memref<5248x128xf32, #tpu.memory_space<vmem_shared>>
      tpu.enqueue_indirect_dma source(%arg7 : memref<128x128xf32, #tpu.memory_space<vmem>>) target(%dma_start3A_86 : memref<5248x128xf32, #tpu.memory_space<vmem_shared>>) offsets(%dma_start3A_83 : memref<128xi32, #tpu.memory_space<vmem>>) semaphore(%arg9 : memref<!tpu.dma_semaphore, #tpu.memory_space<semaphore_mem>>) {add = true}
      %add3A_87 = arith.constant 0 : i32
      %add3A_88 = arith.addi %add3A_23, %add3A_87 : i32
      %dma_wait3A = arith.constant 0 : i32
      %dma_wait3A_89 = tpu.memref_slice %arg6[%add3A_88, %dma_wait3A] : memref<160x128xi32, #tpu.memory_space<vmem>> -> memref<1x128xi32, #tpu.memory_space<vmem>>
      %dma_wait3A_90 = tpu.memref_squeeze %dma_wait3A_89 : memref<1x128xi32, #tpu.memory_space<vmem>> -> memref<128xi32, #tpu.memory_space<vmem>>
      %dma_wait3A_91 = arith.constant 0 : i32
      %dma_wait3A_92 = arith.constant 0 : i32
      %dma_wait3A_93 = tpu.memref_slice %arg8[%dma_wait3A_91, %dma_wait3A_92] : memref<5248x128xf32, #tpu.memory_space<vmem_shared>> -> memref<5248x128xf32, #tpu.memory_space<vmem_shared>>
      tpu.wait_indirect_dma semaphore(%arg9 : memref<!tpu.dma_semaphore, #tpu.memory_space<semaphore_mem>>) src(%arg7 : memref<128x128xf32, #tpu.memory_space<vmem>>) dst(%dma_wait3A_93 : memref<5248x128xf32, #tpu.memory_space<vmem_shared>>)
      %add3A_94 = arith.constant 1 : i32
      %add3A_95 = arith.addi %add3A_23, %add3A_94 : i32
      %dma_wait3A_96 = arith.constant 0 : i32
      %dma_wait3A_97 = tpu.memref_slice %arg6[%add3A_95, %dma_wait3A_96] : memref<160x128xi32, #tpu.memory_space<vmem>> -> memref<1x128xi32, #tpu.memory_space<vmem>>
      %dma_wait3A_98 = tpu.memref_squeeze %dma_wait3A_97 : memref<1x128xi32, #tpu.memory_space<vmem>> -> memref<128xi32, #tpu.memory_space<vmem>>
      %dma_wait3A_99 = arith.constant 0 : i32
      %dma_wait3A_100 = arith.constant 0 : i32
      %dma_wait3A_101 = tpu.memref_slice %arg8[%dma_wait3A_99, %dma_wait3A_100] : memref<5248x128xf32, #tpu.memory_space<vmem_shared>> -> memref<5248x128xf32, #tpu.memory_space<vmem_shared>>
      tpu.wait_indirect_dma semaphore(%arg9 : memref<!tpu.dma_semaphore, #tpu.memory_space<semaphore_mem>>) src(%arg7 : memref<128x128xf32, #tpu.memory_space<vmem>>) dst(%dma_wait3A_101 : memref<5248x128xf32, #tpu.memory_space<vmem_shared>>)
      %add3A_102 = arith.constant 2 : i32
      %add3A_103 = arith.addi %add3A_23, %add3A_102 : i32
      %dma_wait3A_104 = arith.constant 0 : i32
      %dma_wait3A_105 = tpu.memref_slice %arg6[%add3A_103, %dma_wait3A_104] : memref<160x128xi32, #tpu.memory_space<vmem>> -> memref<1x128xi32, #tpu.memory_space<vmem>>
      %dma_wait3A_106 = tpu.memref_squeeze %dma_wait3A_105 : memref<1x128xi32, #tpu.memory_space<vmem>> -> memref<128xi32, #tpu.memory_space<vmem>>
      %dma_wait3A_107 = arith.constant 0 : i32
      %dma_wait3A_108 = arith.constant 0 : i32
      %dma_wait3A_109 = tpu.memref_slice %arg8[%dma_wait3A_107, %dma_wait3A_108] : memref<5248x128xf32, #tpu.memory_space<vmem_shared>> -> memref<5248x128xf32, #tpu.memory_space<vmem_shared>>
      tpu.wait_indirect_dma semaphore(%arg9 : memref<!tpu.dma_semaphore, #tpu.memory_space<semaphore_mem>>) src(%arg7 : memref<128x128xf32, #tpu.memory_space<vmem>>) dst(%dma_wait3A_109 : memref<5248x128xf32, #tpu.memory_space<vmem_shared>>)
      %add3A_110 = arith.constant 3 : i32
      %add3A_111 = arith.addi %add3A_23, %add3A_110 : i32
      %dma_wait3A_112 = arith.constant 0 : i32
      %dma_wait3A_113 = tpu.memref_slice %arg6[%add3A_111, %dma_wait3A_112] : memref<160x128xi32, #tpu.memory_space<vmem>> -> memref<1x128xi32, #tpu.memory_space<vmem>>
      %dma_wait3A_114 = tpu.memref_squeeze %dma_wait3A_113 : memref<1x128xi32, #tpu.memory_space<vmem>> -> memref<128xi32, #tpu.memory_space<vmem>>
      %dma_wait3A_115 = arith.constant 0 : i32
      %dma_wait3A_116 = arith.constant 0 : i32
      %dma_wait3A_117 = tpu.memref_slice %arg8[%dma_wait3A_115, %dma_wait3A_116] : memref<5248x128xf32, #tpu.memory_space<vmem_shared>> -> memref<5248x128xf32, #tpu.memory_space<vmem_shared>>
      tpu.wait_indirect_dma semaphore(%arg9 : memref<!tpu.dma_semaphore, #tpu.memory_space<semaphore_mem>>) src(%arg7 : memref<128x128xf32, #tpu.memory_space<vmem>>) dst(%dma_wait3A_117 : memref<5248x128xf32, #tpu.memory_space<vmem_shared>>)
      %add3A_118 = arith.constant 4 : i32
      %add3A_119 = arith.addi %add3A_23, %add3A_118 : i32
      %dma_wait3A_120 = arith.constant 0 : i32
      %dma_wait3A_121 = tpu.memref_slice %arg6[%add3A_119, %dma_wait3A_120] : memref<160x128xi32, #tpu.memory_space<vmem>> -> memref<1x128xi32, #tpu.memory_space<vmem>>
      %dma_wait3A_122 = tpu.memref_squeeze %dma_wait3A_121 : memref<1x128xi32, #tpu.memory_space<vmem>> -> memref<128xi32, #tpu.memory_space<vmem>>
      %dma_wait3A_123 = arith.constant 0 : i32
      %dma_wait3A_124 = arith.constant 0 : i32
      %dma_wait3A_125 = tpu.memref_slice %arg8[%dma_wait3A_123, %dma_wait3A_124] : memref<5248x128xf32, #tpu.memory_space<vmem_shared>> -> memref<5248x128xf32, #tpu.memory_space<vmem_shared>>
      tpu.wait_indirect_dma semaphore(%arg9 : memref<!tpu.dma_semaphore, #tpu.memory_space<semaphore_mem>>) src(%arg7 : memref<128x128xf32, #tpu.memory_space<vmem>>) dst(%dma_wait3A_125 : memref<5248x128xf32, #tpu.memory_space<vmem_shared>>)
      %add3A_126 = arith.constant 5 : i32
      %add3A_127 = arith.addi %add3A_23, %add3A_126 : i32
      %dma_wait3A_128 = arith.constant 0 : i32
      %dma_wait3A_129 = tpu.memref_slice %arg6[%add3A_127, %dma_wait3A_128] : memref<160x128xi32, #tpu.memory_space<vmem>> -> memref<1x128xi32, #tpu.memory_space<vmem>>
      %dma_wait3A_130 = tpu.memref_squeeze %dma_wait3A_129 : memref<1x128xi32, #tpu.memory_space<vmem>> -> memref<128xi32, #tpu.memory_space<vmem>>
      %dma_wait3A_131 = arith.constant 0 : i32
      %dma_wait3A_132 = arith.constant 0 : i32
      %dma_wait3A_133 = tpu.memref_slice %arg8[%dma_wait3A_131, %dma_wait3A_132] : memref<5248x128xf32, #tpu.memory_space<vmem_shared>> -> memref<5248x128xf32, #tpu.memory_space<vmem_shared>>
      tpu.wait_indirect_dma semaphore(%arg9 : memref<!tpu.dma_semaphore, #tpu.memory_space<semaphore_mem>>) src(%arg7 : memref<128x128xf32, #tpu.memory_space<vmem>>) dst(%dma_wait3A_133 : memref<5248x128xf32, #tpu.memory_space<vmem_shared>>)
      %add3A_134 = arith.constant 6 : i32
      %add3A_135 = arith.addi %add3A_23, %add3A_134 : i32
      %dma_wait3A_136 = arith.constant 0 : i32
      %dma_wait3A_137 = tpu.memref_slice %arg6[%add3A_135, %dma_wait3A_136] : memref<160x128xi32, #tpu.memory_space<vmem>> -> memref<1x128xi32, #tpu.memory_space<vmem>>
      %dma_wait3A_138 = tpu.memref_squeeze %dma_wait3A_137 : memref<1x128xi32, #tpu.memory_space<vmem>> -> memref<128xi32, #tpu.memory_space<vmem>>
      %dma_wait3A_139 = arith.constant 0 : i32
      %dma_wait3A_140 = arith.constant 0 : i32
      %dma_wait3A_141 = tpu.memref_slice %arg8[%dma_wait3A_139, %dma_wait3A_140] : memref<5248x128xf32, #tpu.memory_space<vmem_shared>> -> memref<5248x128xf32, #tpu.memory_space<vmem_shared>>
      tpu.wait_indirect_dma semaphore(%arg9 : memref<!tpu.dma_semaphore, #tpu.memory_space<semaphore_mem>>) src(%arg7 : memref<128x128xf32, #tpu.memory_space<vmem>>) dst(%dma_wait3A_141 : memref<5248x128xf32, #tpu.memory_space<vmem_shared>>)
      %add3A_142 = arith.constant 7 : i32
      %add3A_143 = arith.addi %add3A_23, %add3A_142 : i32
      %dma_wait3A_144 = arith.constant 0 : i32
      %dma_wait3A_145 = tpu.memref_slice %arg6[%add3A_143, %dma_wait3A_144] : memref<160x128xi32, #tpu.memory_space<vmem>> -> memref<1x128xi32, #tpu.memory_space<vmem>>
      %dma_wait3A_146 = tpu.memref_squeeze %dma_wait3A_145 : memref<1x128xi32, #tpu.memory_space<vmem>> -> memref<128xi32, #tpu.memory_space<vmem>>
      %dma_wait3A_147 = arith.constant 0 : i32
      %dma_wait3A_148 = arith.constant 0 : i32
      %dma_wait3A_149 = tpu.memref_slice %arg8[%dma_wait3A_147, %dma_wait3A_148] : memref<5248x128xf32, #tpu.memory_space<vmem_shared>> -> memref<5248x128xf32, #tpu.memory_space<vmem_shared>>
      tpu.wait_indirect_dma semaphore(%arg9 : memref<!tpu.dma_semaphore, #tpu.memory_space<semaphore_mem>>) src(%arg7 : memref<128x128xf32, #tpu.memory_space<vmem>>) dst(%dma_wait3A_149 : memref<5248x128xf32, #tpu.memory_space<vmem_shared>>)
    }
    %scan3A_11 = arith.constant 20 : i32
    %barrier3A_12 = arith.constant 0 : index
    tpu.barrier barrier_id(%barrier3A_12)
    %mul3A_13 = arith.constant 320 : i32
    %mul3A_14 = arith.muli %arg1, %mul3A_13 : i32
    %mul3A_15 = arith.constant 5120 : i32
    %mul3A_16 = arith.muli %arg0, %mul3A_15 : i32
    %mul3A_17 = arith.constant 320 : i32
    %mul3A_18 = arith.muli %arg1, %mul3A_17 : i32
    %add3A = arith.addi %mul3A_16, %mul3A_18 : i32
    "tpu.region"() ({
      %run_scoped3A = tpu.sem_alloc : memref<!tpu.dma_semaphore, #tpu.memory_space<semaphore_mem>>
      %dma_start3A = arith.constant 0 : i32
      %dma_start3A_19 = tpu.memref_slice %arg5[%add3A, %dma_start3A] : memref<10240x128xf32, #tpu.memory_space<hbm>> -> memref<320x128xf32, #tpu.memory_space<hbm>>
      %dma_start3A_20 = arith.constant 0 : i32
      %dma_start3A_21 = tpu.memref_slice %arg8[%mul3A_14, %dma_start3A_20] : memref<5248x128xf32, #tpu.memory_space<vmem_shared>> -> memref<320x128xf32, #tpu.memory_space<vmem_shared>>
      tpu.enqueue_dma source(%dma_start3A_21 : memref<320x128xf32, #tpu.memory_space<vmem_shared>>) target(%dma_start3A_19 : memref<320x128xf32, #tpu.memory_space<hbm>>) target_semaphore(%run_scoped3A : memref<!tpu.dma_semaphore, #tpu.memory_space<semaphore_mem>>)
      %dma_wait3A = arith.constant 0 : i32
      %dma_wait3A_22 = tpu.memref_slice %arg5[%add3A, %dma_wait3A] : memref<10240x128xf32, #tpu.memory_space<hbm>> -> memref<320x128xf32, #tpu.memory_space<hbm>>
      %dma_wait3A_23 = arith.constant 0 : i32
      %dma_wait3A_24 = tpu.memref_slice %arg8[%mul3A_14, %dma_wait3A_23] : memref<5248x128xf32, #tpu.memory_space<vmem_shared>> -> memref<320x128xf32, #tpu.memory_space<vmem_shared>>
      tpu.wait_dma2 semaphore(%run_scoped3A : memref<!tpu.dma_semaphore, #tpu.memory_space<semaphore_mem>>) src(%dma_wait3A_24 : memref<320x128xf32, #tpu.memory_space<vmem_shared>>) dst(%dma_wait3A_22 : memref<320x128xf32, #tpu.memory_space<hbm>>)
      tpu.yield
    }) : () -> ()
    return
  }
}

#map = affine_map<(d0, d1) -> (0, 0, 0)>
#map1 = affine_map<(d0, d1) -> (0, 0, 0, 0)>
#map2 = affine_map<(d0, d1) -> (0, 0)>
module attributes {stable_mosaic.version = 14 : i64} {
  func.func @_sc_edges_body(%arg0: i32, %arg1: i32, %arg2: memref<16x160x128xi32, #tpu.memory_space<hbm>>, %arg3: memref<16x80x2x128xi32, #tpu.memory_space<hbm>>, %arg4: memref<10240x128xf32, #tpu.memory_space<hbm>>, %arg5: memref<328x128xf32, #tpu.memory_space<hbm>>, %arg6: memref<10240x128xf32, #tpu.memory_space<hbm>>, %arg7: memref<160x128xi32, #tpu.memory_space<vmem>>, %arg8: memref<2x2x128xi32, #tpu.memory_space<vmem>>, %arg9: memref<2x2x128x128xf32, #tpu.memory_space<vmem>>, %arg10: memref<5248x128xf32, #tpu.memory_space<vmem_shared>>, %arg11: memref<2x!tpu.dma_semaphore, #tpu.memory_space<semaphore_mem>>, %arg12: memref<2x!tpu.dma_semaphore, #tpu.memory_space<semaphore_mem>>) attributes {dimension_semantics = [#tpu.dimension_semantics<core_parallel>, #tpu.dimension_semantics<subcore_parallel>], iteration_bounds = array<i64: 2, 16>, scalar_prefetch = 0 : i64, scratch_operands = 6 : i64, tpu.core_type = #tpu.core_type<sc_vector_subcore>, window_params = [{transform_indices = #map}, {transform_indices = #map1}, {transform_indices = #map2}, {transform_indices = #map2}, {transform_indices = #map2}]} {
    %mul3A = arith.constant 328 : i32
    %mul3A_0 = arith.muli %arg1, %mul3A : i32
    "tpu.region"() ({
      %run_scoped3A = tpu.sem_alloc : memref<!tpu.dma_semaphore, #tpu.memory_space<semaphore_mem>>
      %dma_start3A_66 = arith.constant 0 : i32
      %dma_start3A_67 = tpu.memref_slice %arg10[%mul3A_0, %dma_start3A_66] : memref<5248x128xf32, #tpu.memory_space<vmem_shared>> -> memref<328x128xf32, #tpu.memory_space<vmem_shared>>
      tpu.enqueue_dma source(%arg5 : memref<328x128xf32, #tpu.memory_space<hbm>>) target(%dma_start3A_67 : memref<328x128xf32, #tpu.memory_space<vmem_shared>>) target_semaphore(%run_scoped3A : memref<!tpu.dma_semaphore, #tpu.memory_space<semaphore_mem>>)
      %dma_wait3A = arith.constant 0 : i32
      %dma_wait3A_68 = tpu.memref_slice %arg10[%mul3A_0, %dma_wait3A] : memref<5248x128xf32, #tpu.memory_space<vmem_shared>> -> memref<328x128xf32, #tpu.memory_space<vmem_shared>>
      tpu.wait_dma2 semaphore(%run_scoped3A : memref<!tpu.dma_semaphore, #tpu.memory_space<semaphore_mem>>) src(%arg5 : memref<328x128xf32, #tpu.memory_space<hbm>>) dst(%dma_wait3A_68 : memref<328x128xf32, #tpu.memory_space<vmem_shared>>)
      tpu.yield
    }) : () -> ()
    "tpu.region"() ({
      %run_scoped3A = tpu.sem_alloc : memref<!tpu.dma_semaphore, #tpu.memory_space<semaphore_mem>>
      %dma_start3A_66 = arith.constant 0 : i32
      %dma_start3A_67 = arith.constant 0 : i32
      %dma_start3A_68 = tpu.memref_slice %arg2[%arg1, %dma_start3A_66, %dma_start3A_67] : memref<16x160x128xi32, #tpu.memory_space<hbm>> -> memref<1x160x128xi32, #tpu.memory_space<hbm>>
      %dma_start3A_69 = tpu.memref_squeeze %dma_start3A_68 : memref<1x160x128xi32, #tpu.memory_space<hbm>> -> memref<160x128xi32, #tpu.memory_space<hbm>>
      %dma_start3A_70 = arith.constant 0 : i32
      %dma_start3A_71 = arith.constant 0 : i32
      %dma_start3A_72 = tpu.memref_slice %arg2[%arg1, %dma_start3A_70, %dma_start3A_71] : memref<16x160x128xi32, #tpu.memory_space<hbm>> -> memref<1x160x128xi32, #tpu.memory_space<hbm>>
      %dma_start3A_73 = tpu.memref_squeeze %dma_start3A_72 : memref<1x160x128xi32, #tpu.memory_space<hbm>> -> memref<160x128xi32, #tpu.memory_space<hbm>>
      tpu.enqueue_dma source(%dma_start3A_73 : memref<160x128xi32, #tpu.memory_space<hbm>>) target(%arg7 : memref<160x128xi32, #tpu.memory_space<vmem>>) target_semaphore(%run_scoped3A : memref<!tpu.dma_semaphore, #tpu.memory_space<semaphore_mem>>)
      %dma_wait3A = arith.constant 0 : i32
      %dma_wait3A_74 = arith.constant 0 : i32
      %dma_wait3A_75 = tpu.memref_slice %arg2[%arg1, %dma_wait3A, %dma_wait3A_74] : memref<16x160x128xi32, #tpu.memory_space<hbm>> -> memref<1x160x128xi32, #tpu.memory_space<hbm>>
      %dma_wait3A_76 = tpu.memref_squeeze %dma_wait3A_75 : memref<1x160x128xi32, #tpu.memory_space<hbm>> -> memref<160x128xi32, #tpu.memory_space<hbm>>
      %dma_wait3A_77 = arith.constant 0 : i32
      %dma_wait3A_78 = arith.constant 0 : i32
      %dma_wait3A_79 = tpu.memref_slice %arg2[%arg1, %dma_wait3A_77, %dma_wait3A_78] : memref<16x160x128xi32, #tpu.memory_space<hbm>> -> memref<1x160x128xi32, #tpu.memory_space<hbm>>
      %dma_wait3A_80 = tpu.memref_squeeze %dma_wait3A_79 : memref<1x160x128xi32, #tpu.memory_space<hbm>> -> memref<160x128xi32, #tpu.memory_space<hbm>>
      tpu.wait_dma2 semaphore(%run_scoped3A : memref<!tpu.dma_semaphore, #tpu.memory_space<semaphore_mem>>) src(%dma_wait3A_80 : memref<160x128xi32, #tpu.memory_space<hbm>>) dst(%arg7 : memref<160x128xi32, #tpu.memory_space<vmem>>)
      tpu.yield
    }) : () -> ()
    %mul3A_1 = arith.constant 5120 : i32
    %mul3A_2 = arith.muli %arg0, %mul3A_1 : i32
    %barrier3A = arith.constant 0 : index
    tpu.barrier barrier_id(%barrier3A)
    %dma_start3A = arith.constant 0 : i32
    %dma_start3A_3 = arith.constant 0 : i32
    %dma_start3A_4 = arith.constant 0 : i32
    %dma_start3A_5 = arith.constant 0 : i32
    %dma_start3A_6 = arith.constant 0 : i32
    %dma_start3A_7 = tpu.memref_slice %arg8[%dma_start3A_3, %dma_start3A_5, %dma_start3A_6] : memref<2x2x128xi32, #tpu.memory_space<vmem>> -> memref<1x2x128xi32, #tpu.memory_space<vmem>>
    %dma_start3A_8 = tpu.memref_squeeze %dma_start3A_7 : memref<1x2x128xi32, #tpu.memory_space<vmem>> -> memref<2x128xi32, #tpu.memory_space<vmem>>
    %dma_start3A_9 = arith.constant 0 : i32
    %dma_start3A_10 = arith.constant 0 : i32
    %dma_start3A_11 = tpu.memref_slice %arg3[%arg1, %dma_start3A, %dma_start3A_9, %dma_start3A_10] : memref<16x80x2x128xi32, #tpu.memory_space<hbm>> -> memref<1x1x2x128xi32, #tpu.memory_space<hbm>>
    %dma_start3A_12 = tpu.memref_squeeze %dma_start3A_11 : memref<1x1x2x128xi32, #tpu.memory_space<hbm>> -> memref<2x128xi32, #tpu.memory_space<hbm>>
    %dma_start3A_13 = tpu.memref_slice %arg12[%dma_start3A_4] : memref<2x!tpu.dma_semaphore, #tpu.memory_space<semaphore_mem>> -> memref<1x!tpu.dma_semaphore, #tpu.memory_space<semaphore_mem>>
    %dma_start3A_14 = tpu.memref_squeeze %dma_start3A_13 : memref<1x!tpu.dma_semaphore, #tpu.memory_space<semaphore_mem>> -> memref<!tpu.dma_semaphore, #tpu.memory_space<semaphore_mem>>
    %dma_start3A_15 = arith.constant 0 : i32
    %dma_start3A_16 = arith.constant 0 : i32
    %dma_start3A_17 = tpu.memref_slice %arg8[%dma_start3A_3, %dma_start3A_15, %dma_start3A_16] : memref<2x2x128xi32, #tpu.memory_space<vmem>> -> memref<1x2x128xi32, #tpu.memory_space<vmem>>
    %dma_start3A_18 = tpu.memref_squeeze %dma_start3A_17 : memref<1x2x128xi32, #tpu.memory_space<vmem>> -> memref<2x128xi32, #tpu.memory_space<vmem>>
    %dma_start3A_19 = arith.constant 0 : i32
    %dma_start3A_20 = arith.constant 0 : i32
    %dma_start3A_21 = tpu.memref_slice %arg3[%arg1, %dma_start3A, %dma_start3A_19, %dma_start3A_20] : memref<16x80x2x128xi32, #tpu.memory_space<hbm>> -> memref<1x1x2x128xi32, #tpu.memory_space<hbm>>
    %dma_start3A_22 = tpu.memref_squeeze %dma_start3A_21 : memref<1x1x2x128xi32, #tpu.memory_space<hbm>> -> memref<2x128xi32, #tpu.memory_space<hbm>>
    tpu.enqueue_dma source(%dma_start3A_22 : memref<2x128xi32, #tpu.memory_space<hbm>>) target(%dma_start3A_18 : memref<2x128xi32, #tpu.memory_space<vmem>>) target_semaphore(%dma_start3A_14 : memref<!tpu.dma_semaphore, #tpu.memory_space<semaphore_mem>>)
    %dma_start3A_23 = arith.constant 0 : i32
    %dma_start3A_24 = arith.constant 0 : i32
    %dma_start3A_25 = arith.constant 0 : i32
    %dma_start3A_26 = arith.constant 0 : i32
    %dma_start3A_27 = arith.constant 0 : i32
    %dma_start3A_28 = arith.constant 0 : i32
    %dma_start3A_29 = tpu.memref_slice %arg9[%dma_start3A_24, %dma_start3A_25, %dma_start3A_27, %dma_start3A_28] : memref<2x2x128x128xf32, #tpu.memory_space<vmem>> -> memref<1x1x128x128xf32, #tpu.memory_space<vmem>>
    %dma_start3A_30 = tpu.memref_squeeze %dma_start3A_29 : memref<1x1x128x128xf32, #tpu.memory_space<vmem>> -> memref<128x128xf32, #tpu.memory_space<vmem>>
    %dma_start3A_31 = arith.constant 0 : i32
    %dma_start3A_32 = tpu.memref_slice %arg7[%dma_start3A_23, %dma_start3A_31] : memref<160x128xi32, #tpu.memory_space<vmem>> -> memref<1x128xi32, #tpu.memory_space<vmem>>
    %dma_start3A_33 = tpu.memref_squeeze %dma_start3A_32 : memref<1x128xi32, #tpu.memory_space<vmem>> -> memref<128xi32, #tpu.memory_space<vmem>>
    %dma_start3A_34 = arith.constant 0 : i32
    %dma_start3A_35 = arith.constant 0 : i32
    %dma_start3A_36 = tpu.memref_slice %arg4[%dma_start3A_34, %dma_start3A_35] : memref<10240x128xf32, #tpu.memory_space<hbm>> -> memref<10240x128xf32, #tpu.memory_space<hbm>>
    %dma_start3A_37 = tpu.memref_slice %arg11[%dma_start3A_26] : memref<2x!tpu.dma_semaphore, #tpu.memory_space<semaphore_mem>> -> memref<1x!tpu.dma_semaphore, #tpu.memory_space<semaphore_mem>>
    %dma_start3A_38 = tpu.memref_squeeze %dma_start3A_37 : memref<1x!tpu.dma_semaphore, #tpu.memory_space<semaphore_mem>> -> memref<!tpu.dma_semaphore, #tpu.memory_space<semaphore_mem>>
    tpu.enqueue_indirect_dma source(%dma_start3A_36 : memref<10240x128xf32, #tpu.memory_space<hbm>>) target(%dma_start3A_30 : memref<128x128xf32, #tpu.memory_space<vmem>>) offsets(%dma_start3A_33 : memref<128xi32, #tpu.memory_space<vmem>>) semaphore(%dma_start3A_38 : memref<!tpu.dma_semaphore, #tpu.memory_space<semaphore_mem>>)
    %dma_start3A_39 = arith.constant 1 : i32
    %dma_start3A_40 = arith.constant 0 : i32
    %dma_start3A_41 = arith.constant 1 : i32
    %dma_start3A_42 = arith.constant 0 : i32
    %dma_start3A_43 = arith.constant 0 : i32
    %dma_start3A_44 = arith.constant 0 : i32
    %dma_start3A_45 = tpu.memref_slice %arg9[%dma_start3A_40, %dma_start3A_41, %dma_start3A_43, %dma_start3A_44] : memref<2x2x128x128xf32, #tpu.memory_space<vmem>> -> memref<1x1x128x128xf32, #tpu.memory_space<vmem>>
    %dma_start3A_46 = tpu.memref_squeeze %dma_start3A_45 : memref<1x1x128x128xf32, #tpu.memory_space<vmem>> -> memref<128x128xf32, #tpu.memory_space<vmem>>
    %dma_start3A_47 = arith.constant 0 : i32
    %dma_start3A_48 = tpu.memref_slice %arg7[%dma_start3A_39, %dma_start3A_47] : memref<160x128xi32, #tpu.memory_space<vmem>> -> memref<1x128xi32, #tpu.memory_space<vmem>>
    %dma_start3A_49 = tpu.memref_squeeze %dma_start3A_48 : memref<1x128xi32, #tpu.memory_space<vmem>> -> memref<128xi32, #tpu.memory_space<vmem>>
    %dma_start3A_50 = arith.constant 0 : i32
    %dma_start3A_51 = arith.constant 0 : i32
    %dma_start3A_52 = tpu.memref_slice %arg4[%dma_start3A_50, %dma_start3A_51] : memref<10240x128xf32, #tpu.memory_space<hbm>> -> memref<10240x128xf32, #tpu.memory_space<hbm>>
    %dma_start3A_53 = tpu.memref_slice %arg11[%dma_start3A_42] : memref<2x!tpu.dma_semaphore, #tpu.memory_space<semaphore_mem>> -> memref<1x!tpu.dma_semaphore, #tpu.memory_space<semaphore_mem>>
    %dma_start3A_54 = tpu.memref_squeeze %dma_start3A_53 : memref<1x!tpu.dma_semaphore, #tpu.memory_space<semaphore_mem>> -> memref<!tpu.dma_semaphore, #tpu.memory_space<semaphore_mem>>
    tpu.enqueue_indirect_dma source(%dma_start3A_52 : memref<10240x128xf32, #tpu.memory_space<hbm>>) target(%dma_start3A_46 : memref<128x128xf32, #tpu.memory_space<vmem>>) offsets(%dma_start3A_49 : memref<128xi32, #tpu.memory_space<vmem>>) semaphore(%dma_start3A_54 : memref<!tpu.dma_semaphore, #tpu.memory_space<semaphore_mem>>)
    %scan3A = arith.constant 0 : i32
    %scan3A_55 = arith.constant 80 : i32
    %scan3A_56 = arith.addi %scan3A, %scan3A_55 : i32
    %scan3A_57 = arith.constant 1 : i32
    scf.for %scan3A_66 = %scan3A to %scan3A_56 step %scan3A_57  : i32 {
      %mul3A_67 = arith.constant 1 : i32
      %mul3A_68 = arith.muli %scan3A_66, %mul3A_67 : i32
      %add3A_69 = arith.constant 0 : i32
      %add3A_70 = arith.addi %add3A_69, %mul3A_68 : i32
      %rem3A = arith.constant 2 : i32
      %rem3A_71 = arith.remsi %add3A_70, %rem3A : i32
      %dma_wait3A = arith.constant 0 : i32
      %dma_wait3A_72 = arith.constant 0 : i32
      %dma_wait3A_73 = tpu.memref_slice %arg8[%rem3A_71, %dma_wait3A, %dma_wait3A_72] : memref<2x2x128xi32, #tpu.memory_space<vmem>> -> memref<1x2x128xi32, #tpu.memory_space<vmem>>
      %dma_wait3A_74 = tpu.memref_squeeze %dma_wait3A_73 : memref<1x2x128xi32, #tpu.memory_space<vmem>> -> memref<2x128xi32, #tpu.memory_space<vmem>>
      %dma_wait3A_75 = arith.constant 0 : i32
      %dma_wait3A_76 = arith.constant 0 : i32
      %dma_wait3A_77 = tpu.memref_slice %arg3[%arg1, %add3A_70, %dma_wait3A_75, %dma_wait3A_76] : memref<16x80x2x128xi32, #tpu.memory_space<hbm>> -> memref<1x1x2x128xi32, #tpu.memory_space<hbm>>
      %dma_wait3A_78 = tpu.memref_squeeze %dma_wait3A_77 : memref<1x1x2x128xi32, #tpu.memory_space<hbm>> -> memref<2x128xi32, #tpu.memory_space<hbm>>
      %dma_wait3A_79 = tpu.memref_slice %arg12[%rem3A_71] : memref<2x!tpu.dma_semaphore, #tpu.memory_space<semaphore_mem>> -> memref<1x!tpu.dma_semaphore, #tpu.memory_space<semaphore_mem>>
      %dma_wait3A_80 = tpu.memref_squeeze %dma_wait3A_79 : memref<1x!tpu.dma_semaphore, #tpu.memory_space<semaphore_mem>> -> memref<!tpu.dma_semaphore, #tpu.memory_space<semaphore_mem>>
      %dma_wait3A_81 = arith.constant 0 : i32
      %dma_wait3A_82 = arith.constant 0 : i32
      %dma_wait3A_83 = tpu.memref_slice %arg8[%rem3A_71, %dma_wait3A_81, %dma_wait3A_82] : memref<2x2x128xi32, #tpu.memory_space<vmem>> -> memref<1x2x128xi32, #tpu.memory_space<vmem>>
      %dma_wait3A_84 = tpu.memref_squeeze %dma_wait3A_83 : memref<1x2x128xi32, #tpu.memory_space<vmem>> -> memref<2x128xi32, #tpu.memory_space<vmem>>
      %dma_wait3A_85 = arith.constant 0 : i32
      %dma_wait3A_86 = arith.constant 0 : i32
      %dma_wait3A_87 = tpu.memref_slice %arg3[%arg1, %add3A_70, %dma_wait3A_85, %dma_wait3A_86] : memref<16x80x2x128xi32, #tpu.memory_space<hbm>> -> memref<1x1x2x128xi32, #tpu.memory_space<hbm>>
      %dma_wait3A_88 = tpu.memref_squeeze %dma_wait3A_87 : memref<1x1x2x128xi32, #tpu.memory_space<hbm>> -> memref<2x128xi32, #tpu.memory_space<hbm>>
      tpu.wait_dma2 semaphore(%dma_wait3A_80 : memref<!tpu.dma_semaphore, #tpu.memory_space<semaphore_mem>>) src(%dma_wait3A_88 : memref<2x128xi32, #tpu.memory_space<hbm>>) dst(%dma_wait3A_84 : memref<2x128xi32, #tpu.memory_space<vmem>>)
      %mul3A_89 = arith.constant 2 : i32
      %mul3A_90 = arith.muli %add3A_70, %mul3A_89 : i32
      %add3A_91 = arith.constant 0 : i32
      %add3A_92 = arith.addi %mul3A_90, %add3A_91 : i32
      %dma_wait3A_93 = arith.constant 0 : i32
      %dma_wait3A_94 = arith.constant 0 : i32
      %dma_wait3A_95 = arith.constant 0 : i32
      %dma_wait3A_96 = tpu.memref_slice %arg9[%rem3A_71, %dma_wait3A_93, %dma_wait3A_94, %dma_wait3A_95] : memref<2x2x128x128xf32, #tpu.memory_space<vmem>> -> memref<1x1x128x128xf32, #tpu.memory_space<vmem>>
      %dma_wait3A_97 = tpu.memref_squeeze %dma_wait3A_96 : memref<1x1x128x128xf32, #tpu.memory_space<vmem>> -> memref<128x128xf32, #tpu.memory_space<vmem>>
      %dma_wait3A_98 = arith.constant 0 : i32
      %dma_wait3A_99 = tpu.memref_slice %arg7[%add3A_92, %dma_wait3A_98] : memref<160x128xi32, #tpu.memory_space<vmem>> -> memref<1x128xi32, #tpu.memory_space<vmem>>
      %dma_wait3A_100 = tpu.memref_squeeze %dma_wait3A_99 : memref<1x128xi32, #tpu.memory_space<vmem>> -> memref<128xi32, #tpu.memory_space<vmem>>
      %dma_wait3A_101 = arith.constant 0 : i32
      %dma_wait3A_102 = arith.constant 0 : i32
      %dma_wait3A_103 = tpu.memref_slice %arg4[%dma_wait3A_101, %dma_wait3A_102] : memref<10240x128xf32, #tpu.memory_space<hbm>> -> memref<10240x128xf32, #tpu.memory_space<hbm>>
      %dma_wait3A_104 = tpu.memref_slice %arg11[%rem3A_71] : memref<2x!tpu.dma_semaphore, #tpu.memory_space<semaphore_mem>> -> memref<1x!tpu.dma_semaphore, #tpu.memory_space<semaphore_mem>>
      %dma_wait3A_105 = tpu.memref_squeeze %dma_wait3A_104 : memref<1x!tpu.dma_semaphore, #tpu.memory_space<semaphore_mem>> -> memref<!tpu.dma_semaphore, #tpu.memory_space<semaphore_mem>>
      tpu.wait_indirect_dma semaphore(%dma_wait3A_105 : memref<!tpu.dma_semaphore, #tpu.memory_space<semaphore_mem>>) src(%dma_wait3A_103 : memref<10240x128xf32, #tpu.memory_space<hbm>>) dst(%dma_wait3A_97 : memref<128x128xf32, #tpu.memory_space<vmem>>)
      %mul3A_106 = arith.constant 2 : i32
      %mul3A_107 = arith.muli %add3A_70, %mul3A_106 : i32
      %add3A_108 = arith.constant 1 : i32
      %add3A_109 = arith.addi %mul3A_107, %add3A_108 : i32
      %dma_wait3A_110 = arith.constant 1 : i32
      %dma_wait3A_111 = arith.constant 0 : i32
      %dma_wait3A_112 = arith.constant 0 : i32
      %dma_wait3A_113 = tpu.memref_slice %arg9[%rem3A_71, %dma_wait3A_110, %dma_wait3A_111, %dma_wait3A_112] : memref<2x2x128x128xf32, #tpu.memory_space<vmem>> -> memref<1x1x128x128xf32, #tpu.memory_space<vmem>>
      %dma_wait3A_114 = tpu.memref_squeeze %dma_wait3A_113 : memref<1x1x128x128xf32, #tpu.memory_space<vmem>> -> memref<128x128xf32, #tpu.memory_space<vmem>>
      %dma_wait3A_115 = arith.constant 0 : i32
      %dma_wait3A_116 = tpu.memref_slice %arg7[%add3A_109, %dma_wait3A_115] : memref<160x128xi32, #tpu.memory_space<vmem>> -> memref<1x128xi32, #tpu.memory_space<vmem>>
      %dma_wait3A_117 = tpu.memref_squeeze %dma_wait3A_116 : memref<1x128xi32, #tpu.memory_space<vmem>> -> memref<128xi32, #tpu.memory_space<vmem>>
      %dma_wait3A_118 = arith.constant 0 : i32
      %dma_wait3A_119 = arith.constant 0 : i32
      %dma_wait3A_120 = tpu.memref_slice %arg4[%dma_wait3A_118, %dma_wait3A_119] : memref<10240x128xf32, #tpu.memory_space<hbm>> -> memref<10240x128xf32, #tpu.memory_space<hbm>>
      %dma_wait3A_121 = tpu.memref_slice %arg11[%rem3A_71] : memref<2x!tpu.dma_semaphore, #tpu.memory_space<semaphore_mem>> -> memref<1x!tpu.dma_semaphore, #tpu.memory_space<semaphore_mem>>
      %dma_wait3A_122 = tpu.memref_squeeze %dma_wait3A_121 : memref<1x!tpu.dma_semaphore, #tpu.memory_space<semaphore_mem>> -> memref<!tpu.dma_semaphore, #tpu.memory_space<semaphore_mem>>
      tpu.wait_indirect_dma semaphore(%dma_wait3A_122 : memref<!tpu.dma_semaphore, #tpu.memory_space<semaphore_mem>>) src(%dma_wait3A_120 : memref<10240x128xf32, #tpu.memory_space<hbm>>) dst(%dma_wait3A_114 : memref<128x128xf32, #tpu.memory_space<vmem>>)
      %add3A_123 = arith.constant 1 : i32
      %add3A_124 = arith.addi %add3A_70, %add3A_123 : i32
      %lt3A = arith.constant 80 : i32
      %lt3A_125 = arith.cmpi slt, %add3A_124, %lt3A : i32
      %convert_element_type3A = arith.extui %lt3A_125 : i1 to i32
      %cond3A = arith.constant 0 : i32
      %cond3A_126 = arith.cmpi ne, %convert_element_type3A, %cond3A : i32
      scf.if %cond3A_126 {
        %add3A_522 = arith.constant 1 : i32
        %add3A_523 = arith.addi %add3A_70, %add3A_522 : i32
        %sub3A_524 = arith.constant 1 : i32
        %sub3A_525 = arith.subi %sub3A_524, %rem3A_71 : i32
        %dma_start3A_526 = arith.constant 0 : i32
        %dma_start3A_527 = arith.constant 0 : i32
        %dma_start3A_528 = tpu.memref_slice %arg8[%sub3A_525, %dma_start3A_526, %dma_start3A_527] : memref<2x2x128xi32, #tpu.memory_space<vmem>> -> memref<1x2x128xi32, #tpu.memory_space<vmem>>
        %dma_start3A_529 = tpu.memref_squeeze %dma_start3A_528 : memref<1x2x128xi32, #tpu.memory_space<vmem>> -> memref<2x128xi32, #tpu.memory_space<vmem>>
        %dma_start3A_530 = arith.constant 0 : i32
        %dma_start3A_531 = arith.constant 0 : i32
        %dma_start3A_532 = tpu.memref_slice %arg3[%arg1, %add3A_523, %dma_start3A_530, %dma_start3A_531] : memref<16x80x2x128xi32, #tpu.memory_space<hbm>> -> memref<1x1x2x128xi32, #tpu.memory_space<hbm>>
        %dma_start3A_533 = tpu.memref_squeeze %dma_start3A_532 : memref<1x1x2x128xi32, #tpu.memory_space<hbm>> -> memref<2x128xi32, #tpu.memory_space<hbm>>
        %dma_start3A_534 = tpu.memref_slice %arg12[%sub3A_525] : memref<2x!tpu.dma_semaphore, #tpu.memory_space<semaphore_mem>> -> memref<1x!tpu.dma_semaphore, #tpu.memory_space<semaphore_mem>>
        %dma_start3A_535 = tpu.memref_squeeze %dma_start3A_534 : memref<1x!tpu.dma_semaphore, #tpu.memory_space<semaphore_mem>> -> memref<!tpu.dma_semaphore, #tpu.memory_space<semaphore_mem>>
        %dma_start3A_536 = arith.constant 0 : i32
        %dma_start3A_537 = arith.constant 0 : i32
        %dma_start3A_538 = tpu.memref_slice %arg8[%sub3A_525, %dma_start3A_536, %dma_start3A_537] : memref<2x2x128xi32, #tpu.memory_space<vmem>> -> memref<1x2x128xi32, #tpu.memory_space<vmem>>
        %dma_start3A_539 = tpu.memref_squeeze %dma_start3A_538 : memref<1x2x128xi32, #tpu.memory_space<vmem>> -> memref<2x128xi32, #tpu.memory_space<vmem>>
        %dma_start3A_540 = arith.constant 0 : i32
        %dma_start3A_541 = arith.constant 0 : i32
        %dma_start3A_542 = tpu.memref_slice %arg3[%arg1, %add3A_523, %dma_start3A_540, %dma_start3A_541] : memref<16x80x2x128xi32, #tpu.memory_space<hbm>> -> memref<1x1x2x128xi32, #tpu.memory_space<hbm>>
        %dma_start3A_543 = tpu.memref_squeeze %dma_start3A_542 : memref<1x1x2x128xi32, #tpu.memory_space<hbm>> -> memref<2x128xi32, #tpu.memory_space<hbm>>
        tpu.enqueue_dma source(%dma_start3A_543 : memref<2x128xi32, #tpu.memory_space<hbm>>) target(%dma_start3A_539 : memref<2x128xi32, #tpu.memory_space<vmem>>) target_semaphore(%dma_start3A_535 : memref<!tpu.dma_semaphore, #tpu.memory_space<semaphore_mem>>)
        %mul3A_544 = arith.constant 2 : i32
        %mul3A_545 = arith.muli %add3A_523, %mul3A_544 : i32
        %add3A_546 = arith.constant 0 : i32
        %add3A_547 = arith.addi %mul3A_545, %add3A_546 : i32
        %dma_start3A_548 = arith.constant 0 : i32
        %dma_start3A_549 = arith.constant 0 : i32
        %dma_start3A_550 = arith.constant 0 : i32
        %dma_start3A_551 = tpu.memref_slice %arg9[%sub3A_525, %dma_start3A_548, %dma_start3A_549, %dma_start3A_550] : memref<2x2x128x128xf32, #tpu.memory_space<vmem>> -> memref<1x1x128x128xf32, #tpu.memory_space<vmem>>
        %dma_start3A_552 = tpu.memref_squeeze %dma_start3A_551 : memref<1x1x128x128xf32, #tpu.memory_space<vmem>> -> memref<128x128xf32, #tpu.memory_space<vmem>>
        %dma_start3A_553 = arith.constant 0 : i32
        %dma_start3A_554 = tpu.memref_slice %arg7[%add3A_547, %dma_start3A_553] : memref<160x128xi32, #tpu.memory_space<vmem>> -> memref<1x128xi32, #tpu.memory_space<vmem>>
        %dma_start3A_555 = tpu.memref_squeeze %dma_start3A_554 : memref<1x128xi32, #tpu.memory_space<vmem>> -> memref<128xi32, #tpu.memory_space<vmem>>
        %dma_start3A_556 = arith.constant 0 : i32
        %dma_start3A_557 = arith.constant 0 : i32
        %dma_start3A_558 = tpu.memref_slice %arg4[%dma_start3A_556, %dma_start3A_557] : memref<10240x128xf32, #tpu.memory_space<hbm>> -> memref<10240x128xf32, #tpu.memory_space<hbm>>
        %dma_start3A_559 = tpu.memref_slice %arg11[%sub3A_525] : memref<2x!tpu.dma_semaphore, #tpu.memory_space<semaphore_mem>> -> memref<1x!tpu.dma_semaphore, #tpu.memory_space<semaphore_mem>>
        %dma_start3A_560 = tpu.memref_squeeze %dma_start3A_559 : memref<1x!tpu.dma_semaphore, #tpu.memory_space<semaphore_mem>> -> memref<!tpu.dma_semaphore, #tpu.memory_space<semaphore_mem>>
        tpu.enqueue_indirect_dma source(%dma_start3A_558 : memref<10240x128xf32, #tpu.memory_space<hbm>>) target(%dma_start3A_552 : memref<128x128xf32, #tpu.memory_space<vmem>>) offsets(%dma_start3A_555 : memref<128xi32, #tpu.memory_space<vmem>>) semaphore(%dma_start3A_560 : memref<!tpu.dma_semaphore, #tpu.memory_space<semaphore_mem>>)
        %mul3A_561 = arith.constant 2 : i32
        %mul3A_562 = arith.muli %add3A_523, %mul3A_561 : i32
        %add3A_563 = arith.constant 1 : i32
        %add3A_564 = arith.addi %mul3A_562, %add3A_563 : i32
        %dma_start3A_565 = arith.constant 1 : i32
        %dma_start3A_566 = arith.constant 0 : i32
        %dma_start3A_567 = arith.constant 0 : i32
        %dma_start3A_568 = tpu.memref_slice %arg9[%sub3A_525, %dma_start3A_565, %dma_start3A_566, %dma_start3A_567] : memref<2x2x128x128xf32, #tpu.memory_space<vmem>> -> memref<1x1x128x128xf32, #tpu.memory_space<vmem>>
        %dma_start3A_569 = tpu.memref_squeeze %dma_start3A_568 : memref<1x1x128x128xf32, #tpu.memory_space<vmem>> -> memref<128x128xf32, #tpu.memory_space<vmem>>
        %dma_start3A_570 = arith.constant 0 : i32
        %dma_start3A_571 = tpu.memref_slice %arg7[%add3A_564, %dma_start3A_570] : memref<160x128xi32, #tpu.memory_space<vmem>> -> memref<1x128xi32, #tpu.memory_space<vmem>>
        %dma_start3A_572 = tpu.memref_squeeze %dma_start3A_571 : memref<1x128xi32, #tpu.memory_space<vmem>> -> memref<128xi32, #tpu.memory_space<vmem>>
        %dma_start3A_573 = arith.constant 0 : i32
        %dma_start3A_574 = arith.constant 0 : i32
        %dma_start3A_575 = tpu.memref_slice %arg4[%dma_start3A_573, %dma_start3A_574] : memref<10240x128xf32, #tpu.memory_space<hbm>> -> memref<10240x128xf32, #tpu.memory_space<hbm>>
        %dma_start3A_576 = tpu.memref_slice %arg11[%sub3A_525] : memref<2x!tpu.dma_semaphore, #tpu.memory_space<semaphore_mem>> -> memref<1x!tpu.dma_semaphore, #tpu.memory_space<semaphore_mem>>
        %dma_start3A_577 = tpu.memref_squeeze %dma_start3A_576 : memref<1x!tpu.dma_semaphore, #tpu.memory_space<semaphore_mem>> -> memref<!tpu.dma_semaphore, #tpu.memory_space<semaphore_mem>>
        tpu.enqueue_indirect_dma source(%dma_start3A_575 : memref<10240x128xf32, #tpu.memory_space<hbm>>) target(%dma_start3A_569 : memref<128x128xf32, #tpu.memory_space<vmem>>) offsets(%dma_start3A_572 : memref<128xi32, #tpu.memory_space<vmem>>) semaphore(%dma_start3A_577 : memref<!tpu.dma_semaphore, #tpu.memory_space<semaphore_mem>>)
      } else {
      }
      %get3A = arith.constant 0 : i32
      %get3A_127 = arith.index_cast %rem3A_71 : i32 to index
      %get3A_128 = arith.index_cast %get3A : i32 to index
      %get3A_129 = arith.constant 0 : index
      %get3A_130 = tpu.vector_load %arg8[%get3A_127, %get3A_128, %get3A_129] {strides = array<i32>} : memref<2x2x128xi32, #tpu.memory_space<vmem>>, vector<1x1x16xi32>,
      %get3A_131 = vector.shape_cast %get3A_130 : vector<1x1x16xi32> to vector<16xi32>
      %sub3A = vector.broadcast %mul3A_2 : i32 to vector<16xi32>
      %sub3A_132 = arith.subi %get3A_131, %sub3A : vector<16xi32>
      %ge3A = arith.constant 0 : i32
      %ge3A_133 = vector.broadcast %ge3A : i32 to vector<16xi32>
      %ge3A_134 = arith.cmpi sge, %sub3A_132, %ge3A_133 : vector<16xi32>
      %lt3A_135 = arith.constant 5120 : i32
      %lt3A_136 = vector.broadcast %lt3A_135 : i32 to vector<16xi32>
      %lt3A_137 = arith.cmpi slt, %sub3A_132, %lt3A_136 : vector<16xi32>
      %and3A = arith.andi %ge3A_134, %lt3A_137 : vector<16xi1>
      %jit3A = arith.constant 5120 : i32
      %broadcast_in_dim3A = vector.broadcast %jit3A : i32 to vector<16xi32>
      %select_n3A = arith.select %and3A, %sub3A_132, %broadcast_in_dim3A : vector<16xi1>, vector<16xi32>
      %swap3A = arith.constant 0 : i32
      %swap3A_138 = arith.index_cast %rem3A_71 : i32 to index
      %swap3A_139 = arith.index_cast %swap3A : i32 to index
      %swap3A_140 = arith.constant 0 : index
      %swap3A_141 = tpu.vector_load %arg8[%swap3A_138, %swap3A_139, %swap3A_140] {strides = array<i32>} : memref<2x2x128xi32, #tpu.memory_space<vmem>>, vector<1x1x16xi32>,
      %swap3A_142 = vector.shape_cast %swap3A_141 : vector<1x1x16xi32> to vector<16xi32>
      %swap3A_143 = vector.shape_cast %select_n3A : vector<16xi32> to vector<1x1x16xi32>
      tpu.vector_store %arg8[%swap3A_138, %swap3A_139, %swap3A_140], %swap3A_143 {strides = array<i32>} : memref<2x2x128xi32, #tpu.memory_space<vmem>>, vector<1x1x16xi32>,
      %get3A_144 = arith.constant 0 : i32
      %get3A_145 = arith.index_cast %rem3A_71 : i32 to index
      %get3A_146 = arith.index_cast %get3A_144 : i32 to index
      %get3A_147 = arith.constant 16 : index
      %get3A_148 = tpu.vector_load %arg8[%get3A_145, %get3A_146, %get3A_147] {strides = array<i32>} : memref<2x2x128xi32, #tpu.memory_space<vmem>>, vector<1x1x16xi32>,
      %get3A_149 = vector.shape_cast %get3A_148 : vector<1x1x16xi32> to vector<16xi32>
      %sub3A_150 = vector.broadcast %mul3A_2 : i32 to vector<16xi32>
      %sub3A_151 = arith.subi %get3A_149, %sub3A_150 : vector<16xi32>
      %ge3A_152 = arith.constant 0 : i32
      %ge3A_153 = vector.broadcast %ge3A_152 : i32 to vector<16xi32>
      %ge3A_154 = arith.cmpi sge, %sub3A_151, %ge3A_153 : vector<16xi32>
      %lt3A_155 = arith.constant 5120 : i32
      %lt3A_156 = vector.broadcast %lt3A_155 : i32 to vector<16xi32>
      %lt3A_157 = arith.cmpi slt, %sub3A_151, %lt3A_156 : vector<16xi32>
      %and3A_158 = arith.andi %ge3A_154, %lt3A_157 : vector<16xi1>
      %jit3A_159 = arith.constant 5120 : i32
      %broadcast_in_dim3A_160 = vector.broadcast %jit3A_159 : i32 to vector<16xi32>
      %select_n3A_161 = arith.select %and3A_158, %sub3A_151, %broadcast_in_dim3A_160 : vector<16xi1>, vector<16xi32>
      %swap3A_162 = arith.constant 0 : i32
      %swap3A_163 = arith.index_cast %rem3A_71 : i32 to index
      %swap3A_164 = arith.index_cast %swap3A_162 : i32 to index
      %swap3A_165 = arith.constant 16 : index
      %swap3A_166 = tpu.vector_load %arg8[%swap3A_163, %swap3A_164, %swap3A_165] {strides = array<i32>} : memref<2x2x128xi32, #tpu.memory_space<vmem>>, vector<1x1x16xi32>,
      %swap3A_167 = vector.shape_cast %swap3A_166 : vector<1x1x16xi32> to vector<16xi32>
      %swap3A_168 = vector.shape_cast %select_n3A_161 : vector<16xi32> to vector<1x1x16xi32>
      tpu.vector_store %arg8[%swap3A_163, %swap3A_164, %swap3A_165], %swap3A_168 {strides = array<i32>} : memref<2x2x128xi32, #tpu.memory_space<vmem>>, vector<1x1x16xi32>,
      %get3A_169 = arith.constant 0 : i32
      %get3A_170 = arith.index_cast %rem3A_71 : i32 to index
      %get3A_171 = arith.index_cast %get3A_169 : i32 to index
      %get3A_172 = arith.constant 32 : index
      %get3A_173 = tpu.vector_load %arg8[%get3A_170, %get3A_171, %get3A_172] {strides = array<i32>} : memref<2x2x128xi32, #tpu.memory_space<vmem>>, vector<1x1x16xi32>,
      %get3A_174 = vector.shape_cast %get3A_173 : vector<1x1x16xi32> to vector<16xi32>
      %sub3A_175 = vector.broadcast %mul3A_2 : i32 to vector<16xi32>
      %sub3A_176 = arith.subi %get3A_174, %sub3A_175 : vector<16xi32>
      %ge3A_177 = arith.constant 0 : i32
      %ge3A_178 = vector.broadcast %ge3A_177 : i32 to vector<16xi32>
      %ge3A_179 = arith.cmpi sge, %sub3A_176, %ge3A_178 : vector<16xi32>
      %lt3A_180 = arith.constant 5120 : i32
      %lt3A_181 = vector.broadcast %lt3A_180 : i32 to vector<16xi32>
      %lt3A_182 = arith.cmpi slt, %sub3A_176, %lt3A_181 : vector<16xi32>
      %and3A_183 = arith.andi %ge3A_179, %lt3A_182 : vector<16xi1>
      %jit3A_184 = arith.constant 5120 : i32
      %broadcast_in_dim3A_185 = vector.broadcast %jit3A_184 : i32 to vector<16xi32>
      %select_n3A_186 = arith.select %and3A_183, %sub3A_176, %broadcast_in_dim3A_185 : vector<16xi1>, vector<16xi32>
      %swap3A_187 = arith.constant 0 : i32
      %swap3A_188 = arith.index_cast %rem3A_71 : i32 to index
      %swap3A_189 = arith.index_cast %swap3A_187 : i32 to index
      %swap3A_190 = arith.constant 32 : index
      %swap3A_191 = tpu.vector_load %arg8[%swap3A_188, %swap3A_189, %swap3A_190] {strides = array<i32>} : memref<2x2x128xi32, #tpu.memory_space<vmem>>, vector<1x1x16xi32>,
      %swap3A_192 = vector.shape_cast %swap3A_191 : vector<1x1x16xi32> to vector<16xi32>
      %swap3A_193 = vector.shape_cast %select_n3A_186 : vector<16xi32> to vector<1x1x16xi32>
      tpu.vector_store %arg8[%swap3A_188, %swap3A_189, %swap3A_190], %swap3A_193 {strides = array<i32>} : memref<2x2x128xi32, #tpu.memory_space<vmem>>, vector<1x1x16xi32>,
      %get3A_194 = arith.constant 0 : i32
      %get3A_195 = arith.index_cast %rem3A_71 : i32 to index
      %get3A_196 = arith.index_cast %get3A_194 : i32 to index
      %get3A_197 = arith.constant 48 : index
      %get3A_198 = tpu.vector_load %arg8[%get3A_195, %get3A_196, %get3A_197] {strides = array<i32>} : memref<2x2x128xi32, #tpu.memory_space<vmem>>, vector<1x1x16xi32>,
      %get3A_199 = vector.shape_cast %get3A_198 : vector<1x1x16xi32> to vector<16xi32>
      %sub3A_200 = vector.broadcast %mul3A_2 : i32 to vector<16xi32>
      %sub3A_201 = arith.subi %get3A_199, %sub3A_200 : vector<16xi32>
      %ge3A_202 = arith.constant 0 : i32
      %ge3A_203 = vector.broadcast %ge3A_202 : i32 to vector<16xi32>
      %ge3A_204 = arith.cmpi sge, %sub3A_201, %ge3A_203 : vector<16xi32>
      %lt3A_205 = arith.constant 5120 : i32
      %lt3A_206 = vector.broadcast %lt3A_205 : i32 to vector<16xi32>
      %lt3A_207 = arith.cmpi slt, %sub3A_201, %lt3A_206 : vector<16xi32>
      %and3A_208 = arith.andi %ge3A_204, %lt3A_207 : vector<16xi1>
      %jit3A_209 = arith.constant 5120 : i32
      %broadcast_in_dim3A_210 = vector.broadcast %jit3A_209 : i32 to vector<16xi32>
      %select_n3A_211 = arith.select %and3A_208, %sub3A_201, %broadcast_in_dim3A_210 : vector<16xi1>, vector<16xi32>
      %swap3A_212 = arith.constant 0 : i32
      %swap3A_213 = arith.index_cast %rem3A_71 : i32 to index
      %swap3A_214 = arith.index_cast %swap3A_212 : i32 to index
      %swap3A_215 = arith.constant 48 : index
      %swap3A_216 = tpu.vector_load %arg8[%swap3A_213, %swap3A_214, %swap3A_215] {strides = array<i32>} : memref<2x2x128xi32, #tpu.memory_space<vmem>>, vector<1x1x16xi32>,
      %swap3A_217 = vector.shape_cast %swap3A_216 : vector<1x1x16xi32> to vector<16xi32>
      %swap3A_218 = vector.shape_cast %select_n3A_211 : vector<16xi32> to vector<1x1x16xi32>
      tpu.vector_store %arg8[%swap3A_213, %swap3A_214, %swap3A_215], %swap3A_218 {strides = array<i32>} : memref<2x2x128xi32, #tpu.memory_space<vmem>>, vector<1x1x16xi32>,
      %get3A_219 = arith.constant 0 : i32
      %get3A_220 = arith.index_cast %rem3A_71 : i32 to index
      %get3A_221 = arith.index_cast %get3A_219 : i32 to index
      %get3A_222 = arith.constant 64 : index
      %get3A_223 = tpu.vector_load %arg8[%get3A_220, %get3A_221, %get3A_222] {strides = array<i32>} : memref<2x2x128xi32, #tpu.memory_space<vmem>>, vector<1x1x16xi32>,
      %get3A_224 = vector.shape_cast %get3A_223 : vector<1x1x16xi32> to vector<16xi32>
      %sub3A_225 = vector.broadcast %mul3A_2 : i32 to vector<16xi32>
      %sub3A_226 = arith.subi %get3A_224, %sub3A_225 : vector<16xi32>
      %ge3A_227 = arith.constant 0 : i32
      %ge3A_228 = vector.broadcast %ge3A_227 : i32 to vector<16xi32>
      %ge3A_229 = arith.cmpi sge, %sub3A_226, %ge3A_228 : vector<16xi32>
      %lt3A_230 = arith.constant 5120 : i32
      %lt3A_231 = vector.broadcast %lt3A_230 : i32 to vector<16xi32>
      %lt3A_232 = arith.cmpi slt, %sub3A_226, %lt3A_231 : vector<16xi32>
      %and3A_233 = arith.andi %ge3A_229, %lt3A_232 : vector<16xi1>
      %jit3A_234 = arith.constant 5120 : i32
      %broadcast_in_dim3A_235 = vector.broadcast %jit3A_234 : i32 to vector<16xi32>
      %select_n3A_236 = arith.select %and3A_233, %sub3A_226, %broadcast_in_dim3A_235 : vector<16xi1>, vector<16xi32>
      %swap3A_237 = arith.constant 0 : i32
      %swap3A_238 = arith.index_cast %rem3A_71 : i32 to index
      %swap3A_239 = arith.index_cast %swap3A_237 : i32 to index
      %swap3A_240 = arith.constant 64 : index
      %swap3A_241 = tpu.vector_load %arg8[%swap3A_238, %swap3A_239, %swap3A_240] {strides = array<i32>} : memref<2x2x128xi32, #tpu.memory_space<vmem>>, vector<1x1x16xi32>,
      %swap3A_242 = vector.shape_cast %swap3A_241 : vector<1x1x16xi32> to vector<16xi32>
      %swap3A_243 = vector.shape_cast %select_n3A_236 : vector<16xi32> to vector<1x1x16xi32>
      tpu.vector_store %arg8[%swap3A_238, %swap3A_239, %swap3A_240], %swap3A_243 {strides = array<i32>} : memref<2x2x128xi32, #tpu.memory_space<vmem>>, vector<1x1x16xi32>,
      %get3A_244 = arith.constant 0 : i32
      %get3A_245 = arith.index_cast %rem3A_71 : i32 to index
      %get3A_246 = arith.index_cast %get3A_244 : i32 to index
      %get3A_247 = arith.constant 80 : index
      %get3A_248 = tpu.vector_load %arg8[%get3A_245, %get3A_246, %get3A_247] {strides = array<i32>} : memref<2x2x128xi32, #tpu.memory_space<vmem>>, vector<1x1x16xi32>,
      %get3A_249 = vector.shape_cast %get3A_248 : vector<1x1x16xi32> to vector<16xi32>
      %sub3A_250 = vector.broadcast %mul3A_2 : i32 to vector<16xi32>
      %sub3A_251 = arith.subi %get3A_249, %sub3A_250 : vector<16xi32>
      %ge3A_252 = arith.constant 0 : i32
      %ge3A_253 = vector.broadcast %ge3A_252 : i32 to vector<16xi32>
      %ge3A_254 = arith.cmpi sge, %sub3A_251, %ge3A_253 : vector<16xi32>
      %lt3A_255 = arith.constant 5120 : i32
      %lt3A_256 = vector.broadcast %lt3A_255 : i32 to vector<16xi32>
      %lt3A_257 = arith.cmpi slt, %sub3A_251, %lt3A_256 : vector<16xi32>
      %and3A_258 = arith.andi %ge3A_254, %lt3A_257 : vector<16xi1>
      %jit3A_259 = arith.constant 5120 : i32
      %broadcast_in_dim3A_260 = vector.broadcast %jit3A_259 : i32 to vector<16xi32>
      %select_n3A_261 = arith.select %and3A_258, %sub3A_251, %broadcast_in_dim3A_260 : vector<16xi1>, vector<16xi32>
      %swap3A_262 = arith.constant 0 : i32
      %swap3A_263 = arith.index_cast %rem3A_71 : i32 to index
      %swap3A_264 = arith.index_cast %swap3A_262 : i32 to index
      %swap3A_265 = arith.constant 80 : index
      %swap3A_266 = tpu.vector_load %arg8[%swap3A_263, %swap3A_264, %swap3A_265] {strides = array<i32>} : memref<2x2x128xi32, #tpu.memory_space<vmem>>, vector<1x1x16xi32>,
      %swap3A_267 = vector.shape_cast %swap3A_266 : vector<1x1x16xi32> to vector<16xi32>
      %swap3A_268 = vector.shape_cast %select_n3A_261 : vector<16xi32> to vector<1x1x16xi32>
      tpu.vector_store %arg8[%swap3A_263, %swap3A_264, %swap3A_265], %swap3A_268 {strides = array<i32>} : memref<2x2x128xi32, #tpu.memory_space<vmem>>, vector<1x1x16xi32>,
      %get3A_269 = arith.constant 0 : i32
      %get3A_270 = arith.index_cast %rem3A_71 : i32 to index
      %get3A_271 = arith.index_cast %get3A_269 : i32 to index
      %get3A_272 = arith.constant 96 : index
      %get3A_273 = tpu.vector_load %arg8[%get3A_270, %get3A_271, %get3A_272] {strides = array<i32>} : memref<2x2x128xi32, #tpu.memory_space<vmem>>, vector<1x1x16xi32>,
      %get3A_274 = vector.shape_cast %get3A_273 : vector<1x1x16xi32> to vector<16xi32>
      %sub3A_275 = vector.broadcast %mul3A_2 : i32 to vector<16xi32>
      %sub3A_276 = arith.subi %get3A_274, %sub3A_275 : vector<16xi32>
      %ge3A_277 = arith.constant 0 : i32
      %ge3A_278 = vector.broadcast %ge3A_277 : i32 to vector<16xi32>
      %ge3A_279 = arith.cmpi sge, %sub3A_276, %ge3A_278 : vector<16xi32>
      %lt3A_280 = arith.constant 5120 : i32
      %lt3A_281 = vector.broadcast %lt3A_280 : i32 to vector<16xi32>
      %lt3A_282 = arith.cmpi slt, %sub3A_276, %lt3A_281 : vector<16xi32>
      %and3A_283 = arith.andi %ge3A_279, %lt3A_282 : vector<16xi1>
      %jit3A_284 = arith.constant 5120 : i32
      %broadcast_in_dim3A_285 = vector.broadcast %jit3A_284 : i32 to vector<16xi32>
      %select_n3A_286 = arith.select %and3A_283, %sub3A_276, %broadcast_in_dim3A_285 : vector<16xi1>, vector<16xi32>
      %swap3A_287 = arith.constant 0 : i32
      %swap3A_288 = arith.index_cast %rem3A_71 : i32 to index
      %swap3A_289 = arith.index_cast %swap3A_287 : i32 to index
      %swap3A_290 = arith.constant 96 : index
      %swap3A_291 = tpu.vector_load %arg8[%swap3A_288, %swap3A_289, %swap3A_290] {strides = array<i32>} : memref<2x2x128xi32, #tpu.memory_space<vmem>>, vector<1x1x16xi32>,
      %swap3A_292 = vector.shape_cast %swap3A_291 : vector<1x1x16xi32> to vector<16xi32>
      %swap3A_293 = vector.shape_cast %select_n3A_286 : vector<16xi32> to vector<1x1x16xi32>
      tpu.vector_store %arg8[%swap3A_288, %swap3A_289, %swap3A_290], %swap3A_293 {strides = array<i32>} : memref<2x2x128xi32, #tpu.memory_space<vmem>>, vector<1x1x16xi32>,
      %get3A_294 = arith.constant 0 : i32
      %get3A_295 = arith.index_cast %rem3A_71 : i32 to index
      %get3A_296 = arith.index_cast %get3A_294 : i32 to index
      %get3A_297 = arith.constant 112 : index
      %get3A_298 = tpu.vector_load %arg8[%get3A_295, %get3A_296, %get3A_297] {strides = array<i32>} : memref<2x2x128xi32, #tpu.memory_space<vmem>>, vector<1x1x16xi32>,
      %get3A_299 = vector.shape_cast %get3A_298 : vector<1x1x16xi32> to vector<16xi32>
      %sub3A_300 = vector.broadcast %mul3A_2 : i32 to vector<16xi32>
      %sub3A_301 = arith.subi %get3A_299, %sub3A_300 : vector<16xi32>
      %ge3A_302 = arith.constant 0 : i32
      %ge3A_303 = vector.broadcast %ge3A_302 : i32 to vector<16xi32>
      %ge3A_304 = arith.cmpi sge, %sub3A_301, %ge3A_303 : vector<16xi32>
      %lt3A_305 = arith.constant 5120 : i32
      %lt3A_306 = vector.broadcast %lt3A_305 : i32 to vector<16xi32>
      %lt3A_307 = arith.cmpi slt, %sub3A_301, %lt3A_306 : vector<16xi32>
      %and3A_308 = arith.andi %ge3A_304, %lt3A_307 : vector<16xi1>
      %jit3A_309 = arith.constant 5120 : i32
      %broadcast_in_dim3A_310 = vector.broadcast %jit3A_309 : i32 to vector<16xi32>
      %select_n3A_311 = arith.select %and3A_308, %sub3A_301, %broadcast_in_dim3A_310 : vector<16xi1>, vector<16xi32>
      %swap3A_312 = arith.constant 0 : i32
      %swap3A_313 = arith.index_cast %rem3A_71 : i32 to index
      %swap3A_314 = arith.index_cast %swap3A_312 : i32 to index
      %swap3A_315 = arith.constant 112 : index
      %swap3A_316 = tpu.vector_load %arg8[%swap3A_313, %swap3A_314, %swap3A_315] {strides = array<i32>} : memref<2x2x128xi32, #tpu.memory_space<vmem>>, vector<1x1x16xi32>,
      %swap3A_317 = vector.shape_cast %swap3A_316 : vector<1x1x16xi32> to vector<16xi32>
      %swap3A_318 = vector.shape_cast %select_n3A_311 : vector<16xi32> to vector<1x1x16xi32>
      tpu.vector_store %arg8[%swap3A_313, %swap3A_314, %swap3A_315], %swap3A_318 {strides = array<i32>} : memref<2x2x128xi32, #tpu.memory_space<vmem>>, vector<1x1x16xi32>,
      %get3A_319 = arith.constant 1 : i32
      %get3A_320 = arith.index_cast %rem3A_71 : i32 to index
      %get3A_321 = arith.index_cast %get3A_319 : i32 to index
      %get3A_322 = arith.constant 0 : index
      %get3A_323 = tpu.vector_load %arg8[%get3A_320, %get3A_321, %get3A_322] {strides = array<i32>} : memref<2x2x128xi32, #tpu.memory_space<vmem>>, vector<1x1x16xi32>,
      %get3A_324 = vector.shape_cast %get3A_323 : vector<1x1x16xi32> to vector<16xi32>
      %sub3A_325 = vector.broadcast %mul3A_2 : i32 to vector<16xi32>
      %sub3A_326 = arith.subi %get3A_324, %sub3A_325 : vector<16xi32>
      %ge3A_327 = arith.constant 0 : i32
      %ge3A_328 = vector.broadcast %ge3A_327 : i32 to vector<16xi32>
      %ge3A_329 = arith.cmpi sge, %sub3A_326, %ge3A_328 : vector<16xi32>
      %lt3A_330 = arith.constant 5120 : i32
      %lt3A_331 = vector.broadcast %lt3A_330 : i32 to vector<16xi32>
      %lt3A_332 = arith.cmpi slt, %sub3A_326, %lt3A_331 : vector<16xi32>
      %and3A_333 = arith.andi %ge3A_329, %lt3A_332 : vector<16xi1>
      %jit3A_334 = arith.constant 5120 : i32
      %broadcast_in_dim3A_335 = vector.broadcast %jit3A_334 : i32 to vector<16xi32>
      %select_n3A_336 = arith.select %and3A_333, %sub3A_326, %broadcast_in_dim3A_335 : vector<16xi1>, vector<16xi32>
      %swap3A_337 = arith.constant 1 : i32
      %swap3A_338 = arith.index_cast %rem3A_71 : i32 to index
      %swap3A_339 = arith.index_cast %swap3A_337 : i32 to index
      %swap3A_340 = arith.constant 0 : index
      %swap3A_341 = tpu.vector_load %arg8[%swap3A_338, %swap3A_339, %swap3A_340] {strides = array<i32>} : memref<2x2x128xi32, #tpu.memory_space<vmem>>, vector<1x1x16xi32>,
      %swap3A_342 = vector.shape_cast %swap3A_341 : vector<1x1x16xi32> to vector<16xi32>
      %swap3A_343 = vector.shape_cast %select_n3A_336 : vector<16xi32> to vector<1x1x16xi32>
      tpu.vector_store %arg8[%swap3A_338, %swap3A_339, %swap3A_340], %swap3A_343 {strides = array<i32>} : memref<2x2x128xi32, #tpu.memory_space<vmem>>, vector<1x1x16xi32>,
      %get3A_344 = arith.constant 1 : i32
      %get3A_345 = arith.index_cast %rem3A_71 : i32 to index
      %get3A_346 = arith.index_cast %get3A_344 : i32 to index
      %get3A_347 = arith.constant 16 : index
      %get3A_348 = tpu.vector_load %arg8[%get3A_345, %get3A_346, %get3A_347] {strides = array<i32>} : memref<2x2x128xi32, #tpu.memory_space<vmem>>, vector<1x1x16xi32>,
      %get3A_349 = vector.shape_cast %get3A_348 : vector<1x1x16xi32> to vector<16xi32>
      %sub3A_350 = vector.broadcast %mul3A_2 : i32 to vector<16xi32>
      %sub3A_351 = arith.subi %get3A_349, %sub3A_350 : vector<16xi32>
      %ge3A_352 = arith.constant 0 : i32
      %ge3A_353 = vector.broadcast %ge3A_352 : i32 to vector<16xi32>
      %ge3A_354 = arith.cmpi sge, %sub3A_351, %ge3A_353 : vector<16xi32>
      %lt3A_355 = arith.constant 5120 : i32
      %lt3A_356 = vector.broadcast %lt3A_355 : i32 to vector<16xi32>
      %lt3A_357 = arith.cmpi slt, %sub3A_351, %lt3A_356 : vector<16xi32>
      %and3A_358 = arith.andi %ge3A_354, %lt3A_357 : vector<16xi1>
      %jit3A_359 = arith.constant 5120 : i32
      %broadcast_in_dim3A_360 = vector.broadcast %jit3A_359 : i32 to vector<16xi32>
      %select_n3A_361 = arith.select %and3A_358, %sub3A_351, %broadcast_in_dim3A_360 : vector<16xi1>, vector<16xi32>
      %swap3A_362 = arith.constant 1 : i32
      %swap3A_363 = arith.index_cast %rem3A_71 : i32 to index
      %swap3A_364 = arith.index_cast %swap3A_362 : i32 to index
      %swap3A_365 = arith.constant 16 : index
      %swap3A_366 = tpu.vector_load %arg8[%swap3A_363, %swap3A_364, %swap3A_365] {strides = array<i32>} : memref<2x2x128xi32, #tpu.memory_space<vmem>>, vector<1x1x16xi32>,
      %swap3A_367 = vector.shape_cast %swap3A_366 : vector<1x1x16xi32> to vector<16xi32>
      %swap3A_368 = vector.shape_cast %select_n3A_361 : vector<16xi32> to vector<1x1x16xi32>
      tpu.vector_store %arg8[%swap3A_363, %swap3A_364, %swap3A_365], %swap3A_368 {strides = array<i32>} : memref<2x2x128xi32, #tpu.memory_space<vmem>>, vector<1x1x16xi32>,
      %get3A_369 = arith.constant 1 : i32
      %get3A_370 = arith.index_cast %rem3A_71 : i32 to index
      %get3A_371 = arith.index_cast %get3A_369 : i32 to index
      %get3A_372 = arith.constant 32 : index
      %get3A_373 = tpu.vector_load %arg8[%get3A_370, %get3A_371, %get3A_372] {strides = array<i32>} : memref<2x2x128xi32, #tpu.memory_space<vmem>>, vector<1x1x16xi32>,
      %get3A_374 = vector.shape_cast %get3A_373 : vector<1x1x16xi32> to vector<16xi32>
      %sub3A_375 = vector.broadcast %mul3A_2 : i32 to vector<16xi32>
      %sub3A_376 = arith.subi %get3A_374, %sub3A_375 : vector<16xi32>
      %ge3A_377 = arith.constant 0 : i32
      %ge3A_378 = vector.broadcast %ge3A_377 : i32 to vector<16xi32>
      %ge3A_379 = arith.cmpi sge, %sub3A_376, %ge3A_378 : vector<16xi32>
      %lt3A_380 = arith.constant 5120 : i32
      %lt3A_381 = vector.broadcast %lt3A_380 : i32 to vector<16xi32>
      %lt3A_382 = arith.cmpi slt, %sub3A_376, %lt3A_381 : vector<16xi32>
      %and3A_383 = arith.andi %ge3A_379, %lt3A_382 : vector<16xi1>
      %jit3A_384 = arith.constant 5120 : i32
      %broadcast_in_dim3A_385 = vector.broadcast %jit3A_384 : i32 to vector<16xi32>
      %select_n3A_386 = arith.select %and3A_383, %sub3A_376, %broadcast_in_dim3A_385 : vector<16xi1>, vector<16xi32>
      %swap3A_387 = arith.constant 1 : i32
      %swap3A_388 = arith.index_cast %rem3A_71 : i32 to index
      %swap3A_389 = arith.index_cast %swap3A_387 : i32 to index
      %swap3A_390 = arith.constant 32 : index
      %swap3A_391 = tpu.vector_load %arg8[%swap3A_388, %swap3A_389, %swap3A_390] {strides = array<i32>} : memref<2x2x128xi32, #tpu.memory_space<vmem>>, vector<1x1x16xi32>,
      %swap3A_392 = vector.shape_cast %swap3A_391 : vector<1x1x16xi32> to vector<16xi32>
      %swap3A_393 = vector.shape_cast %select_n3A_386 : vector<16xi32> to vector<1x1x16xi32>
      tpu.vector_store %arg8[%swap3A_388, %swap3A_389, %swap3A_390], %swap3A_393 {strides = array<i32>} : memref<2x2x128xi32, #tpu.memory_space<vmem>>, vector<1x1x16xi32>,
      %get3A_394 = arith.constant 1 : i32
      %get3A_395 = arith.index_cast %rem3A_71 : i32 to index
      %get3A_396 = arith.index_cast %get3A_394 : i32 to index
      %get3A_397 = arith.constant 48 : index
      %get3A_398 = tpu.vector_load %arg8[%get3A_395, %get3A_396, %get3A_397] {strides = array<i32>} : memref<2x2x128xi32, #tpu.memory_space<vmem>>, vector<1x1x16xi32>,
      %get3A_399 = vector.shape_cast %get3A_398 : vector<1x1x16xi32> to vector<16xi32>
      %sub3A_400 = vector.broadcast %mul3A_2 : i32 to vector<16xi32>
      %sub3A_401 = arith.subi %get3A_399, %sub3A_400 : vector<16xi32>
      %ge3A_402 = arith.constant 0 : i32
      %ge3A_403 = vector.broadcast %ge3A_402 : i32 to vector<16xi32>
      %ge3A_404 = arith.cmpi sge, %sub3A_401, %ge3A_403 : vector<16xi32>
      %lt3A_405 = arith.constant 5120 : i32
      %lt3A_406 = vector.broadcast %lt3A_405 : i32 to vector<16xi32>
      %lt3A_407 = arith.cmpi slt, %sub3A_401, %lt3A_406 : vector<16xi32>
      %and3A_408 = arith.andi %ge3A_404, %lt3A_407 : vector<16xi1>
      %jit3A_409 = arith.constant 5120 : i32
      %broadcast_in_dim3A_410 = vector.broadcast %jit3A_409 : i32 to vector<16xi32>
      %select_n3A_411 = arith.select %and3A_408, %sub3A_401, %broadcast_in_dim3A_410 : vector<16xi1>, vector<16xi32>
      %swap3A_412 = arith.constant 1 : i32
      %swap3A_413 = arith.index_cast %rem3A_71 : i32 to index
      %swap3A_414 = arith.index_cast %swap3A_412 : i32 to index
      %swap3A_415 = arith.constant 48 : index
      %swap3A_416 = tpu.vector_load %arg8[%swap3A_413, %swap3A_414, %swap3A_415] {strides = array<i32>} : memref<2x2x128xi32, #tpu.memory_space<vmem>>, vector<1x1x16xi32>,
      %swap3A_417 = vector.shape_cast %swap3A_416 : vector<1x1x16xi32> to vector<16xi32>
      %swap3A_418 = vector.shape_cast %select_n3A_411 : vector<16xi32> to vector<1x1x16xi32>
      tpu.vector_store %arg8[%swap3A_413, %swap3A_414, %swap3A_415], %swap3A_418 {strides = array<i32>} : memref<2x2x128xi32, #tpu.memory_space<vmem>>, vector<1x1x16xi32>,
      %get3A_419 = arith.constant 1 : i32
      %get3A_420 = arith.index_cast %rem3A_71 : i32 to index
      %get3A_421 = arith.index_cast %get3A_419 : i32 to index
      %get3A_422 = arith.constant 64 : index
      %get3A_423 = tpu.vector_load %arg8[%get3A_420, %get3A_421, %get3A_422] {strides = array<i32>} : memref<2x2x128xi32, #tpu.memory_space<vmem>>, vector<1x1x16xi32>,
      %get3A_424 = vector.shape_cast %get3A_423 : vector<1x1x16xi32> to vector<16xi32>
      %sub3A_425 = vector.broadcast %mul3A_2 : i32 to vector<16xi32>
      %sub3A_426 = arith.subi %get3A_424, %sub3A_425 : vector<16xi32>
      %ge3A_427 = arith.constant 0 : i32
      %ge3A_428 = vector.broadcast %ge3A_427 : i32 to vector<16xi32>
      %ge3A_429 = arith.cmpi sge, %sub3A_426, %ge3A_428 : vector<16xi32>
      %lt3A_430 = arith.constant 5120 : i32
      %lt3A_431 = vector.broadcast %lt3A_430 : i32 to vector<16xi32>
      %lt3A_432 = arith.cmpi slt, %sub3A_426, %lt3A_431 : vector<16xi32>
      %and3A_433 = arith.andi %ge3A_429, %lt3A_432 : vector<16xi1>
      %jit3A_434 = arith.constant 5120 : i32
      %broadcast_in_dim3A_435 = vector.broadcast %jit3A_434 : i32 to vector<16xi32>
      %select_n3A_436 = arith.select %and3A_433, %sub3A_426, %broadcast_in_dim3A_435 : vector<16xi1>, vector<16xi32>
      %swap3A_437 = arith.constant 1 : i32
      %swap3A_438 = arith.index_cast %rem3A_71 : i32 to index
      %swap3A_439 = arith.index_cast %swap3A_437 : i32 to index
      %swap3A_440 = arith.constant 64 : index
      %swap3A_441 = tpu.vector_load %arg8[%swap3A_438, %swap3A_439, %swap3A_440] {strides = array<i32>} : memref<2x2x128xi32, #tpu.memory_space<vmem>>, vector<1x1x16xi32>,
      %swap3A_442 = vector.shape_cast %swap3A_441 : vector<1x1x16xi32> to vector<16xi32>
      %swap3A_443 = vector.shape_cast %select_n3A_436 : vector<16xi32> to vector<1x1x16xi32>
      tpu.vector_store %arg8[%swap3A_438, %swap3A_439, %swap3A_440], %swap3A_443 {strides = array<i32>} : memref<2x2x128xi32, #tpu.memory_space<vmem>>, vector<1x1x16xi32>,
      %get3A_444 = arith.constant 1 : i32
      %get3A_445 = arith.index_cast %rem3A_71 : i32 to index
      %get3A_446 = arith.index_cast %get3A_444 : i32 to index
      %get3A_447 = arith.constant 80 : index
      %get3A_448 = tpu.vector_load %arg8[%get3A_445, %get3A_446, %get3A_447] {strides = array<i32>} : memref<2x2x128xi32, #tpu.memory_space<vmem>>, vector<1x1x16xi32>,
      %get3A_449 = vector.shape_cast %get3A_448 : vector<1x1x16xi32> to vector<16xi32>
      %sub3A_450 = vector.broadcast %mul3A_2 : i32 to vector<16xi32>
      %sub3A_451 = arith.subi %get3A_449, %sub3A_450 : vector<16xi32>
      %ge3A_452 = arith.constant 0 : i32
      %ge3A_453 = vector.broadcast %ge3A_452 : i32 to vector<16xi32>
      %ge3A_454 = arith.cmpi sge, %sub3A_451, %ge3A_453 : vector<16xi32>
      %lt3A_455 = arith.constant 5120 : i32
      %lt3A_456 = vector.broadcast %lt3A_455 : i32 to vector<16xi32>
      %lt3A_457 = arith.cmpi slt, %sub3A_451, %lt3A_456 : vector<16xi32>
      %and3A_458 = arith.andi %ge3A_454, %lt3A_457 : vector<16xi1>
      %jit3A_459 = arith.constant 5120 : i32
      %broadcast_in_dim3A_460 = vector.broadcast %jit3A_459 : i32 to vector<16xi32>
      %select_n3A_461 = arith.select %and3A_458, %sub3A_451, %broadcast_in_dim3A_460 : vector<16xi1>, vector<16xi32>
      %swap3A_462 = arith.constant 1 : i32
      %swap3A_463 = arith.index_cast %rem3A_71 : i32 to index
      %swap3A_464 = arith.index_cast %swap3A_462 : i32 to index
      %swap3A_465 = arith.constant 80 : index
      %swap3A_466 = tpu.vector_load %arg8[%swap3A_463, %swap3A_464, %swap3A_465] {strides = array<i32>} : memref<2x2x128xi32, #tpu.memory_space<vmem>>, vector<1x1x16xi32>,
      %swap3A_467 = vector.shape_cast %swap3A_466 : vector<1x1x16xi32> to vector<16xi32>
      %swap3A_468 = vector.shape_cast %select_n3A_461 : vector<16xi32> to vector<1x1x16xi32>
      tpu.vector_store %arg8[%swap3A_463, %swap3A_464, %swap3A_465], %swap3A_468 {strides = array<i32>} : memref<2x2x128xi32, #tpu.memory_space<vmem>>, vector<1x1x16xi32>,
      %get3A_469 = arith.constant 1 : i32
      %get3A_470 = arith.index_cast %rem3A_71 : i32 to index
      %get3A_471 = arith.index_cast %get3A_469 : i32 to index
      %get3A_472 = arith.constant 96 : index
      %get3A_473 = tpu.vector_load %arg8[%get3A_470, %get3A_471, %get3A_472] {strides = array<i32>} : memref<2x2x128xi32, #tpu.memory_space<vmem>>, vector<1x1x16xi32>,
      %get3A_474 = vector.shape_cast %get3A_473 : vector<1x1x16xi32> to vector<16xi32>
      %sub3A_475 = vector.broadcast %mul3A_2 : i32 to vector<16xi32>
      %sub3A_476 = arith.subi %get3A_474, %sub3A_475 : vector<16xi32>
      %ge3A_477 = arith.constant 0 : i32
      %ge3A_478 = vector.broadcast %ge3A_477 : i32 to vector<16xi32>
      %ge3A_479 = arith.cmpi sge, %sub3A_476, %ge3A_478 : vector<16xi32>
      %lt3A_480 = arith.constant 5120 : i32
      %lt3A_481 = vector.broadcast %lt3A_480 : i32 to vector<16xi32>
      %lt3A_482 = arith.cmpi slt, %sub3A_476, %lt3A_481 : vector<16xi32>
      %and3A_483 = arith.andi %ge3A_479, %lt3A_482 : vector<16xi1>
      %jit3A_484 = arith.constant 5120 : i32
      %broadcast_in_dim3A_485 = vector.broadcast %jit3A_484 : i32 to vector<16xi32>
      %select_n3A_486 = arith.select %and3A_483, %sub3A_476, %broadcast_in_dim3A_485 : vector<16xi1>, vector<16xi32>
      %swap3A_487 = arith.constant 1 : i32
      %swap3A_488 = arith.index_cast %rem3A_71 : i32 to index
      %swap3A_489 = arith.index_cast %swap3A_487 : i32 to index
      %swap3A_490 = arith.constant 96 : index
      %swap3A_491 = tpu.vector_load %arg8[%swap3A_488, %swap3A_489, %swap3A_490] {strides = array<i32>} : memref<2x2x128xi32, #tpu.memory_space<vmem>>, vector<1x1x16xi32>,
      %swap3A_492 = vector.shape_cast %swap3A_491 : vector<1x1x16xi32> to vector<16xi32>
      %swap3A_493 = vector.shape_cast %select_n3A_486 : vector<16xi32> to vector<1x1x16xi32>
      tpu.vector_store %arg8[%swap3A_488, %swap3A_489, %swap3A_490], %swap3A_493 {strides = array<i32>} : memref<2x2x128xi32, #tpu.memory_space<vmem>>, vector<1x1x16xi32>,
      %get3A_494 = arith.constant 1 : i32
      %get3A_495 = arith.index_cast %rem3A_71 : i32 to index
      %get3A_496 = arith.index_cast %get3A_494 : i32 to index
      %get3A_497 = arith.constant 112 : index
      %get3A_498 = tpu.vector_load %arg8[%get3A_495, %get3A_496, %get3A_497] {strides = array<i32>} : memref<2x2x128xi32, #tpu.memory_space<vmem>>, vector<1x1x16xi32>,
      %get3A_499 = vector.shape_cast %get3A_498 : vector<1x1x16xi32> to vector<16xi32>
      %sub3A_500 = vector.broadcast %mul3A_2 : i32 to vector<16xi32>
      %sub3A_501 = arith.subi %get3A_499, %sub3A_500 : vector<16xi32>
      %ge3A_502 = arith.constant 0 : i32
      %ge3A_503 = vector.broadcast %ge3A_502 : i32 to vector<16xi32>
      %ge3A_504 = arith.cmpi sge, %sub3A_501, %ge3A_503 : vector<16xi32>
      %lt3A_505 = arith.constant 5120 : i32
      %lt3A_506 = vector.broadcast %lt3A_505 : i32 to vector<16xi32>
      %lt3A_507 = arith.cmpi slt, %sub3A_501, %lt3A_506 : vector<16xi32>
      %and3A_508 = arith.andi %ge3A_504, %lt3A_507 : vector<16xi1>
      %jit3A_509 = arith.constant 5120 : i32
      %broadcast_in_dim3A_510 = vector.broadcast %jit3A_509 : i32 to vector<16xi32>
      %select_n3A_511 = arith.select %and3A_508, %sub3A_501, %broadcast_in_dim3A_510 : vector<16xi1>, vector<16xi32>
      %swap3A_512 = arith.constant 1 : i32
      %swap3A_513 = arith.index_cast %rem3A_71 : i32 to index
      %swap3A_514 = arith.index_cast %swap3A_512 : i32 to index
      %swap3A_515 = arith.constant 112 : index
      %swap3A_516 = tpu.vector_load %arg8[%swap3A_513, %swap3A_514, %swap3A_515] {strides = array<i32>} : memref<2x2x128xi32, #tpu.memory_space<vmem>>, vector<1x1x16xi32>,
      %swap3A_517 = vector.shape_cast %swap3A_516 : vector<1x1x16xi32> to vector<16xi32>
      %swap3A_518 = vector.shape_cast %select_n3A_511 : vector<16xi32> to vector<1x1x16xi32>
      tpu.vector_store %arg8[%swap3A_513, %swap3A_514, %swap3A_515], %swap3A_518 {strides = array<i32>} : memref<2x2x128xi32, #tpu.memory_space<vmem>>, vector<1x1x16xi32>,
      %run_scoped3A = arith.constant 0 : i32
      %run_scoped3A_519 = arith.constant 0 : i32
      "tpu.region"() ({
        %run_scoped3A_522 = tpu.sem_alloc : memref<!tpu.dma_semaphore, #tpu.memory_space<semaphore_mem>>
        %dma_start3A_523 = arith.constant 0 : i32
        %dma_start3A_524 = arith.constant 0 : i32
        %dma_start3A_525 = tpu.memref_slice %arg9[%rem3A_71, %run_scoped3A, %dma_start3A_523, %dma_start3A_524] : memref<2x2x128x128xf32, #tpu.memory_space<vmem>> -> memref<1x1x128x128xf32, #tpu.memory_space<vmem>>
        %dma_start3A_526 = tpu.memref_squeeze %dma_start3A_525 : memref<1x1x128x128xf32, #tpu.memory_space<vmem>> -> memref<128x128xf32, #tpu.memory_space<vmem>>
        %dma_start3A_527 = arith.constant 0 : i32
        %dma_start3A_528 = tpu.memref_slice %arg8[%rem3A_71, %run_scoped3A_519, %dma_start3A_527] : memref<2x2x128xi32, #tpu.memory_space<vmem>> -> memref<1x1x128xi32, #tpu.memory_space<vmem>>
        %dma_start3A_529 = tpu.memref_squeeze %dma_start3A_528 : memref<1x1x128xi32, #tpu.memory_space<vmem>> -> memref<128xi32, #tpu.memory_space<vmem>>
        %dma_start3A_530 = arith.constant 0 : i32
        %dma_start3A_531 = arith.constant 0 : i32
        %dma_start3A_532 = tpu.memref_slice %arg10[%dma_start3A_530, %dma_start3A_531] : memref<5248x128xf32, #tpu.memory_space<vmem_shared>> -> memref<5248x128xf32, #tpu.memory_space<vmem_shared>>
        tpu.enqueue_indirect_dma source(%dma_start3A_526 : memref<128x128xf32, #tpu.memory_space<vmem>>) target(%dma_start3A_532 : memref<5248x128xf32, #tpu.memory_space<vmem_shared>>) offsets(%dma_start3A_529 : memref<128xi32, #tpu.memory_space<vmem>>) semaphore(%run_scoped3A_522 : memref<!tpu.dma_semaphore, #tpu.memory_space<semaphore_mem>>) {add = true}
        %dma_wait3A_533 = arith.constant 0 : i32
        %dma_wait3A_534 = arith.constant 0 : i32
        %dma_wait3A_535 = tpu.memref_slice %arg9[%rem3A_71, %run_scoped3A, %dma_wait3A_533, %dma_wait3A_534] : memref<2x2x128x128xf32, #tpu.memory_space<vmem>> -> memref<1x1x128x128xf32, #tpu.memory_space<vmem>>
        %dma_wait3A_536 = tpu.memref_squeeze %dma_wait3A_535 : memref<1x1x128x128xf32, #tpu.memory_space<vmem>> -> memref<128x128xf32, #tpu.memory_space<vmem>>
        %dma_wait3A_537 = arith.constant 0 : i32
        %dma_wait3A_538 = tpu.memref_slice %arg8[%rem3A_71, %run_scoped3A_519, %dma_wait3A_537] : memref<2x2x128xi32, #tpu.memory_space<vmem>> -> memref<1x1x128xi32, #tpu.memory_space<vmem>>
        %dma_wait3A_539 = tpu.memref_squeeze %dma_wait3A_538 : memref<1x1x128xi32, #tpu.memory_space<vmem>> -> memref<128xi32, #tpu.memory_space<vmem>>
        %dma_wait3A_540 = arith.constant 0 : i32
        %dma_wait3A_541 = arith.constant 0 : i32
        %dma_wait3A_542 = tpu.memref_slice %arg10[%dma_wait3A_540, %dma_wait3A_541] : memref<5248x128xf32, #tpu.memory_space<vmem_shared>> -> memref<5248x128xf32, #tpu.memory_space<vmem_shared>>
        tpu.wait_indirect_dma semaphore(%run_scoped3A_522 : memref<!tpu.dma_semaphore, #tpu.memory_space<semaphore_mem>>) src(%dma_wait3A_536 : memref<128x128xf32, #tpu.memory_space<vmem>>) dst(%dma_wait3A_542 : memref<5248x128xf32, #tpu.memory_space<vmem_shared>>)
        tpu.yield
      }) : () -> ()
      %run_scoped3A_520 = arith.constant 1 : i32
      %run_scoped3A_521 = arith.constant 1 : i32
      "tpu.region"() ({
        %run_scoped3A_522 = tpu.sem_alloc : memref<!tpu.dma_semaphore, #tpu.memory_space<semaphore_mem>>
        %dma_start3A_523 = arith.constant 0 : i32
        %dma_start3A_524 = arith.constant 0 : i32
        %dma_start3A_525 = tpu.memref_slice %arg9[%rem3A_71, %run_scoped3A_520, %dma_start3A_523, %dma_start3A_524] : memref<2x2x128x128xf32, #tpu.memory_space<vmem>> -> memref<1x1x128x128xf32, #tpu.memory_space<vmem>>
        %dma_start3A_526 = tpu.memref_squeeze %dma_start3A_525 : memref<1x1x128x128xf32, #tpu.memory_space<vmem>> -> memref<128x128xf32, #tpu.memory_space<vmem>>
        %dma_start3A_527 = arith.constant 0 : i32
        %dma_start3A_528 = tpu.memref_slice %arg8[%rem3A_71, %run_scoped3A_521, %dma_start3A_527] : memref<2x2x128xi32, #tpu.memory_space<vmem>> -> memref<1x1x128xi32, #tpu.memory_space<vmem>>
        %dma_start3A_529 = tpu.memref_squeeze %dma_start3A_528 : memref<1x1x128xi32, #tpu.memory_space<vmem>> -> memref<128xi32, #tpu.memory_space<vmem>>
        %dma_start3A_530 = arith.constant 0 : i32
        %dma_start3A_531 = arith.constant 0 : i32
        %dma_start3A_532 = tpu.memref_slice %arg10[%dma_start3A_530, %dma_start3A_531] : memref<5248x128xf32, #tpu.memory_space<vmem_shared>> -> memref<5248x128xf32, #tpu.memory_space<vmem_shared>>
        tpu.enqueue_indirect_dma source(%dma_start3A_526 : memref<128x128xf32, #tpu.memory_space<vmem>>) target(%dma_start3A_532 : memref<5248x128xf32, #tpu.memory_space<vmem_shared>>) offsets(%dma_start3A_529 : memref<128xi32, #tpu.memory_space<vmem>>) semaphore(%run_scoped3A_522 : memref<!tpu.dma_semaphore, #tpu.memory_space<semaphore_mem>>) {add = true}
        %dma_wait3A_533 = arith.constant 0 : i32
        %dma_wait3A_534 = arith.constant 0 : i32
        %dma_wait3A_535 = tpu.memref_slice %arg9[%rem3A_71, %run_scoped3A_520, %dma_wait3A_533, %dma_wait3A_534] : memref<2x2x128x128xf32, #tpu.memory_space<vmem>> -> memref<1x1x128x128xf32, #tpu.memory_space<vmem>>
        %dma_wait3A_536 = tpu.memref_squeeze %dma_wait3A_535 : memref<1x1x128x128xf32, #tpu.memory_space<vmem>> -> memref<128x128xf32, #tpu.memory_space<vmem>>
        %dma_wait3A_537 = arith.constant 0 : i32
        %dma_wait3A_538 = tpu.memref_slice %arg8[%rem3A_71, %run_scoped3A_521, %dma_wait3A_537] : memref<2x2x128xi32, #tpu.memory_space<vmem>> -> memref<1x1x128xi32, #tpu.memory_space<vmem>>
        %dma_wait3A_539 = tpu.memref_squeeze %dma_wait3A_538 : memref<1x1x128xi32, #tpu.memory_space<vmem>> -> memref<128xi32, #tpu.memory_space<vmem>>
        %dma_wait3A_540 = arith.constant 0 : i32
        %dma_wait3A_541 = arith.constant 0 : i32
        %dma_wait3A_542 = tpu.memref_slice %arg10[%dma_wait3A_540, %dma_wait3A_541] : memref<5248x128xf32, #tpu.memory_space<vmem_shared>> -> memref<5248x128xf32, #tpu.memory_space<vmem_shared>>
        tpu.wait_indirect_dma semaphore(%run_scoped3A_522 : memref<!tpu.dma_semaphore, #tpu.memory_space<semaphore_mem>>) src(%dma_wait3A_536 : memref<128x128xf32, #tpu.memory_space<vmem>>) dst(%dma_wait3A_542 : memref<5248x128xf32, #tpu.memory_space<vmem_shared>>)
        tpu.yield
      }) : () -> ()
    }
    %scan3A_58 = arith.constant 80 : i32
    %barrier3A_59 = arith.constant 0 : index
    tpu.barrier barrier_id(%barrier3A_59)
    %mul3A_60 = arith.constant 320 : i32
    %mul3A_61 = arith.muli %arg1, %mul3A_60 : i32
    %mul3A_62 = arith.constant 5120 : i32
    %mul3A_63 = arith.muli %arg0, %mul3A_62 : i32
    %mul3A_64 = arith.constant 320 : i32
    %mul3A_65 = arith.muli %arg1, %mul3A_64 : i32
    %add3A = arith.addi %mul3A_63, %mul3A_65 : i32
    "tpu.region"() ({
      %run_scoped3A = tpu.sem_alloc : memref<!tpu.dma_semaphore, #tpu.memory_space<semaphore_mem>>
      %dma_start3A_66 = arith.constant 0 : i32
      %dma_start3A_67 = tpu.memref_slice %arg6[%add3A, %dma_start3A_66] : memref<10240x128xf32, #tpu.memory_space<hbm>> -> memref<320x128xf32, #tpu.memory_space<hbm>>
      %dma_start3A_68 = arith.constant 0 : i32
      %dma_start3A_69 = tpu.memref_slice %arg10[%mul3A_61, %dma_start3A_68] : memref<5248x128xf32, #tpu.memory_space<vmem_shared>> -> memref<320x128xf32, #tpu.memory_space<vmem_shared>>
      tpu.enqueue_dma source(%dma_start3A_69 : memref<320x128xf32, #tpu.memory_space<vmem_shared>>) target(%dma_start3A_67 : memref<320x128xf32, #tpu.memory_space<hbm>>) target_semaphore(%run_scoped3A : memref<!tpu.dma_semaphore, #tpu.memory_space<semaphore_mem>>)
      %dma_wait3A = arith.constant 0 : i32
      %dma_wait3A_70 = tpu.memref_slice %arg6[%add3A, %dma_wait3A] : memref<10240x128xf32, #tpu.memory_space<hbm>> -> memref<320x128xf32, #tpu.memory_space<hbm>>
      %dma_wait3A_71 = arith.constant 0 : i32
      %dma_wait3A_72 = tpu.memref_slice %arg10[%mul3A_61, %dma_wait3A_71] : memref<5248x128xf32, #tpu.memory_space<vmem_shared>> -> memref<320x128xf32, #tpu.memory_space<vmem_shared>>
      tpu.wait_dma2 semaphore(%run_scoped3A : memref<!tpu.dma_semaphore, #tpu.memory_space<semaphore_mem>>) src(%dma_wait3A_72 : memref<320x128xf32, #tpu.memory_space<vmem_shared>>) dst(%dma_wait3A_70 : memref<320x128xf32, #tpu.memory_space<hbm>>)
      tpu.yield
    }) : () -> ()
    return
  }
}

module attributes {stable_mosaic.version = 14 : i64} {
  func.func @_tc_scale_body(%arg0: i32, %arg1: memref<512x128xf32, #tpu.memory_space<vmem>>, %arg2: memref<512x128xf32, #tpu.memory_space<vmem>>, %arg3: memref<512x128xf32, #tpu.memory_space<vmem>>) attributes {dimension_semantics = [#tpu.dimension_semantics<arbitrary>], iteration_bounds = array<i64: 20>, scalar_prefetch = 0 : i64, scratch_operands = 0 : i64, tpu.core_type = #tpu.core_type<tc>, window_params = [{transform_indices = @transform_0, window_bounds = array<i64: 512, 128>}, {transform_indices = @transform_1, window_bounds = array<i64: 512, 128>}, {transform_indices = @transform_2, window_bounds = array<i64: 512, 128>}]} {
    %get3A = arith.constant 0 : index
    %get3A_0 = arith.constant 0 : index
    %get3A_1 = vector.load %arg1[%get3A, %get3A_0] : memref<512x128xf32, #tpu.memory_space<vmem>>, vector<512x128xf32>
    %get3A_2 = arith.constant 0 : index
    %get3A_3 = arith.constant 0 : index
    %get3A_4 = vector.load %arg2[%get3A_2, %get3A_3] : memref<512x128xf32, #tpu.memory_space<vmem>>, vector<512x1xf32>
    %add3A = arith.constant 1.000000e+00 : f32
    %add3A_5 = vector.broadcast %add3A : f32 to vector<512x1xf32>
    %add3A_6 = arith.addf %get3A_4, %add3A_5 : vector<512x1xf32>
    %rsqrt3A = math.rsqrt %add3A_6 : vector<512x1xf32>
    %mul3A = vector.broadcast %rsqrt3A : vector<512x1xf32> to vector<512x128xf32>
    %mul3A_7 = arith.mulf %get3A_1, %mul3A : vector<512x128xf32>
    %swap3A = arith.constant 0 : index
    %swap3A_8 = arith.constant 0 : index
    %swap3A_9 = vector.load %arg3[%swap3A, %swap3A_8] : memref<512x128xf32, #tpu.memory_space<vmem>>, vector<512x128xf32>
    tpu.vector_store %arg3[%swap3A, %swap3A_8], %mul3A_7 {strides = array<i32>} : memref<512x128xf32, #tpu.memory_space<vmem>>, vector<512x128xf32>,
    return
  }
  func.func @transform_0(%arg0: i32) -> (i32, i32) {
    %c0_i32 = arith.constant 0 : i32
    %c0_i32_0 = arith.constant 0 : i32
    return %arg0, %c0_i32 : i32, i32
  }
  func.func @transform_1(%arg0: i32) -> (i32, i32) {
    %c0_i32 = arith.constant 0 : i32
    %c0_i32_0 = arith.constant 0 : i32
    return %arg0, %c0_i32 : i32, i32
  }
  func.func @transform_2(%arg0: i32) -> (i32, i32) {
    %c0_i32 = arith.constant 0 : i32
    %c0_i32_0 = arith.constant 0 : i32
    return %arg0, %c0_i32 : i32, i32
  }
}

module attributes {stable_mosaic.version = 14 : i64} {
  func.func @_tc_final_body(%arg0: i32, %arg1: memref<512x128xf32, #tpu.memory_space<vmem>>, %arg2: memref<512x128xf32, #tpu.memory_space<vmem>>, %arg3: memref<512x128xf32, #tpu.memory_space<vmem>>, %arg4: memref<128x256xf32, #tpu.memory_space<vmem>>, %arg5: memref<256xf32, #tpu.memory_space<vmem>>, %arg6: memref<512xi32, #tpu.memory_space<vmem>>, %arg7: memref<256x1024xf32, #tpu.memory_space<vmem>>, %arg8: memref<1024xf32, #tpu.memory_space<vmem>>, %arg9: memref<1024x128xf32, #tpu.memory_space<vmem>>, %arg10: memref<128xf32, #tpu.memory_space<vmem>>, %arg11: memref<256x128xf32, #tpu.memory_space<vmem>>, %arg12: memref<256x256xf32, #tpu.memory_space<vmem>>, %arg13: memref<1x256xf32, #tpu.memory_space<vmem>>) attributes {dimension_semantics = [#tpu.dimension_semantics<arbitrary>], iteration_bounds = array<i64: 20>, scalar_prefetch = 0 : i64, scratch_operands = 2 : i64, tpu.core_type = #tpu.core_type<tc>, window_params = [{transform_indices = @transform_0, window_bounds = array<i64: 512, 128>}, {transform_indices = @transform_1, window_bounds = array<i64: 512, 128>}, {transform_indices = @transform_2, window_bounds = array<i64: 512, 128>}, {pipeline_mode = #tpu.pipeline_mode<synchronous>, transform_indices = @transform_3, window_bounds = array<i64: 128, 256>}, {pipeline_mode = #tpu.pipeline_mode<synchronous>, transform_indices = @transform_4, window_bounds = array<i64: 256>}, {transform_indices = @transform_5, window_bounds = array<i64: 512>}, {pipeline_mode = #tpu.pipeline_mode<synchronous>, transform_indices = @transform_6, window_bounds = array<i64: 256, 1024>}, {pipeline_mode = #tpu.pipeline_mode<synchronous>, transform_indices = @transform_7, window_bounds = array<i64: 1024>}, {pipeline_mode = #tpu.pipeline_mode<synchronous>, transform_indices = @transform_8, window_bounds = array<i64: 1024, 128>}, {pipeline_mode = #tpu.pipeline_mode<synchronous>, transform_indices = @transform_9, window_bounds = array<i64: 128>}, {pipeline_mode = #tpu.pipeline_mode<synchronous>, transform_indices = @transform_10, window_bounds = array<i64: 256, 128>}]} {
    %eq3A = arith.constant 0 : i32
    %eq3A_0 = arith.cmpi eq, %arg0, %eq3A : i32
    %convert_element_type3A = arith.extui %eq3A_0 : i1 to i32
    %cond3A = arith.constant 0 : i32
    %cond3A_1 = arith.cmpi ne, %convert_element_type3A, %cond3A : i32
    scf.if %cond3A_1 {
      %broadcast_in_dim3A_54 = arith.constant 0.000000e+00 : f32
      %broadcast_in_dim3A_55 = vector.broadcast %broadcast_in_dim3A_54 : f32 to vector<256x256xf32>
      %swap3A_56 = arith.constant 0 : index
      %swap3A_57 = arith.constant 0 : index
      %swap3A_58 = vector.load %arg12[%swap3A_56, %swap3A_57] : memref<256x256xf32, #tpu.memory_space<vmem>>, vector<256x256xf32>
      tpu.vector_store %arg12[%swap3A_56, %swap3A_57], %broadcast_in_dim3A_55 {strides = array<i32>} : memref<256x256xf32, #tpu.memory_space<vmem>>, vector<256x256xf32>,
      %broadcast_in_dim3A_59 = arith.constant 0.000000e+00 : f32
      %broadcast_in_dim3A_60 = vector.broadcast %broadcast_in_dim3A_59 : f32 to vector<1x256xf32>
      %swap3A_61 = arith.constant 0 : index
      %swap3A_62 = arith.constant 0 : index
      %swap3A_63 = vector.load %arg13[%swap3A_61, %swap3A_62] : memref<1x256xf32, #tpu.memory_space<vmem>>, vector<1x256xf32>
      tpu.vector_store %arg13[%swap3A_61, %swap3A_62], %broadcast_in_dim3A_60 {strides = array<i32>} : memref<1x256xf32, #tpu.memory_space<vmem>>, vector<1x256xf32>,
    } else {
    }
    %get3A = arith.constant 0 : index
    %get3A_2 = arith.constant 0 : index
    %get3A_3 = vector.load %arg3[%get3A, %get3A_2] : memref<512x128xf32, #tpu.memory_space<vmem>>, vector<512x1xf32>
    %add3A = arith.constant 1.000000e+00 : f32
    %add3A_4 = vector.broadcast %add3A : f32 to vector<512x1xf32>
    %add3A_5 = arith.addf %get3A_3, %add3A_4 : vector<512x1xf32>
    %rsqrt3A = math.rsqrt %add3A_5 : vector<512x1xf32>
    %get3A_6 = arith.constant 0 : index
    %get3A_7 = arith.constant 0 : index
    %get3A_8 = vector.load %arg1[%get3A_6, %get3A_7] : memref<512x128xf32, #tpu.memory_space<vmem>>, vector<512x128xf32>
    %get3A_9 = arith.constant 0 : index
    %get3A_10 = arith.constant 0 : index
    %get3A_11 = vector.load %arg2[%get3A_9, %get3A_10] : memref<512x128xf32, #tpu.memory_space<vmem>>, vector<512x128xf32>
    %add3A_12 = arith.addf %get3A_8, %get3A_11 : vector<512x128xf32>
    %mul3A = vector.broadcast %rsqrt3A : vector<512x1xf32> to vector<512x128xf32>
    %mul3A_13 = arith.mulf %add3A_12, %mul3A : vector<512x128xf32>
    %get3A_14 = arith.constant 0 : index
    %get3A_15 = arith.constant 0 : index
    %get3A_16 = vector.load %arg4[%get3A_14, %get3A_15] : memref<128x256xf32, #tpu.memory_space<vmem>>, vector<128x256xf32>
    %dot_general3A = arith.constant dense<0.000000e+00> : vector<512x256xf32>
    %dot_general3A_17 = tpu.matmul %mul3A_13, %get3A_16, %dot_general3A {dimension_numbers = #tpu.dot_dimension_numbers<[1], [0], [0], [1], [0, 0, 1, 1], [], []>, transpose_lhs_hint = false} : vector<512x128xf32>, vector<128x256xf32>, vector<512x256xf32> -> vector<512x256xf32>
    %get3A_18 = arith.constant 0 : index
    %get3A_19 = vector.load %arg5[%get3A_18] : memref<256xf32, #tpu.memory_space<vmem>>, vector<256xf32>
    %broadcast_in_dim3A = vector.shape_cast %get3A_19 : vector<256xf32> to vector<1x256xf32>
    %add3A_20 = vector.broadcast %broadcast_in_dim3A : vector<1x256xf32> to vector<512x256xf32>
    %add3A_21 = arith.addf %dot_general3A_17, %add3A_20 : vector<512x256xf32>
    %max3A = arith.constant 0.000000e+00 : f32
    %max3A_22 = vector.broadcast %max3A : f32 to vector<512x256xf32>
    %max3A_23 = arith.maximumf %add3A_21, %max3A_22 : vector<512x256xf32>
    %get3A_24 = arith.constant 0 : index
    %get3A_25 = vector.load %arg6[%get3A_24] : memref<512xi32, #tpu.memory_space<vmem>>, vector<512xi32>
    %broadcast_in_dim3A_26 = vector.shape_cast %get3A_25 : vector<512xi32> to vector<512x1xi32>
    %iota3A = tpu.iota {dimensions = array<i32: 1>} : vector<1x256xi32>
    %eq3A_27 = vector.broadcast %broadcast_in_dim3A_26 : vector<512x1xi32> to vector<512x256xi32>
    %eq3A_28 = vector.broadcast %iota3A : vector<1x256xi32> to vector<512x256xi32>
    %eq3A_29 = arith.cmpi eq, %eq3A_27, %eq3A_28 : vector<512x256xi32>
    %convert_element_type3A_30 = arith.extui %eq3A_29 : vector<512x256xi1> to vector<512x256xi32>
    %convert_element_type3A_31 = arith.sitofp %convert_element_type3A_30 : vector<512x256xi32> to vector<512x256xf32>
    %get3A_32 = arith.constant 0 : index
    %get3A_33 = arith.constant 0 : index
    %get3A_34 = vector.load %arg12[%get3A_32, %get3A_33] : memref<256x256xf32, #tpu.memory_space<vmem>>, vector<256x256xf32>
    %dot_general3A_35 = arith.constant dense<0.000000e+00> : vector<256x256xf32>
    %dot_general3A_36 = tpu.matmul %convert_element_type3A_31, %max3A_23, %dot_general3A_35 {dimension_numbers = #tpu.dot_dimension_numbers<[0], [0], [1], [1], [0, 1, 1, 1], [], []>, transpose_lhs_hint = false} : vector<512x256xf32>, vector<512x256xf32>, vector<256x256xf32> -> vector<256x256xf32>
    %add3A_37 = arith.addf %get3A_34, %dot_general3A_36 : vector<256x256xf32>
    %swap3A = arith.constant 0 : index
    %swap3A_38 = arith.constant 0 : index
    %swap3A_39 = vector.load %arg12[%swap3A, %swap3A_38] : memref<256x256xf32, #tpu.memory_space<vmem>>, vector<256x256xf32>
    tpu.vector_store %arg12[%swap3A, %swap3A_38], %add3A_37 {strides = array<i32>} : memref<256x256xf32, #tpu.memory_space<vmem>>, vector<256x256xf32>,
    %get3A_40 = arith.constant 0 : index
    %get3A_41 = arith.constant 0 : index
    %get3A_42 = vector.load %arg13[%get3A_40, %get3A_41] : memref<1x256xf32, #tpu.memory_space<vmem>>, vector<1x256xf32>
    %reduce_sum3A = arith.constant dense<0.000000e+00> : vector<256xf32>
    %reduce_sum3A_43 = vector.multi_reduction <add>, %convert_element_type3A_31, %reduce_sum3A [0] : vector<512x256xf32> to vector<256xf32>
    %broadcast_in_dim3A_44 = vector.shape_cast %reduce_sum3A_43 : vector<256xf32> to vector<1x256xf32>
    %add3A_45 = arith.addf %get3A_42, %broadcast_in_dim3A_44 : vector<1x256xf32>
    %swap3A_46 = arith.constant 0 : index
    %swap3A_47 = arith.constant 0 : index
    %swap3A_48 = vector.load %arg13[%swap3A_46, %swap3A_47] : memref<1x256xf32, #tpu.memory_space<vmem>>, vector<1x256xf32>
    tpu.vector_store %arg13[%swap3A_46, %swap3A_47], %add3A_45 {strides = array<i32>} : memref<1x256xf32, #tpu.memory_space<vmem>>, vector<1x256xf32>,
    %eq3A_49 = arith.constant 19 : i32
    %eq3A_50 = arith.cmpi eq, %arg0, %eq3A_49 : i32
    %convert_element_type3A_51 = arith.extui %eq3A_50 : i1 to i32
    %cond3A_52 = arith.constant 0 : i32
    %cond3A_53 = arith.cmpi ne, %convert_element_type3A_51, %cond3A_52 : i32
    scf.if %cond3A_53 {
      %get3A_54 = arith.constant 0 : index
      %get3A_55 = arith.constant 0 : index
      %get3A_56 = vector.load %arg12[%get3A_54, %get3A_55] : memref<256x256xf32, #tpu.memory_space<vmem>>, vector<256x256xf32>
      %get3A_57 = arith.constant 0 : index
      %get3A_58 = arith.constant 0 : index
      %get3A_59 = vector.load %arg13[%get3A_57, %get3A_58] : memref<1x256xf32, #tpu.memory_space<vmem>>, vector<1x256xf32>
      %max3A_60 = arith.constant 1.000000e+00 : f32
      %max3A_61 = vector.broadcast %max3A_60 : f32 to vector<1x256xf32>
      %max3A_62 = arith.maximumf %get3A_59, %max3A_61 : vector<1x256xf32>
      %reshape3A = vector.shape_cast %max3A_62 : vector<1x256xf32> to vector<256x1xf32>
      %div3A = vector.broadcast %reshape3A : vector<256x1xf32> to vector<256x256xf32>
      %div3A_63 = arith.divf %get3A_56, %div3A : vector<256x256xf32>
      %get3A_64 = arith.constant 0 : index
      %get3A_65 = arith.constant 0 : index
      %get3A_66 = vector.load %arg7[%get3A_64, %get3A_65] : memref<256x1024xf32, #tpu.memory_space<vmem>>, vector<256x1024xf32>
      %dot_general3A_67 = arith.constant dense<0.000000e+00> : vector<256x1024xf32>
      %dot_general3A_68 = tpu.matmul %div3A_63, %get3A_66, %dot_general3A_67 {dimension_numbers = #tpu.dot_dimension_numbers<[1], [0], [0], [1], [0, 0, 1, 1], [], []>, transpose_lhs_hint = false} : vector<256x256xf32>, vector<256x1024xf32>, vector<256x1024xf32> -> vector<256x1024xf32>
      %get3A_69 = arith.constant 0 : index
      %get3A_70 = vector.load %arg8[%get3A_69] : memref<1024xf32, #tpu.memory_space<vmem>>, vector<1024xf32>
      %broadcast_in_dim3A_71 = vector.shape_cast %get3A_70 : vector<1024xf32> to vector<1x1024xf32>
      %add3A_72 = vector.broadcast %broadcast_in_dim3A_71 : vector<1x1024xf32> to vector<256x1024xf32>
      %add3A_73 = arith.addf %dot_general3A_68, %add3A_72 : vector<256x1024xf32>
      %max3A_74 = arith.constant 0.000000e+00 : f32
      %max3A_75 = vector.broadcast %max3A_74 : f32 to vector<256x1024xf32>
      %max3A_76 = arith.maximumf %add3A_73, %max3A_75 : vector<256x1024xf32>
      %get3A_77 = arith.constant 0 : index
      %get3A_78 = arith.constant 0 : index
      %get3A_79 = vector.load %arg9[%get3A_77, %get3A_78] : memref<1024x128xf32, #tpu.memory_space<vmem>>, vector<1024x128xf32>
      %dot_general3A_80 = arith.constant dense<0.000000e+00> : vector<256x128xf32>
      %dot_general3A_81 = tpu.matmul %max3A_76, %get3A_79, %dot_general3A_80 {dimension_numbers = #tpu.dot_dimension_numbers<[1], [0], [0], [1], [0, 0, 1, 1], [], []>, transpose_lhs_hint = false} : vector<256x1024xf32>, vector<1024x128xf32>, vector<256x128xf32> -> vector<256x128xf32>
      %get3A_82 = arith.constant 0 : index
      %get3A_83 = vector.load %arg10[%get3A_82] : memref<128xf32, #tpu.memory_space<vmem>>, vector<128xf32>
      %broadcast_in_dim3A_84 = vector.shape_cast %get3A_83 : vector<128xf32> to vector<1x128xf32>
      %add3A_85 = vector.broadcast %broadcast_in_dim3A_84 : vector<1x128xf32> to vector<256x128xf32>
      %add3A_86 = arith.addf %dot_general3A_81, %add3A_85 : vector<256x128xf32>
      %swap3A_87 = arith.constant 0 : index
      %swap3A_88 = arith.constant 0 : index
      %swap3A_89 = vector.load %arg11[%swap3A_87, %swap3A_88] : memref<256x128xf32, #tpu.memory_space<vmem>>, vector<256x128xf32>
      tpu.vector_store %arg11[%swap3A_87, %swap3A_88], %add3A_86 {strides = array<i32>} : memref<256x128xf32, #tpu.memory_space<vmem>>, vector<256x128xf32>,
    } else {
    }
    return
  }
  func.func @transform_0(%arg0: i32) -> (i32, i32) {
    %c0_i32 = arith.constant 0 : i32
    %c0_i32_0 = arith.constant 0 : i32
    return %arg0, %c0_i32 : i32, i32
  }
  func.func @transform_1(%arg0: i32) -> (i32, i32) {
    %c0_i32 = arith.constant 0 : i32
    %c0_i32_0 = arith.constant 0 : i32
    return %arg0, %c0_i32 : i32, i32
  }
  func.func @transform_2(%arg0: i32) -> (i32, i32) {
    %c0_i32 = arith.constant 0 : i32
    %c0_i32_0 = arith.constant 0 : i32
    return %arg0, %c0_i32 : i32, i32
  }
  func.func @transform_3(%arg0: i32) -> (i32, i32) {
    %c0_i32 = arith.constant 0 : i32
    %c0_i32_0 = arith.constant 0 : i32
    %c0_i32_1 = arith.constant 0 : i32
    return %c0_i32, %c0_i32_0 : i32, i32
  }
  func.func @transform_4(%arg0: i32) -> i32 {
    %c0_i32 = arith.constant 0 : i32
    %c0_i32_0 = arith.constant 0 : i32
    return %c0_i32 : i32
  }
  func.func @transform_5(%arg0: i32) -> i32 {
    %c0_i32 = arith.constant 0 : i32
    return %arg0 : i32
  }
  func.func @transform_6(%arg0: i32) -> (i32, i32) {
    %c0_i32 = arith.constant 0 : i32
    %c0_i32_0 = arith.constant 0 : i32
    %c0_i32_1 = arith.constant 0 : i32
    return %c0_i32, %c0_i32_0 : i32, i32
  }
  func.func @transform_7(%arg0: i32) -> i32 {
    %c0_i32 = arith.constant 0 : i32
    %c0_i32_0 = arith.constant 0 : i32
    return %c0_i32 : i32
  }
  func.func @transform_8(%arg0: i32) -> (i32, i32) {
    %c0_i32 = arith.constant 0 : i32
    %c0_i32_0 = arith.constant 0 : i32
    %c0_i32_1 = arith.constant 0 : i32
    return %c0_i32, %c0_i32_0 : i32, i32
  }
  func.func @transform_9(%arg0: i32) -> i32 {
    %c0_i32 = arith.constant 0 : i32
    %c0_i32_0 = arith.constant 0 : i32
    return %c0_i32 : i32
  }
  func.func @transform_10(%arg0: i32) -> (i32, i32) {
    %c0_i32 = arith.constant 0 : i32
    %c0_i32_0 = arith.constant 0 : i32
    %c0_i32_1 = arith.constant 0 : i32
    return %c0_i32, %c0_i32_0 : i32, i32
  }
}

module attributes {stable_mosaic.version = 14 : i64} {
  func.func @_tc_layer1_body(%arg0: i32, %arg1: memref<512x128xf32, #tpu.memory_space<vmem>>, %arg2: memref<512x128xf32, #tpu.memory_space<vmem>>, %arg3: memref<512x128xf32, #tpu.memory_space<vmem>>, %arg4: memref<128x128xf32, #tpu.memory_space<vmem>>, %arg5: memref<128xf32, #tpu.memory_space<vmem>>, %arg6: memref<512x128xf32, #tpu.memory_space<vmem>>) attributes {dimension_semantics = [#tpu.dimension_semantics<arbitrary>], iteration_bounds = array<i64: 20>, scalar_prefetch = 0 : i64, scratch_operands = 0 : i64, tpu.core_type = #tpu.core_type<tc>, window_params = [{transform_indices = @transform_0, window_bounds = array<i64: 512, 128>}, {transform_indices = @transform_1, window_bounds = array<i64: 512, 128>}, {transform_indices = @transform_2, window_bounds = array<i64: 512, 128>}, {pipeline_mode = #tpu.pipeline_mode<synchronous>, transform_indices = @transform_3, window_bounds = array<i64: 128, 128>}, {pipeline_mode = #tpu.pipeline_mode<synchronous>, transform_indices = @transform_4, window_bounds = array<i64: 128>}, {transform_indices = @transform_5, window_bounds = array<i64: 512, 128>}]} {
    %get3A = arith.constant 0 : index
    %get3A_0 = arith.constant 0 : index
    %get3A_1 = vector.load %arg3[%get3A, %get3A_0] : memref<512x128xf32, #tpu.memory_space<vmem>>, vector<512x1xf32>
    %add3A = arith.constant 1.000000e+00 : f32
    %add3A_2 = vector.broadcast %add3A : f32 to vector<512x1xf32>
    %add3A_3 = arith.addf %get3A_1, %add3A_2 : vector<512x1xf32>
    %rsqrt3A = math.rsqrt %add3A_3 : vector<512x1xf32>
    %get3A_4 = arith.constant 0 : index
    %get3A_5 = arith.constant 0 : index
    %get3A_6 = vector.load %arg1[%get3A_4, %get3A_5] : memref<512x128xf32, #tpu.memory_space<vmem>>, vector<512x128xf32>
    %get3A_7 = arith.constant 0 : index
    %get3A_8 = arith.constant 0 : index
    %get3A_9 = vector.load %arg2[%get3A_7, %get3A_8] : memref<512x128xf32, #tpu.memory_space<vmem>>, vector<512x128xf32>
    %add3A_10 = arith.addf %get3A_6, %get3A_9 : vector<512x128xf32>
    %mul3A = vector.broadcast %rsqrt3A : vector<512x1xf32> to vector<512x128xf32>
    %mul3A_11 = arith.mulf %add3A_10, %mul3A : vector<512x128xf32>
    %get3A_12 = arith.constant 0 : index
    %get3A_13 = arith.constant 0 : index
    %get3A_14 = vector.load %arg4[%get3A_12, %get3A_13] : memref<128x128xf32, #tpu.memory_space<vmem>>, vector<128x128xf32>
    %dot_general3A = arith.constant dense<0.000000e+00> : vector<512x128xf32>
    %dot_general3A_15 = tpu.matmul %mul3A_11, %get3A_14, %dot_general3A {dimension_numbers = #tpu.dot_dimension_numbers<[1], [0], [0], [1], [0, 0, 1, 1], [], []>, transpose_lhs_hint = false} : vector<512x128xf32>, vector<128x128xf32>, vector<512x128xf32> -> vector<512x128xf32>
    %get3A_16 = arith.constant 0 : index
    %get3A_17 = vector.load %arg5[%get3A_16] : memref<128xf32, #tpu.memory_space<vmem>>, vector<128xf32>
    %broadcast_in_dim3A = vector.shape_cast %get3A_17 : vector<128xf32> to vector<1x128xf32>
    %add3A_18 = vector.broadcast %broadcast_in_dim3A : vector<1x128xf32> to vector<512x128xf32>
    %add3A_19 = arith.addf %dot_general3A_15, %add3A_18 : vector<512x128xf32>
    %max3A = arith.constant 0.000000e+00 : f32
    %max3A_20 = vector.broadcast %max3A : f32 to vector<512x128xf32>
    %max3A_21 = arith.maximumf %add3A_19, %max3A_20 : vector<512x128xf32>
    %mul3A_22 = vector.broadcast %rsqrt3A : vector<512x1xf32> to vector<512x128xf32>
    %mul3A_23 = arith.mulf %max3A_21, %mul3A_22 : vector<512x128xf32>
    %swap3A = arith.constant 0 : index
    %swap3A_24 = arith.constant 0 : index
    %swap3A_25 = vector.load %arg6[%swap3A, %swap3A_24] : memref<512x128xf32, #tpu.memory_space<vmem>>, vector<512x128xf32>
    tpu.vector_store %arg6[%swap3A, %swap3A_24], %mul3A_23 {strides = array<i32>} : memref<512x128xf32, #tpu.memory_space<vmem>>, vector<512x128xf32>,
    return
  }
  func.func @transform_0(%arg0: i32) -> (i32, i32) {
    %c0_i32 = arith.constant 0 : i32
    %c0_i32_0 = arith.constant 0 : i32
    return %arg0, %c0_i32 : i32, i32
  }
  func.func @transform_1(%arg0: i32) -> (i32, i32) {
    %c0_i32 = arith.constant 0 : i32
    %c0_i32_0 = arith.constant 0 : i32
    return %arg0, %c0_i32 : i32, i32
  }
  func.func @transform_2(%arg0: i32) -> (i32, i32) {
    %c0_i32 = arith.constant 0 : i32
    %c0_i32_0 = arith.constant 0 : i32
    return %arg0, %c0_i32 : i32, i32
  }
  func.func @transform_3(%arg0: i32) -> (i32, i32) {
    %c0_i32 = arith.constant 0 : i32
    %c0_i32_0 = arith.constant 0 : i32
    %c0_i32_1 = arith.constant 0 : i32
    return %c0_i32, %c0_i32_0 : i32, i32
  }
  func.func @transform_4(%arg0: i32) -> i32 {
    %c0_i32 = arith.constant 0 : i32
    %c0_i32_0 = arith.constant 0 : i32
    return %c0_i32 : i32
  }
  func.func @transform_5(%arg0: i32) -> (i32, i32) {
    %c0_i32 = arith.constant 0 : i32
    %c0_i32_0 = arith.constant 0 : i32
    return %arg0, %c0_i32 : i32, i32
  }
}

</mosaic_0001>

<sc_bundles>
// kernel: kernel.11.cloned.1.call-start
scs
__scs_entry_jumppad:
0x0: {  	(pc) =	sbr.rel $0x88, $3  }
0x1: {  	(tag) =	ssettag $0x0;
	lr =	simm.s32 $0x1  }
0x2: {  	[smem:$0x3F96] =	sst lr;
	_ =	strace $0xD0000000  }
0x3: {  	_ = 	snop  }
0x4: {  	_ = 	snop  }
0x5: {  	_ = 	snop  }
0x6: {  	_ = 	snop  }
0x7: {  	_ = 	snop  }
__scs_overlays_trampoline_lowered:
0x8: {  	[smem:$0x3FA5] =	sst s0  }
0x9: {  	[smem:$0x3FA6] =	sst s1  }
0xa: {  	[smem:$0x3FA7] =	sst s2  }
0xb: {  	[smem:$0x3FA8] =	sst s3  }
0xc: {  	[smem:$0x3FA9] =	sst s4  }
0xd: {  	[smem:$0x3FAA] =	sst s5  }
0xe: {  	[smem:$0x3FAB] =	sst s6  }
0xf: {  	[smem:$0x3FAC] =	sst s7  }
0x10: {  	[smem:$0x3FAD] =	sst s8  }
0x11: {  	[smem:$0x3FAE] =	sst s9;
	s0 =	simm.s32 @!p0 $0x0  }
0x12: {  	s1 =	sld [smem:$0x3F94];
	s0 =	simm.s32 @p0 $0x1  }
0x13: {  	[smem:$0x3FAF] =	sst s0;
	s0 =	simm.s32 @!p1 $0x0  }
0x14: {  	s2 =	sld [smem:$0x3F93];
	s0 =	simm.s32 @p1 $0x1  }
0x15: {  	[smem:$0x3FB0] =	sst s0;
	s0 =	simm.s32 @!p2 $0x0  }
0x16: {  	s3 =	sld [smem:$0x3FDB];
	s0 =	simm.s32 @p2 $0x1  }
0x17: {  	s4 =	simm.s32 $0x1BF5;
	[smem:$0x3FB2] =	sst s0  }
0x18: {  	s0 =	sld [smem:$0x3F95];
	_ =	swait.ge [sflag:s4], $0x0  }
0x19: {  	s7 =	sld [smem:$0x3F96]  }
0x1a: {  	s8 =	sadd.s32 $0xFFFFE003, lr  }
0x1b: {  	s9 =	sadd.s32 $0xFFFFFEF7, lr;
	s5 =	simm.s32 $0xFFFFFFFF;
	p2 =	slt.u32 s8, $0xFFFFF086  }
0x1c: {  	p1 =	slt.u32 s9, $0xF7A;
	s5 =	simm.s32 @!p2 $0x0  }
0x1d: {  	s5 =	simm.s32 @p1 $0x1;
	p0 =	seq.s32 s7, s2  }
0x1e: {  	s7 =	smul.u32 @!p0 $0xF7A, s2;
	p2 =	seq.s32 @!p0 s5, $0x0  }
0x1f: {  	s9 =	smul.u32 $0xF7A, s1;
	s8 =	simm.s32 @!p0 $0x1BF5;
	p2 =	por !p2, p0  }
0x20: {  	[sflag:s8] =	ssyncset.s32 @!p0 $0xFFFFF086;
	s6 =	sadd.s32 @!p0 s3, s7;
	s7 =	simm.s32 @!p0 $0x108  }
0x21: {  	s3 =	sadd.s32 s3, s9;
	s6 =	sadd.s32 @!p0 $0x88, s6;
	s7 =	simm.s32 @p2 $0x1082  }
0x22: {  	[simem:s7], [sflag:s8] =	dma.local @!p0 [hbm:s6], $0xF7A  }
0x23: {  	s9 =	sor.u32 $0xD0000000, s2;
	s6 =	simm.s32 $0x108;
	_ =	swait.ge @!p0 [sflag:s8], $0x0  }
0x24: {  	s3 =	sadd.s32 $0x88, s3;
	s6 =	simm.s32 @!p1 $0x1082;
	[sflag:s4] =	ssyncset.s32 $0xFFFFF086  }
0x25: {  	[simem:s6], [sflag:s4] =	dma.local [hbm:s3], $0xF7A  }
0x26: {  	[smem:$0x3F96] =	sst s1;
	(tag) =	ssettag s2;
	_ =	strace s9  }
0x27: {  	s1 =	sld [smem:$0x3FA6]  }
0x28: {  	s2 =	sld [smem:$0x3FA7]  }
0x29: {  	s4 =	sld [smem:$0x3FA9]  }
0x2a: {  	p0 =	seq.s32 s5, $0x0;
	s5 =	sld [smem:$0x3FAA]  }
0x2b: {  	s6 =	sld [smem:$0x3FAB]  }
0x2c: {  	s7 =	sld [smem:$0x3FAC]  }
0x2d: {  	s3 =	simm.s32 $0x108;
	s8 =	sld [smem:$0x3FAD]  }
0x2e: {  	s3 =	simm.s32 @!p0 $0x1082;
	s9 =	sld [smem:$0x3FAE]  }
0x2f: {  	lr =	sadd.s32 s0, s3;
	s0 =	sld [smem:$0x3FA5]  }
0x30: {  	s3 =	sld [smem:$0x3FA8]  }
0x31: {  	[smem:$0x3FB1] =	sst s10  }
0x32: {  	s10 =	sld [smem:$0x3FAF];
	_ =	sdelay $0x3  }
0x33: {  	p0 =	seq.s32 s10, $0x1;
	s10 =	sld [smem:$0x3FB1];
	_ =	sdelay $0x3  }
0x34: {  	[smem:$0x3FB1] =	sst s10  }
0x35: {  	s10 =	sld [smem:$0x3FB0];
	_ =	sdelay $0x3  }
0x36: {  	p1 =	seq.s32 s10, $0x1;
	s10 =	sld [smem:$0x3FB1];
	_ =	sdelay $0x3  }
0x37: {  	[smem:$0x3FB1] =	sst s10  }
0x38: {  	s10 =	sld [smem:$0x3FB2]  }
0x39: {  	_ = 	snop;
	(pc) =	sbr.ind lr, $3  }
0x3a: {  	_ = 	snop  }
0x3b: {  	_ = 	snop  }
0x3c: {  	p2 =	seq.s32 s10, $0x1;
	s10 =	sld [smem:$0x3FB1]  }
0x3d: {  	_ =	shalt  }
0x3e: {  	_ =	shalt  }
0x3f: {  	_ =	shalt  }
0x40: {  	_ =	shalt  }
0x41: {  	_ =	shalt  }
0x42: {  	_ =	shalt  }
0x43: {  	_ =	shalt  }
0x44: {  	_ =	shalt  }
0x45: {  	_ =	shalt  }
0x46: {  	_ =	shalt  }
0x47: {  	_ =	shalt  }
0x48: {  	_ =	shalt  }
0x49: {  	_ =	shalt  }
0x4a: {  	_ =	shalt  }
0x4b: {  	_ =	shalt  }
0x4c: {  	_ =	shalt  }
0x4d: {  	_ =	shalt  }
0x4e: {  	_ =	shalt  }
0x4f: {  	_ =	shalt  }
0x50: {  	_ =	shalt  }
0x51: {  	_ =	shalt  }
0x52: {  	_ =	shalt  }
0x53: {  	_ =	shalt  }
0x54: {  	_ =	shalt  }
0x55: {  	_ =	shalt  }
0x56: {  	_ =	shalt  }
0x57: {  	_ =	shalt  }
0x58: {  	_ =	shalt  }
0x59: {  	_ =	shalt  }
0x5a: {  	_ =	shalt  }
0x5b: {  	_ =	shalt  }
0x5c: {  	_ =	shalt  }
0x5d: {  	_ =	shalt  }
0x5e: {  	_ =	shalt  }
0x5f: {  	_ =	shalt  }
0x60: {  	_ =	shalt  }
0x61: {  	_ =	shalt  }
0x62: {  	_ =	shalt  }
0x63: {  	_ =	shalt  }
0x64: {  	_ =	shalt  }
0x65: {  	_ =	shalt  }
0x66: {  	_ =	shalt  }
0x67: {  	_ =	shalt  }
0x68: {  	_ =	shalt  }
0x69: {  	_ =	shalt  }
0x6a: {  	_ =	shalt  }
0x6b: {  	_ =	shalt  }
0x6c: {  	_ =	shalt  }
0x6d: {  	_ =	shalt  }
0x6e: {  	_ =	shalt  }
0x6f: {  	_ =	shalt  }
0x70: {  	_ =	shalt  }
0x71: {  	_ =	shalt  }
0x72: {  	_ =	shalt  }
0x73: {  	_ =	shalt  }
0x74: {  	_ =	shalt  }
0x75: {  	_ =	shalt  }
0x76: {  	_ =	shalt  }
0x77: {  	_ =	shalt  }
0x78: {  	_ =	shalt  }
0x79: {  	_ =	shalt  }
0x7a: {  	_ =	shalt  }
0x7b: {  	_ =	shalt  }
0x7c: {  	_ =	shalt  }
0x7d: {  	_ =	shalt  }
0x7e: {  	_ =	shalt  }
0x7f: {  	_ =	shalt  }
0x80: {  	_ =	shalt  }
0x81: {  	_ =	shalt  }
0x82: {  	_ =	shalt  }
0x83: {  	_ =	shalt  }
0x84: {  	_ =	shalt  }
0x85: {  	_ =	shalt  }
0x86: {  	_ =	shalt  }
0x87: {  	_ =	shalt  }
.Lfunc_end0:
.L_simem_size_0:
called_computation.1_lowered:
.L_overlay_start_0:
0x88: {  	s2 =	sld [smem:$0x3FD9]  }
0x89: {  	s3 =	sld [smem:$0x3FFE];
	_ =	sdelay $0x1  }
0x8a: {  	s1 =	srdreg.scid  }
0x8b: {  	s0 =	sand.u32 $0x1, s1  }
0x8c: {  	s16 =	sshll.u32 s0, $0xA;
	s2 =	sadd.s32 s3, s2  }
0x8d: {  	s2 =	sadd.s32 s2, s16  }
0x8e: {  	[smem:$0x3FBD] =	sst s2  }
0x8f: {  	_ = 	snop  }
0x90: {  	(tm) =	ssettm $0x1  }
0x91: {  	s17 =	sld [smem:$0x3FFB];
	_ =	sdelay $0x3  }
0x92: {  	_ =	strace s17  }
0x93: {  	s2 =	sld [smem:$0x3FFC];
	_ =	sdelay $0x3  }
0x94: {  	_ =	strace s2  }
0x95: {  	s2 =	sld [smem:$0x3FFD];
	_ =	sdelay $0x3  }
0x96: {  	_ =	strace s2  }
0x97: {  	_ =	strace $0x8FFFFFFF  }
0x98: {  	s18 =	sld [smem:$0x3FDB];
	_ =	sdelay $0x1  }
0x99: {  	s19 =	simm.s32 $_scs_section_size  }
0x9a: {  	s4 =	simm.s32 $_size__tile_overlayer_lowered;
	s5 =	simm.s32 $_tile_overlayer_lowered  }
0x9b: {  	s22 =	simm.s32 $0x1BFF;
	s21 =	sshll.u32 s5, $0x1;
	s2 =	sadd.s32 s19, s18  }
0x9c: {  	s6 =	simm.s32 $0x0;
	s20 =	sshll.u32 s4, $0x1;
	s4 =	sadd.s32 s21, s2  }
0x9d: {  	[timem:s6], [sflag:s22] =	dma.local [hbm:s4], s20  }
0x9e: {  	_ =	swait.ge [sflag:s22], s20  }
0x9f: {  	s3 =	ssub.s32 $0x0, s20;
	[sflag:s22] =	ssyncset.done $0x0  }
0xa0: {  	[sflag:s22] =	ssyncadd.s32 s3;
	_ =	sdelay $0x1  }
0xa1: {  	s23 =	simm.s32 $0x1B8B  }
0xa2: {  	_ =	swait.ge [sflag:s23], $0x1  }
0xa3: {  	[sflag:s23] =	ssyncset.done $0x0  }
0xa4: {  	s25 =	simm.s32 $0x1B8E;
	s24 =	sld [smem:$0x3FFE];
	[sflag:s23] =	ssyncadd.s32 $0xFFFFFFFF  }
0xa5: {  	s26 =	simm.s32 $execute0_lowered;
	[smem:$0x3FD2] =	sst s25  }
0xa6: {  	s4 =	sshll.u32 s26, $0x1;
	_ =	strace $0x80000049;
	[dreg:$0x1] =	wrdreg $0xFFFFFFFF  }
0xa7: {  	s28 =	simm.s32 $_size_execute0_lowered;
	s2 =	sadd.s32 s2, s4;
	[dreg:$0x0] =	wrdreg $0x0  }
0xa8: {  	s4 =	sshll.u32 s28, $0x1;
	[dreg:$0x2] =	wrdreg s2  }
0xa9: {  	[dreg:$0x3] =	wrdreg s4  }
0xaa: {  	[dreg:$0x4] =	wrdreg $0xC0  }
0xab: {  	_ =	task [dreg:s6], $0x5FFFF  }
0xac: {  	[dreg:$0x1] =	wrdreg $0xFFFFFFFF  }
0xad: {  	[dreg:$0x0] =	wrdreg $0x60  }
0xae: {  	[dreg:$0x2] =	wrdreg s24  }
0xaf: {  	[dreg:$0x3] =	wrdreg $0x152000  }
0xb0: {  	[dreg:$0x4] =	wrdreg $0x9  }
0xb1: {  	_ =	task.clear_ibuf [dreg:s6], $0x5FFFF;
	_ =	strace $0x90000049  }
0xb2: {  	s29 =	simm.s32 $0x9;
	_ =	strace $0x8000004B  }
0xb3: {  	_ =	swait.ge [sflag:s29], $0x1  }
0xb4: {  	[sflag:s29] =	ssyncadd.s32 $0xFFFFFFFF  }
0xb5: {  	_ =	strace $0x9000004B  }
0xb6: {  	_ =	sfence  }
0xb7: {  	s30 =	sld [smem:$0x0];
	_ =	sdelay $0x2  }
0xb8: {  	s31 =	sshll.u32 s1, $0xD;
	s1 =	sshrl.u32 s1, $0x2  }
0xb9: {  	s3 =	sand.u32 $0x4000, s31;
	s1 =	sadd.s32 s1, s30  }
0xba: {  	s0 =	sor.u32 s3, s0;
	s1 =	sshll.u32 s1, $0x11  }
0xbb: {  	s0 =	sor.u32 s1, s0  }
0xbc: {  	s0 =	sadd.s32 $0x8F2B, s0  }
0xbd: {  	[sflag:s0] =	ssyncadd.remote.s32 $0x1  }
0xbe: {  	_ =	sfence.sel $0xFFFF  }
0xbf: {  	[dreg:$0x0] =	wrdreg $0xFFFFFFFF;
	(pc) =	sbr.abs _section_cstart, $3  }
0xc0: {  	[dreg:$0x1] =	wrdreg $0xFFFFFFFF  }
0xc1: {  	_ =	task.clear_ibuf [dreg:s6], $0x2FFFF;
	_ =	strace $0x9FFFFFFF  }
0xc2: {  	(tm) =	ssettm $0x7FFFFFFF  }
0xc3: {  	_ =	shalt  }
tec
execute0_lowered:
.L_overlay_start_1:
0x0: {  	(tag) =	ssettag $0x1  }
0x1: {  	s0 =	rddreg [dreg:$0x0]  }
0x2: {  	s13 =	stileid.u32;
	s1 =	srdreg.scid  }
0x3: {  	s2 =	rddreg [dreg:$0x1];
	s4 =	smul.u32 $0x5000, s13  }
0x4: {  	s3 =	simm.s32 $0x0;
	s15 =	simm.s32 $0x80;
	s5 =	smul.u32 $0x140, s13  }
0x5: {  	s19 =	simm.s32 $0x0;
	s1 =	sand.u32 $0x1, s1;
	s9 =	smul.u32 $0x29000, s13  }
0x6: {  	[smem:$0x7FF] =	sst s3;
	s11 =	sadd.s32 $0x3200, s0;
	s10 =	smul.u32 $0x28000, s13  }
0x7: {  	s25 =	sadd.s32 $0xD200, s0;
	s28 =	sshll.u32 s13, $0x6;
	s13 =	smul.u32 $0xA00, s13  }
0x8: {  	s14 =	smul.u32 $0x1400, s1;
	_ =	strace $0x8000004A;
	[dreg:$0x3] =	wrdreg s25  }
0x9: {  	s1 =	ssub.s32 $0x2, s1;
	s8 =	sshrl.u32 s4, $0x3;
	s4 =	sadd.s32 $0xE800, s0  }
0xa: {  	s26 =	sshrl.u32 s1, $0x1;
	s9 =	sshrl.u32 s9, $0x2;
	s29 =	sshrl.u32 s10, $0x2  }
0xb: {  	s31 =	sadd.s32 s13, s11;
	s13 =	simm.s32 $0x5;
	s7 =	sadd.s32 s8, s0  }
0xc: {  	s5 =	sadd.s32 s5, s14;
	s1 =	ssub.s32 s1, s26;
	s12 =	sadd.s32 s9, s2  }
0xd: {  	s8 =	sadd.s32 s11, s8;
	s16 =	sadd.s32 s29, s2;
	s11 =	sadd.s32 $0x20, s31  }
0xe: {  	s6 =	sshll.u32 s5, $0x4;
	s30 =	sadd.s32 $0x36800, s7;
	s10 =	smax.u32 s1, $0x1  }
0xf: {  	s12 =	sshrl.u32 s12, $0x3;
	s18 =	sshrl.u32 s16, $0x3;
	s0 =	sadd.s32 s6, s0  }
0x10: {  	v0 =	vmov s14;
	s6 =	sor.u32 $0x1C05, s28;
	[dreg:$0x4] =	wrdreg s30;
	s9 =	sadd.s32 $0x40800, s0  }
.LBB2_1:
0x11: {  	s0 =	rddreg [dreg:$0x3]  }
0x12: {  	[spmem:s12], [sflag:s6] =	dma.local [hbm:s0], $0x1480  }
0x13: {  	_ =	swait.ge [sflag:s13], $0x1480  }
0x14: {  	[sflag:s13] =	ssyncset.done $0x0  }
0x15: {  	s21 =	rddreg [dreg:$0x4];
	[sflag:s13] =	ssyncadd.s32 $0xFFFFEB80  }
0x16: {  	[tilespmem:s3], [sflag:$0x5] =	stream.linear.gather [hbm4b:s21+s3], $0x5000, $0x38;
	[tilespmem:$0x1F600] =	vst v63  }
0x17: {  	_ =	swait.ge [sflag:s13], $0x5000  }
0x18: {  	[sflag:s13] =	ssyncset.done $0x0  }
0x19: {  	[sflag:s13] =	ssyncadd.s32 $0xFFFFB000  }
0x1a: {  	s22 =	simm.s32 $0x5000;
	[bflag:$0x0] =	sbarrier.arrive $0xFFFF  }
0x1b: {  	[tilespmem:s22], [sflag:$0x3] =	stream.linear.gather [hbm4b:s8+s3], $0x100, $0x38;
	[tilespmem:$0x1F600] =	vst v63  }
0x1c: {  	s23 =	simm.s32 $0x5200;
	s1 =	sand.u32 $0x1, s3  }
0x1d: {  	[tilespmem:s23], [sflag:$0x1] =	stream.indirect.gather [hbm4b:s4+s15], $0x80, s3, s15, $0xb8;
	[tilespmem:$0x1F600] =	vst v63  }
0x1e: {  	s24 =	simm.s32 $0x9200;
	s25 =	sadd.s32 $0x3, s1  }
0x1f: {  	[tilespmem:s24], [sflag:$0x1] =	stream.indirect.gather [hbm4b:s4+s15], $0x80, s15, s15, $0xb8;
	[tilespmem:$0x1F600] =	vst v63  }
0x20: {  	_ =	swait.ge [sflag:s25], $0x100  }
0x21: {  	[sflag:s25] =	ssyncset.done $0x0  }
0x22: {  	s26 =	sadd.s32 $0x1, s1;
	[sflag:s25] =	ssyncadd.s32 $0xFFFFFF00  }
0x23: {  	_ =	swait.ge [sflag:s26], $0x4000  }
0x24: {  	p0 =	por $0x0, $0x0;
	[sflag:s26] =	ssyncset.done $0x0  }
0x25: {  	s14 =	sxor.u32 @!p0 $0x1, s1;
	p1 =	por p0, p0;
	[sflag:s26] =	ssyncadd.s32 $0xFFFFC000  }
0x26: {  	s16 =	sshll.u32 @!p0 s14, $0x8;
	s17 =	sadd.s32 @!p0 $0x3, s14;
	_ =	swait.ge [sflag:s26], $0x4000  }
0x27: {  	s20 =	sshll.u32 @!p0 s14, $0xF;
	s0 =	simm.s32 @!p1 $0x0;
	[sflag:s26] =	ssyncset.done $0x0  }
0x28: {  	s14 =	sadd.s32 @!p1 $0x1, s14;
	s16 =	sor.u32 @!p0 $0x5000, s16;
	[sflag:s26] =	ssyncadd.s32 $0xFFFFC000  }
0x29: {  	[tilespmem:s16], [sflag:s17] =	stream.linear.gather @!p1 [hbm4b:s11+s0], $0x100, $0x38;
	[tilespmem:$0x1F600] =	vst v63  }
0x2a: {  	s21 =	sor.u32 @!p0 $0x5200, s20;
	s0 =	simm.s32 @!p0 $0x100;
	s16 =	simm.s32 @!p1 $0x80  }
0x2b: {  	[tilespmem:s21], [sflag:s14] =	stream.indirect.gather @!p1 [hbm4b:s4+s16], $0x80, s0, s16, $0xb8;
	[tilespmem:$0x1F600] =	vst v63  }
0x2c: {  	s17 =	sadd.s32 @!p0 $0x9200, s20;
	s20 =	simm.s32 @!p0 $0x180;
	s0 =	sshll.u32 s1, $0x8  }
0x2d: {  	[tilespmem:s17], [sflag:s14] =	stream.indirect.gather @!p1 [hbm4b:s4+s16], $0x80, s20, s16, $0xb8;
	[tilespmem:$0x1F600] =	vst v63  }
0x2e: {  	v1 =	vld [tilespmem:s0+$0x5060]  }
0x2f: {  	v2 =	vld [tilespmem:s0+$0x5070]  }
0x30: {  	v3 =	vld [tilespmem:s0+$0x5020]  }
0x31: {  	v4 =	vld [tilespmem:s0+$0x5030]  }
0x32: {  	v6 =	vld [tilespmem:s0+$0x5080]  }
0x33: {  	v8 =	vld [tilespmem:s0+$0x5040]  }
0x34: {  	v7 =	vld [tilespmem:s0+$0x5050];
	v1 =	vsub.s32 v1, v0  }
0x35: {  	v5 =	vld [tilespmem:s0+$0x5000];
	v2 =	vsub.s32 v2, v0;
	v1 =	vmin.u32 v1, $0x1400  }
0x36: {  	v3 =	vsub.s32 v3, v0;
	[tilespmem:s0+$0x5060] =	vst v1;
	v1 =	vmin.u32 v2, $0x1400  }
0x37: {  	v3 =	vmin.u32 v3, $0x1400;
	v2 =	vsub.s32 v4, v0;
	[tilespmem:s0+$0x5070] =	vst v1;
	v1 =	vld [tilespmem:s0+$0x50C0]  }
0x38: {  	v60 =	vsub.s32 v8, v0;
	[tilespmem:s0+$0x5020] =	vst v3;
	v3 =	vld [tilespmem:s0+$0x50F0];
	v2 =	vmin.u32 v2, $0x1400  }
0x39: {  	v57 =	vld [tilespmem:s0+$0x5090];
	v58 =	vsub.s32 v7, v0;
	v7 =	vmin.u32 v60, $0x1400;
	[tilespmem:s0+$0x5030] =	vst v2;
	v2 =	vsub.s32 v6, v0  }
0x3a: {  	v59 =	vld [tilespmem:s0+$0x50B0];
	v56 =	vsub.s32 v5, v0;
	[tilespmem:s0+$0x5040] =	vst v7;
	v2 =	vmin.u32 v2, $0x1400  }
0x3b: {  	v4 =	vmin.u32 v56, $0x1400;
	[tilespmem:s0+$0x5080] =	vst v2;
	v2 =	vld [tilespmem:s0+$0x50A0]  }
0x3c: {  	v61 =	vld [tilespmem:s0+$0x5010];
	[tilespmem:s0+$0x5000] =	vst v4;
	v6 =	vmin.u32 v58, $0x1400;
	v1 =	vsub.s32 v1, v0  }
0x3d: {  	v63 =	vld [tilespmem:s0+$0x50E0];
	[tilespmem:s0+$0x5050] =	vst v6;
	v3 =	vsub.s32 v3, v0;
	v1 =	vmin.u32 v1, $0x1400  }
0x3e: {  	v62 =	vld [tilespmem:s0+$0x50D0];
	v5 =	vsub.s32 v57, v0;
	[tilespmem:s0+$0x50C0] =	vst v1;
	v1 =	vmin.u32 v3, $0x1400  }
0x3f: {  	v4 =	vsub.s32 v59, v0;
	v3 =	vmin.u32 v5, $0x1400;
	[tilespmem:s0+$0x50F0] =	vst v1  }
0x40: {  	[tilespmem:s0+$0x5090] =	vst v3;
	v1 =	vsub.s32 v2, v0;
	v2 =	vmin.u32 v4, $0x1400  }
0x41: {  	s5 =	simm.s32 $0x1;
	s24 =	sadd.s32 $0x20, s11;
	v3 =	vsub.s32 v61, v0;
	v1 =	vmin.u32 v1, $0x1400;
	[tilespmem:s0+$0x50B0] =	vst v2  }
0x42: {  	s22 =	simm.s32 $0x800;
	s28 =	smov.u32 s24;
	p0 =	por $0x0, $0x0;
	v2 =	vmin.u32 v3, $0x1400;
	v3 =	vsub.s32 v63, v0;
	[tilespmem:s0+$0x50A0] =	vst v1  }
0x43: {  	s29 =	simm.s32 @!p0 $0x200;
	s1 =	sshll.u32 s1, $0xF;
	s21 =	sand.u32 $0x1, s5;
	v1 =	vsub.s32 v62, v0;
	[tilespmem:s0+$0x5010] =	vst v2;
	v2 =	vmin.u32 v3, $0x1400  }
0x44: {  	s23 =	sxor.u32 @!p0 $0x1, s21;
	s7 =	sor.u32 $0x5200, s1;
	s26 =	sor.u32 $0x5000, s0;
	v1 =	vmin.u32 v1, $0x1400;
	[tilespmem:s0+$0x50E0] =	vst v2  }
0x45: {  	s1 =	sadd.s32 $0x9200, s1;
	s14 =	sadd.s32 $0x3, s21;
	s16 =	sshll.u32 @!p0 s23, $0x8;
	[tilespmem:s0+$0x50D0] =	vst v1  }
0x46: {  	[spmem:s2] =	stream.indirect.scatter.add.f32 [tilespmem:s7], [sflag:$0x5], $0x80, s26, s15, $0xb8;
	[tilespmem:$0x1F600] =	vst v63  }
0x47: {  	s25 =	sadd.s32 @!p0 $0x3, s23;
	s17 =	sshll.u32 @!p0 s23, $0xF;
	_ =	swait.ge [sflag:s13], $0x4000  }
0x48: {  	s20 =	sshll.u32 s21, $0xF;
	s31 =	sor.u32 @!p0 $0x5000, s16;
	[sflag:s13] =	ssyncset.done $0x0  }
0x49: {  	s30 =	sadd.s32 @!p0 $0x9200, s17;
	s0 =	sor.u32 $0x5080, s0;
	[sflag:s13] =	ssyncadd.s32 $0xFFFFC000  }
0x4a: {  	[spmem:s2] =	stream.indirect.scatter.add.f32 [tilespmem:s1], [sflag:$0x5], $0x80, s0, s15, $0xb8;
	[tilespmem:$0x1F600] =	vst v63  }
0x4b: {  	s26 =	sor.u32 @!p0 $0x5200, s17;
	s1 =	simm.s32 @!p0 $0x280;
	_ =	swait.ge [sflag:s13], $0x4000  }
0x4c: {  	p0 =	por p0, p0;
	s0 =	simm.s32 $0x2;
	[sflag:s13] =	ssyncset.done $0x0  }
.LBB2_2:
0x4d: {  	s24 =	sadd.s32 $0x20, s24  }
0x4e: {  	[sflag:s13] =	ssyncadd.s32 $0xFFFFC000;
	s17 =	smov.u32 s22;
	s22 =	sadd.s32 $0x400, s22  }
0x4f: {  	p1 =	sne.s32 s22, $0x14000;
	_ =	swait.ge [sflag:s14], $0x100  }
0x50: {  	[sflag:s14] =	ssyncset.done $0x0  }
0x51: {  	[sflag:s14] =	ssyncadd.s32 $0xFFFFFF00;
	s14 =	sadd.s32 $0x1, s21  }
0x52: {  	_ =	swait.ge [sflag:s14], $0x4000  }
0x53: {  	[sflag:s14] =	ssyncset.done $0x0  }
0x54: {  	[sflag:s14] =	ssyncadd.s32 $0xFFFFC000  }
0x55: {  	_ =	swait.ge [sflag:s14], $0x4000  }
0x56: {  	[sflag:s14] =	ssyncset.done $0x0  }
0x57: {  	[sflag:s14] =	ssyncadd.s32 $0xFFFFC000;
	s14 =	simm.s32 @!p0 $0x0  }
0x58: {  	[tilespmem:s31], [sflag:s25] =	stream.linear.gather @!p0 [hbm4b:s28+s14], $0x100, $0x38;
	[tilespmem:$0x1F600] =	vst v63  }
0x59: {  	s14 =	sadd.s32 @!p0 $0x1, s23;
	s23 =	simm.s32 @!p0 $0x80;
	s28 =	smov.u32 s24  }
0x5a: {  	[tilespmem:s26], [sflag:s14] =	stream.indirect.gather @!p0 [hbm4b:s4+s23], $0x80, s29, s23, $0xb8;
	[tilespmem:$0x1F600] =	vst v63  }
0x5b: {  	s16 =	sshll.u32 s21, $0x8;
	p2 =	seq.s32 s17, $0x13C00;
	s21 =	sand.u32 $0x1, s0  }
0x5c: {  	[tilespmem:s30], [sflag:s14] =	stream.indirect.gather @!p0 [hbm4b:s4+s23], $0x80, s1, s23, $0xb8;
	[tilespmem:$0x1F600] =	vst v63  }
0x5d: {  	s14 =	sadd.s32 $0x3, s21;
	s23 =	sxor.u32 @!p2 $0x1, s21;
	s1 =	sshra.s32 @!p2 s17, $0x2;
	v1 =	vld [tilespmem:s16+$0x5070]  }
0x5e: {  	s17 =	sshll.u32 @!p2 s23, $0x8;
	s25 =	sadd.s32 @!p2 $0x3, s23;
	s30 =	sshll.u32 @!p2 s23, $0xF;
	v2 =	vld [tilespmem:s16+$0x5060]  }
0x5f: {  	s29 =	sadd.s32 @!p2 $0x100, s1;
	s31 =	sor.u32 @!p2 $0x5000, s17;
	s26 =	sor.u32 @!p2 $0x5200, s30;
	v3 =	vld [tilespmem:s16+$0x5030]  }
0x60: {  	s1 =	sadd.s32 @!p2 $0x180, s1;
	s17 =	sshll.u32 s21, $0xF;
	s30 =	sadd.s32 @!p2 $0x9200, s30;
	v4 =	vld [tilespmem:s16+$0x5020]  }
0x61: {  	p0 =	por p2, p2;
	v5 =	vld [tilespmem:s16+$0x5050]  }
0x62: {  	v6 =	vld [tilespmem:s16+$0x5000]  }
0x63: {  	v2 =	vsub.s32 v2, v0;
	v7 =	vld [tilespmem:s16+$0x5080]  }
0x64: {  	v1 =	vsub.s32 v1, v0;
	v3 =	vsub.s32 v3, v0;
	v2 =	vmin.u32 v2, $0x1400;
	v8 =	vld [tilespmem:s16+$0x50E0]  }
0x65: {  	v1 =	vmin.u32 v1, $0x1400;
	v4 =	vsub.s32 v4, v0;
	v3 =	vmin.u32 v3, $0x1400;
	v9 =	vld [tilespmem:s16+$0x5040];
	[tilespmem:s16+$0x5060] =	vst v2  }
0x66: {  	v2 =	vmin.u32 v4, $0x1400;
	v4 =	vsub.s32 v5, v0;
	[tilespmem:s16+$0x5070] =	vst v1;
	v1 =	vld [tilespmem:s16+$0x50C0]  }
0x67: {  	v5 =	vsub.s32 v6, v0;
	[tilespmem:s16+$0x5020] =	vst v2;
	v2 =	vmin.u32 v4, $0x1400;
	v4 =	vld [tilespmem:s16+$0x50F0]  }
0x68: {  	v5 =	vmin.u32 v5, $0x1400;
	[tilespmem:s16+$0x5030] =	vst v3;
	v3 =	vsub.s32 v7, v0;
	v6 =	vld [tilespmem:s16+$0x5090]  }
0x69: {  	[tilespmem:s16+$0x5000] =	vst v5;
	v3 =	vmin.u32 v3, $0x1400;
	v5 =	vld [tilespmem:s16+$0x50B0];
	v7 =	vsub.s32 v8, v0  }
0x6a: {  	v8 =	vsub.s32 v9, v0;
	[tilespmem:s16+$0x5080] =	vst v3;
	v3 =	vld [tilespmem:s16+$0x50A0];
	v7 =	vmin.u32 v7, $0x1400  }
0x6b: {  	v9 =	vld [tilespmem:s16+$0x5010];
	v8 =	vmin.u32 v8, $0x1400;
	[tilespmem:s16+$0x5050] =	vst v2;
	v1 =	vsub.s32 v1, v0  }
0x6c: {  	[tilespmem:s16+$0x5040] =	vst v8;
	v1 =	vmin.u32 v1, $0x1400;
	v2 =	vld [tilespmem:s16+$0x50D0];
	v4 =	vsub.s32 v4, v0  }
0x6d: {  	v6 =	vsub.s32 v6, v0;
	[tilespmem:s16+$0x50C0] =	vst v1;
	v1 =	vmin.u32 v4, $0x1400  }
0x6e: {  	v4 =	vmin.u32 v6, $0x1400;
	v5 =	vsub.s32 v5, v0;
	[tilespmem:s16+$0x50F0] =	vst v1  }
0x6f: {  	[tilespmem:s16+$0x5090] =	vst v4;
	v1 =	vsub.s32 v3, v0;
	v3 =	vmin.u32 v5, $0x1400  }
0x70: {  	v4 =	vsub.s32 v9, v0;
	v1 =	vmin.u32 v1, $0x1400;
	[tilespmem:s16+$0x50B0] =	vst v3  }
0x71: {  	v3 =	vmin.u32 v4, $0x1400;
	[tilespmem:s16+$0x50A0] =	vst v1;
	v1 =	vsub.s32 v2, v0  }
0x72: {  	[tilespmem:s16+$0x5010] =	vst v3;
	v1 =	vmin.u32 v1, $0x1400  }
0x73: {  	[tilespmem:s16+$0x50D0] =	vst v1  }
0x74: {  	s5 =	sor.u32 $0x5200, s20;
	s7 =	sor.u32 $0x5000, s16;
	[tilespmem:s16+$0x50E0] =	vst v7  }
0x75: {  	[spmem:s2] =	stream.indirect.scatter.add.f32 [tilespmem:s5], [sflag:$0x5], $0x80, s7, s15, $0xb8;
	[tilespmem:$0x1F600] =	vst v63  }
0x76: {  	_ =	swait.ge [sflag:s13], $0x4000  }
.Ltmp0:
0x77: {  	[sflag:s13] =	ssyncset.done $0x0;
	(pc) =	sbr.rel @p1 .LBB2_2-.Ltmp0, $4  }
0x78: {  	s5 =	sadd.s32 $0x9200, s20;
	s7 =	sor.u32 $0x5080, s16;
	[sflag:s13] =	ssyncadd.s32 $0xFFFFC000  }
0x79: {  	[spmem:s2] =	stream.indirect.scatter.add.f32 [tilespmem:s5], [sflag:$0x5], $0x80, s7, s15, $0xb8;
	[tilespmem:$0x1F600] =	vst v63  }
0x7a: {  	s20 =	smov.u32 s17;
	_ =	swait.ge [sflag:s13], $0x4000  }
0x7b: {  	s0 =	sadd.s32 $0x1, s0;
	[sflag:s13] =	ssyncset.done $0x0  }
0x7c: {  	[sflag:s13] =	ssyncadd.s32 $0xFFFFC000  }
0x7d: {  	_ =	swait.ge [sflag:s14], $0x100  }
0x7e: {  	[sflag:s14] =	ssyncset.done $0x0  }
0x7f: {  	s0 =	sadd.s32 $0x1, s21;
	[sflag:s14] =	ssyncadd.s32 $0xFFFFFF00  }
0x80: {  	_ =	swait.ge [sflag:s0], $0x4000  }
0x81: {  	[sflag:s0] =	ssyncset.done $0x0  }
0x82: {  	[sflag:s0] =	ssyncadd.s32 $0xFFFFC000  }
0x83: {  	_ =	swait.ge [sflag:s0], $0x4000  }
0x84: {  	[sflag:s0] =	ssyncset.done $0x0  }
0x85: {  	[sflag:s0] =	ssyncadd.s32 $0xFFFFC000;
	s0 =	simm.s32 @!p0 $0x0  }
0x86: {  	[tilespmem:s31], [sflag:s25] =	stream.linear.gather @!p0 [hbm4b:s28+s0], $0x100, $0x38;
	[tilespmem:$0x1F600] =	vst v63  }
0x87: {  	s5 =	sadd.s32 @!p0 $0x1, s23;
	s7 =	simm.s32 @!p0 $0x80  }
0x88: {  	[tilespmem:s26], [sflag:s5] =	stream.indirect.gather @!p0 [hbm4b:s4+s7], $0x80, s29, s7, $0xb8;
	[tilespmem:$0x1F600] =	vst v63  }
0x89: {  	s28 =	sshll.u32 s21, $0x8  }
0x8a: {  	[tilespmem:s30], [sflag:s5] =	stream.indirect.gather @!p0 [hbm4b:s4+s7], $0x80, s1, s7, $0xb8;
	[tilespmem:$0x1F600] =	vst v63  }
0x8b: {  	v1 =	vld [tilespmem:s28+$0x5060]  }
0x8c: {  	v2 =	vld [tilespmem:s28+$0x5070]  }
0x8d: {  	v3 =	vld [tilespmem:s28+$0x5020]  }
0x8e: {  	v4 =	vld [tilespmem:s28+$0x5030]  }
0x8f: {  	v6 =	vld [tilespmem:s28+$0x5080]  }
0x90: {  	v8 =	vld [tilespmem:s28+$0x5040]  }
0x91: {  	v7 =	vld [tilespmem:s28+$0x5050];
	v1 =	vsub.s32 v1, v0  }
0x92: {  	v5 =	vld [tilespmem:s28+$0x5000];
	v2 =	vsub.s32 v2, v0;
	v1 =	vmin.u32 v1, $0x1400  }
0x93: {  	v3 =	vsub.s32 v3, v0;
	[tilespmem:s28+$0x5060] =	vst v1;
	v1 =	vmin.u32 v2, $0x1400  }
0x94: {  	v3 =	vmin.u32 v3, $0x1400;
	v2 =	vsub.s32 v4, v0;
	[tilespmem:s28+$0x5070] =	vst v1;
	v1 =	vld [tilespmem:s28+$0x50C0]  }
0x95: {  	v60 =	vsub.s32 v8, v0;
	[tilespmem:s28+$0x5020] =	vst v3;
	v3 =	vld [tilespmem:s28+$0x50F0];
	v2 =	vmin.u32 v2, $0x1400  }
0x96: {  	v57 =	vld [tilespmem:s28+$0x5090];
	v58 =	vsub.s32 v7, v0;
	v7 =	vmin.u32 v60, $0x1400;
	[tilespmem:s28+$0x5030] =	vst v2;
	v2 =	vsub.s32 v6, v0  }
0x97: {  	v59 =	vld [tilespmem:s28+$0x50B0];
	v56 =	vsub.s32 v5, v0;
	[tilespmem:s28+$0x5040] =	vst v7;
	v2 =	vmin.u32 v2, $0x1400  }
0x98: {  	v4 =	vmin.u32 v56, $0x1400;
	[tilespmem:s28+$0x5080] =	vst v2;
	v2 =	vld [tilespmem:s28+$0x50A0]  }
0x99: {  	v61 =	vld [tilespmem:s28+$0x5010];
	[tilespmem:s28+$0x5000] =	vst v4;
	v6 =	vmin.u32 v58, $0x1400;
	v1 =	vsub.s32 v1, v0  }
0x9a: {  	v63 =	vld [tilespmem:s28+$0x50E0];
	[tilespmem:s28+$0x5050] =	vst v6;
	v3 =	vsub.s32 v3, v0;
	v1 =	vmin.u32 v1, $0x1400  }
0x9b: {  	v62 =	vld [tilespmem:s28+$0x50D0];
	v5 =	vsub.s32 v57, v0;
	[tilespmem:s28+$0x50C0] =	vst v1;
	v1 =	vmin.u32 v3, $0x1400  }
0x9c: {  	v4 =	vsub.s32 v59, v0;
	v3 =	vmin.u32 v5, $0x1400;
	[tilespmem:s28+$0x50F0] =	vst v1  }
0x9d: {  	[tilespmem:s28+$0x5090] =	vst v3;
	v1 =	vsub.s32 v2, v0;
	v2 =	vmin.u32 v4, $0x1400  }
0x9e: {  	v3 =	vsub.s32 v61, v0;
	v1 =	vmin.u32 v1, $0x1400;
	[tilespmem:s28+$0x50B0] =	vst v2  }
0x9f: {  	v2 =	vmin.u32 v3, $0x1400;
	v3 =	vsub.s32 v63, v0;
	[tilespmem:s28+$0x50A0] =	vst v1  }
0xa0: {  	v1 =	vsub.s32 v62, v0;
	[tilespmem:s28+$0x5010] =	vst v2;
	v2 =	vmin.u32 v3, $0x1400  }
0xa1: {  	v1 =	vmin.u32 v1, $0x1400;
	[tilespmem:s28+$0x50E0] =	vst v2  }
0xa2: {  	s29 =	sor.u32 $0x5200, s20;
	s30 =	sor.u32 $0x5000, s28;
	[tilespmem:s28+$0x50D0] =	vst v1  }
0xa3: {  	[spmem:s2] =	stream.indirect.scatter.add.f32 [tilespmem:s29], [sflag:$0x5], $0x80, s30, s15, $0xb8;
	[tilespmem:$0x1F600] =	vst v63  }
0xa4: {  	_ =	swait.ge [sflag:s13], $0x4000  }
0xa5: {  	[sflag:s13] =	ssyncset.done $0x0  }
0xa6: {  	s31 =	sadd.s32 $0x9200, s20;
	s0 =	sor.u32 $0x5080, s28;
	[sflag:s13] =	ssyncadd.s32 $0xFFFFC000  }
0xa7: {  	[spmem:s2] =	stream.indirect.scatter.add.f32 [tilespmem:s31], [sflag:$0x5], $0x80, s0, s15, $0xb8;
	[tilespmem:$0x1F600] =	vst v63  }
0xa8: {  	_ =	swait.ge [sflag:s13], $0x4000  }
0xa9: {  	s19 =	sadd.s32 $0x1, s19;
	[sflag:s13] =	ssyncset.done $0x0  }
0xaa: {  	p0 =	sne.s32 s19, s10;
	[sflag:s13] =	ssyncadd.s32 $0xFFFFC000  }
.Ltmp1:
0xab: {  	[bflag:$0x0] =	sbarrier.arrive $0xFFFF;
	(pc) =	sbr.rel @p0 .LBB2_1-.Ltmp1, $4  }
0xac: {  	[hbm:s9], [sflag:s6] =	dma.local [spmem:s18], $0x1400  }
0xad: {  	_ =	swait.ge [sflag:s13], $0x1400  }
0xae: {  	[sflag:s13] =	ssyncset.done $0x0  }
0xaf: {  	[sflag:s13] =	ssyncadd.s32 $0xFFFFEC00  }
0xb0: {  	_ =	sfence.sel $0x180000  }
0xb1: {  	[bflag:$0x0] =	sbarrier.arrive $0xFFFF  }
0xb2: {  	_ =	strace $0x9000004A  }
0xb3: {  	s0 =	stileid.u32;
	[bflag:$0x2] =	sbarrier.arrive $0xFFFF  }
0xb4: {  	p0 =	sne.s32 s0, $0x0;
	s0 =	rddreg [dreg:$0x2]  }
0xb5: {  	s0 =	sadd.s32 @!p0 $0x100000, s0  }
0xb6: {  	[sflag:s0] =	ssyncadd.tile.s32 @!p0 $0x1;
	_ =	shalt  }
.Lfunc_end2:
_tile_overlayer_lowered:
.L_overlay_start_2:
0xb7: {  	(tag) =	ssettag $0x2  }
0xb8: {  	s0 =	rddreg [dreg:$0x0];
	s2 =	stileid.u32  }
0xb9: {  	s1 =	rddreg [dreg:$0x1];
	p0 =	sne.s32 s2, $0x0  }
0xba: {  	s3 =	rddreg [dreg:$0x2];
	[bflag:$0x3] =	sbarrier.arrive $0xFFFF;
	s2 =	simm.s32 @!p0 $0x1C05  }
0xbb: {  	[timem:s3], [sflag:s2] =	dma.local @!p0 [hbm:s0], s1  }
0xbc: {  	s0 =	simm.s32 @!p0 $0x5  }
0xbd: {  	_ =	swait.ge @!p0 [sflag:s0], s1  }
0xbe: {  	s1 =	ssub.s32 @!p0 $0x0, s1;
	[sflag:s0] =	ssyncset.done @!p0 $0x0  }
0xbf: {  	[sflag:s0] =	ssyncadd.s32 @!p0 s1  }
0xc0: {  	[bflag:$0x3] =	sbarrier.arrive $0xFFFF  }
0xc1: {  	_ =	shalt  }

// kernel: kernel.14.cloned.1.call-start
scs
__scs_entry_jumppad:
0x0: {  	(pc) =	sbr.rel $0x88, $3  }
0x1: {  	(tag) =	ssettag $0x0;
	lr =	simm.s32 $0x1  }
0x2: {  	[smem:$0x3F96] =	sst lr;
	_ =	strace $0xD0000000  }
0x3: {  	_ = 	snop  }
0x4: {  	_ = 	snop  }
0x5: {  	_ = 	snop  }
0x6: {  	_ = 	snop  }
0x7: {  	_ = 	snop  }
__scs_overlays_trampoline_lowered:
0x8: {  	[smem:$0x3FA5] =	sst s0  }
0x9: {  	[smem:$0x3FA6] =	sst s1  }
0xa: {  	[smem:$0x3FA7] =	sst s2  }
0xb: {  	[smem:$0x3FA8] =	sst s3  }
0xc: {  	[smem:$0x3FA9] =	sst s4  }
0xd: {  	[smem:$0x3FAA] =	sst s5  }
0xe: {  	[smem:$0x3FAB] =	sst s6  }
0xf: {  	[smem:$0x3FAC] =	sst s7  }
0x10: {  	[smem:$0x3FAD] =	sst s8  }
0x11: {  	[smem:$0x3FAE] =	sst s9;
	s0 =	simm.s32 @!p0 $0x0  }
0x12: {  	s1 =	sld [smem:$0x3F94];
	s0 =	simm.s32 @p0 $0x1  }
0x13: {  	[smem:$0x3FAF] =	sst s0;
	s0 =	simm.s32 @!p1 $0x0  }
0x14: {  	s2 =	sld [smem:$0x3F93];
	s0 =	simm.s32 @p1 $0x1  }
0x15: {  	[smem:$0x3FB0] =	sst s0;
	s0 =	simm.s32 @!p2 $0x0  }
0x16: {  	s3 =	sld [smem:$0x3FDB];
	s0 =	simm.s32 @p2 $0x1  }
0x17: {  	s4 =	simm.s32 $0x1BF5;
	[smem:$0x3FB2] =	sst s0  }
0x18: {  	s0 =	sld [smem:$0x3F95];
	_ =	swait.ge [sflag:s4], $0x0  }
0x19: {  	s7 =	sld [smem:$0x3F96]  }
0x1a: {  	s8 =	sadd.s32 $0xFFFFE003, lr  }
0x1b: {  	s9 =	sadd.s32 $0xFFFFFEF7, lr;
	s5 =	simm.s32 $0xFFFFFFFF;
	p2 =	slt.u32 s8, $0xFFFFF086  }
0x1c: {  	p1 =	slt.u32 s9, $0xF7A;
	s5 =	simm.s32 @!p2 $0x0  }
0x1d: {  	s5 =	simm.s32 @p1 $0x1;
	p0 =	seq.s32 s7, s2  }
0x1e: {  	s7 =	smul.u32 @!p0 $0xF7A, s2;
	p2 =	seq.s32 @!p0 s5, $0x0  }
0x1f: {  	s9 =	smul.u32 $0xF7A, s1;
	s8 =	simm.s32 @!p0 $0x1BF5;
	p2 =	por !p2, p0  }
0x20: {  	[sflag:s8] =	ssyncset.s32 @!p0 $0xFFFFF086;
	s6 =	sadd.s32 @!p0 s3, s7;
	s7 =	simm.s32 @!p0 $0x108  }
0x21: {  	s3 =	sadd.s32 s3, s9;
	s6 =	sadd.s32 @!p0 $0x88, s6;
	s7 =	simm.s32 @p2 $0x1082  }
0x22: {  	[simem:s7], [sflag:s8] =	dma.local @!p0 [hbm:s6], $0xF7A  }
0x23: {  	s9 =	sor.u32 $0xD0000000, s2;
	s6 =	simm.s32 $0x108;
	_ =	swait.ge @!p0 [sflag:s8], $0x0  }
0x24: {  	s3 =	sadd.s32 $0x88, s3;
	s6 =	simm.s32 @!p1 $0x1082;
	[sflag:s4] =	ssyncset.s32 $0xFFFFF086  }
0x25: {  	[simem:s6], [sflag:s4] =	dma.local [hbm:s3], $0xF7A  }
0x26: {  	[smem:$0x3F96] =	sst s1;
	(tag) =	ssettag s2;
	_ =	strace s9  }
0x27: {  	s1 =	sld [smem:$0x3FA6]  }
0x28: {  	s2 =	sld [smem:$0x3FA7]  }
0x29: {  	s4 =	sld [smem:$0x3FA9]  }
0x2a: {  	p0 =	seq.s32 s5, $0x0;
	s5 =	sld [smem:$0x3FAA]  }
0x2b: {  	s6 =	sld [smem:$0x3FAB]  }
0x2c: {  	s7 =	sld [smem:$0x3FAC]  }
0x2d: {  	s3 =	simm.s32 $0x108;
	s8 =	sld [smem:$0x3FAD]  }
0x2e: {  	s3 =	simm.s32 @!p0 $0x1082;
	s9 =	sld [smem:$0x3FAE]  }
0x2f: {  	lr =	sadd.s32 s0, s3;
	s0 =	sld [smem:$0x3FA5]  }
0x30: {  	s3 =	sld [smem:$0x3FA8]  }
0x31: {  	[smem:$0x3FB1] =	sst s10  }
0x32: {  	s10 =	sld [smem:$0x3FAF];
	_ =	sdelay $0x3  }
0x33: {  	p0 =	seq.s32 s10, $0x1;
	s10 =	sld [smem:$0x3FB1];
	_ =	sdelay $0x3  }
0x34: {  	[smem:$0x3FB1] =	sst s10  }
0x35: {  	s10 =	sld [smem:$0x3FB0];
	_ =	sdelay $0x3  }
0x36: {  	p1 =	seq.s32 s10, $0x1;
	s10 =	sld [smem:$0x3FB1];
	_ =	sdelay $0x3  }
0x37: {  	[smem:$0x3FB1] =	sst s10  }
0x38: {  	s10 =	sld [smem:$0x3FB2]  }
0x39: {  	_ = 	snop;
	(pc) =	sbr.ind lr, $3  }
0x3a: {  	_ = 	snop  }
0x3b: {  	_ = 	snop  }
0x3c: {  	p2 =	seq.s32 s10, $0x1;
	s10 =	sld [smem:$0x3FB1]  }
0x3d: {  	_ =	shalt  }
0x3e: {  	_ =	shalt  }
0x3f: {  	_ =	shalt  }
0x40: {  	_ =	shalt  }
0x41: {  	_ =	shalt  }
0x42: {  	_ =	shalt  }
0x43: {  	_ =	shalt  }
0x44: {  	_ =	shalt  }
0x45: {  	_ =	shalt  }
0x46: {  	_ =	shalt  }
0x47: {  	_ =	shalt  }
0x48: {  	_ =	shalt  }
0x49: {  	_ =	shalt  }
0x4a: {  	_ =	shalt  }
0x4b: {  	_ =	shalt  }
0x4c: {  	_ =	shalt  }
0x4d: {  	_ =	shalt  }
0x4e: {  	_ =	shalt  }
0x4f: {  	_ =	shalt  }
0x50: {  	_ =	shalt  }
0x51: {  	_ =	shalt  }
0x52: {  	_ =	shalt  }
0x53: {  	_ =	shalt  }
0x54: {  	_ =	shalt  }
0x55: {  	_ =	shalt  }
0x56: {  	_ =	shalt  }
0x57: {  	_ =	shalt  }
0x58: {  	_ =	shalt  }
0x59: {  	_ =	shalt  }
0x5a: {  	_ =	shalt  }
0x5b: {  	_ =	shalt  }
0x5c: {  	_ =	shalt  }
0x5d: {  	_ =	shalt  }
0x5e: {  	_ =	shalt  }
0x5f: {  	_ =	shalt  }
0x60: {  	_ =	shalt  }
0x61: {  	_ =	shalt  }
0x62: {  	_ =	shalt  }
0x63: {  	_ =	shalt  }
0x64: {  	_ =	shalt  }
0x65: {  	_ =	shalt  }
0x66: {  	_ =	shalt  }
0x67: {  	_ =	shalt  }
0x68: {  	_ =	shalt  }
0x69: {  	_ =	shalt  }
0x6a: {  	_ =	shalt  }
0x6b: {  	_ =	shalt  }
0x6c: {  	_ =	shalt  }
0x6d: {  	_ =	shalt  }
0x6e: {  	_ =	shalt  }
0x6f: {  	_ =	shalt  }
0x70: {  	_ =	shalt  }
0x71: {  	_ =	shalt  }
0x72: {  	_ =	shalt  }
0x73: {  	_ =	shalt  }
0x74: {  	_ =	shalt  }
0x75: {  	_ =	shalt  }
0x76: {  	_ =	shalt  }
0x77: {  	_ =	shalt  }
0x78: {  	_ =	shalt  }
0x79: {  	_ =	shalt  }
0x7a: {  	_ =	shalt  }
0x7b: {  	_ =	shalt  }
0x7c: {  	_ =	shalt  }
0x7d: {  	_ =	shalt  }
0x7e: {  	_ =	shalt  }
0x7f: {  	_ =	shalt  }
0x80: {  	_ =	shalt  }
0x81: {  	_ =	shalt  }
0x82: {  	_ =	shalt  }
0x83: {  	_ =	shalt  }
0x84: {  	_ =	shalt  }
0x85: {  	_ =	shalt  }
0x86: {  	_ =	shalt  }
0x87: {  	_ =	shalt  }
.Lfunc_end0:
.L_simem_size_0:
called_computation.2_lowered:
.L_overlay_start_0:
0x88: {  	s2 =	sld [smem:$0x3FD9]  }
0x89: {  	s3 =	sld [smem:$0x3FFE];
	_ =	sdelay $0x1  }
0x8a: {  	s1 =	srdreg.scid  }
0x8b: {  	s0 =	sand.u32 $0x1, s1  }
0x8c: {  	s16 =	sshll.u32 s0, $0xA;
	s2 =	sadd.s32 s3, s2  }
0x8d: {  	s2 =	sadd.s32 s2, s16  }
0x8e: {  	[smem:$0x3FBD] =	sst s2  }
0x8f: {  	_ = 	snop  }
0x90: {  	(tm) =	ssettm $0x1  }
0x91: {  	s17 =	sld [smem:$0x3FFB];
	_ =	sdelay $0x3  }
0x92: {  	_ =	strace s17  }
0x93: {  	s2 =	sld [smem:$0x3FFC];
	_ =	sdelay $0x3  }
0x94: {  	_ =	strace s2  }
0x95: {  	s2 =	sld [smem:$0x3FFD];
	_ =	sdelay $0x3  }
0x96: {  	_ =	strace s2  }
0x97: {  	_ =	strace $0x8FFFFFFF  }
0x98: {  	s18 =	sld [smem:$0x3FDB];
	_ =	sdelay $0x1  }
0x99: {  	s19 =	simm.s32 $_scs_section_size  }
0x9a: {  	s4 =	simm.s32 $_size__tile_overlayer_lowered;
	s5 =	simm.s32 $_tile_overlayer_lowered  }
0x9b: {  	s22 =	simm.s32 $0x1BFF;
	s21 =	sshll.u32 s5, $0x1;
	s2 =	sadd.s32 s19, s18  }
0x9c: {  	s6 =	simm.s32 $0x0;
	s20 =	sshll.u32 s4, $0x1;
	s4 =	sadd.s32 s21, s2  }
0x9d: {  	[timem:s6], [sflag:s22] =	dma.local [hbm:s4], s20  }
0x9e: {  	_ =	swait.ge [sflag:s22], s20  }
0x9f: {  	s3 =	ssub.s32 $0x0, s20;
	[sflag:s22] =	ssyncset.done $0x0  }
0xa0: {  	[sflag:s22] =	ssyncadd.s32 s3;
	_ =	sdelay $0x1  }
0xa1: {  	s23 =	simm.s32 $0x1B8B  }
0xa2: {  	_ =	swait.ge [sflag:s23], $0x1  }
0xa3: {  	[sflag:s23] =	ssyncset.done $0x0  }
0xa4: {  	s25 =	simm.s32 $0x1B8E;
	s24 =	sld [smem:$0x3FFE];
	[sflag:s23] =	ssyncadd.s32 $0xFFFFFFFF  }
0xa5: {  	s26 =	simm.s32 $execute0_lowered;
	[smem:$0x3FD2] =	sst s25  }
0xa6: {  	s4 =	sshll.u32 s26, $0x1;
	_ =	strace $0x8000004C;
	[dreg:$0x1] =	wrdreg $0xFFFFFFFF  }
0xa7: {  	s28 =	simm.s32 $_size_execute0_lowered;
	s2 =	sadd.s32 s2, s4;
	[dreg:$0x0] =	wrdreg $0x0  }
0xa8: {  	s4 =	sshll.u32 s28, $0x1;
	[dreg:$0x2] =	wrdreg s2  }
0xa9: {  	[dreg:$0x3] =	wrdreg s4  }
0xaa: {  	[dreg:$0x4] =	wrdreg $0xC0  }
0xab: {  	_ =	task [dreg:s6], $0x5FFFF  }
0xac: {  	[dreg:$0x1] =	wrdreg $0xFFFFFFFF  }
0xad: {  	[dreg:$0x0] =	wrdreg $0x60  }
0xae: {  	[dreg:$0x2] =	wrdreg s24  }
0xaf: {  	[dreg:$0x3] =	wrdreg $0x152000  }
0xb0: {  	[dreg:$0x4] =	wrdreg $0x9  }
0xb1: {  	_ =	task.clear_ibuf [dreg:s6], $0x5FFFF;
	_ =	strace $0x9000004C  }
0xb2: {  	s29 =	simm.s32 $0x9;
	_ =	strace $0x8000004E  }
0xb3: {  	_ =	swait.ge [sflag:s29], $0x1  }
0xb4: {  	[sflag:s29] =	ssyncadd.s32 $0xFFFFFFFF  }
0xb5: {  	_ =	strace $0x9000004E  }
0xb6: {  	_ =	sfence  }
0xb7: {  	s30 =	sld [smem:$0x0];
	_ =	sdelay $0x2  }
0xb8: {  	s31 =	sshll.u32 s1, $0xD;
	s1 =	sshrl.u32 s1, $0x2  }
0xb9: {  	s3 =	sand.u32 $0x4000, s31;
	s1 =	sadd.s32 s1, s30  }
0xba: {  	s0 =	sor.u32 s3, s0;
	s1 =	sshll.u32 s1, $0x11  }
0xbb: {  	s0 =	sor.u32 s1, s0  }
0xbc: {  	s0 =	sadd.s32 $0x8F2B, s0  }
0xbd: {  	[sflag:s0] =	ssyncadd.remote.s32 $0x1  }
0xbe: {  	_ =	sfence.sel $0xFFFF  }
0xbf: {  	[dreg:$0x0] =	wrdreg $0xFFFFFFFF;
	(pc) =	sbr.abs _section_cstart, $3  }
0xc0: {  	[dreg:$0x1] =	wrdreg $0xFFFFFFFF  }
0xc1: {  	_ =	task.clear_ibuf [dreg:s6], $0x2FFFF;
	_ =	strace $0x9FFFFFFF  }
0xc2: {  	(tm) =	ssettm $0x7FFFFFFF  }
0xc3: {  	_ =	shalt  }
tec
execute0_lowered:
.L_overlay_start_1:
0x0: {  	(tag) =	ssettag $0x1  }
0x1: {  	s0 =	rddreg [dreg:$0x0]  }
0x2: {  	s13 =	stileid.u32;
	s1 =	srdreg.scid  }
0x3: {  	s2 =	rddreg [dreg:$0x1];
	s4 =	smul.u32 $0x5000, s13  }
0x4: {  	s3 =	simm.s32 $0x0;
	s15 =	simm.s32 $0x80;
	s5 =	smul.u32 $0x140, s13  }
0x5: {  	s19 =	simm.s32 $0x0;
	s1 =	sand.u32 $0x1, s1;
	s9 =	smul.u32 $0x29000, s13  }
0x6: {  	[smem:$0x7FF] =	sst s3;
	s11 =	sadd.s32 $0x3200, s0;
	s10 =	smul.u32 $0x28000, s13  }
0x7: {  	s25 =	sadd.s32 $0xD200, s0;
	s28 =	sshll.u32 s13, $0x6;
	s13 =	smul.u32 $0xA00, s13  }
0x8: {  	s14 =	smul.u32 $0x1400, s1;
	_ =	strace $0x8000004D;
	[dreg:$0x3] =	wrdreg s25  }
0x9: {  	s1 =	ssub.s32 $0x2, s1;
	s8 =	sshrl.u32 s4, $0x3;
	s4 =	sadd.s32 $0xE800, s0  }
0xa: {  	s26 =	sshrl.u32 s1, $0x1;
	s9 =	sshrl.u32 s9, $0x2;
	s29 =	sshrl.u32 s10, $0x2  }
0xb: {  	s31 =	sadd.s32 s13, s11;
	s13 =	simm.s32 $0x5;
	s7 =	sadd.s32 s8, s0  }
0xc: {  	s5 =	sadd.s32 s5, s14;
	s1 =	ssub.s32 s1, s26;
	s12 =	sadd.s32 s9, s2  }
0xd: {  	s8 =	sadd.s32 s11, s8;
	s16 =	sadd.s32 s29, s2;
	s11 =	sadd.s32 $0x20, s31  }
0xe: {  	s6 =	sshll.u32 s5, $0x4;
	s30 =	sadd.s32 $0x36800, s7;
	s10 =	smax.u32 s1, $0x1  }
0xf: {  	s12 =	sshrl.u32 s12, $0x3;
	s18 =	sshrl.u32 s16, $0x3;
	s0 =	sadd.s32 s6, s0  }
0x10: {  	v0 =	vmov s14;
	s6 =	sor.u32 $0x1C05, s28;
	[dreg:$0x4] =	wrdreg s30;
	s9 =	sadd.s32 $0x40800, s0  }
.LBB2_1:
0x11: {  	s0 =	rddreg [dreg:$0x3]  }
0x12: {  	[spmem:s12], [sflag:s6] =	dma.local [hbm:s0], $0x1480  }
0x13: {  	_ =	swait.ge [sflag:s13], $0x1480  }
0x14: {  	[sflag:s13] =	ssyncset.done $0x0  }
0x15: {  	s21 =	rddreg [dreg:$0x4];
	[sflag:s13] =	ssyncadd.s32 $0xFFFFEB80  }
0x16: {  	[tilespmem:s3], [sflag:$0x5] =	stream.linear.gather [hbm4b:s21+s3], $0x5000, $0x38;
	[tilespmem:$0x1F600] =	vst v63  }
0x17: {  	_ =	swait.ge [sflag:s13], $0x5000  }
0x18: {  	[sflag:s13] =	ssyncset.done $0x0  }
0x19: {  	[sflag:s13] =	ssyncadd.s32 $0xFFFFB000  }
0x1a: {  	s22 =	simm.s32 $0x5000;
	[bflag:$0x0] =	sbarrier.arrive $0xFFFF  }
0x1b: {  	[tilespmem:s22], [sflag:$0x3] =	stream.linear.gather [hbm4b:s8+s3], $0x100, $0x38;
	[tilespmem:$0x1F600] =	vst v63  }
0x1c: {  	s23 =	simm.s32 $0x5200;
	s1 =	sand.u32 $0x1, s3  }
0x1d: {  	[tilespmem:s23], [sflag:$0x1] =	stream.indirect.gather [hbm4b:s4+s15], $0x80, s3, s15, $0xb8;
	[tilespmem:$0x1F600] =	vst v63  }
0x1e: {  	s24 =	simm.s32 $0x9200;
	s25 =	sadd.s32 $0x3, s1  }
0x1f: {  	[tilespmem:s24], [sflag:$0x1] =	stream.indirect.gather [hbm4b:s4+s15], $0x80, s15, s15, $0xb8;
	[tilespmem:$0x1F600] =	vst v63  }
0x20: {  	_ =	swait.ge [sflag:s25], $0x100  }
0x21: {  	[sflag:s25] =	ssyncset.done $0x0  }
0x22: {  	s26 =	sadd.s32 $0x1, s1;
	[sflag:s25] =	ssyncadd.s32 $0xFFFFFF00  }
0x23: {  	_ =	swait.ge [sflag:s26], $0x4000  }
0x24: {  	p0 =	por $0x0, $0x0;
	[sflag:s26] =	ssyncset.done $0x0  }
0x25: {  	s14 =	sxor.u32 @!p0 $0x1, s1;
	p1 =	por p0, p0;
	[sflag:s26] =	ssyncadd.s32 $0xFFFFC000  }
0x26: {  	s16 =	sshll.u32 @!p0 s14, $0x8;
	s17 =	sadd.s32 @!p0 $0x3, s14;
	_ =	swait.ge [sflag:s26], $0x4000  }
0x27: {  	s20 =	sshll.u32 @!p0 s14, $0xF;
	s0 =	simm.s32 @!p1 $0x0;
	[sflag:s26] =	ssyncset.done $0x0  }
0x28: {  	s14 =	sadd.s32 @!p1 $0x1, s14;
	s16 =	sor.u32 @!p0 $0x5000, s16;
	[sflag:s26] =	ssyncadd.s32 $0xFFFFC000  }
0x29: {  	[tilespmem:s16], [sflag:s17] =	stream.linear.gather @!p1 [hbm4b:s11+s0], $0x100, $0x38;
	[tilespmem:$0x1F600] =	vst v63  }
0x2a: {  	s21 =	sor.u32 @!p0 $0x5200, s20;
	s0 =	simm.s32 @!p0 $0x100;
	s16 =	simm.s32 @!p1 $0x80  }
0x2b: {  	[tilespmem:s21], [sflag:s14] =	stream.indirect.gather @!p1 [hbm4b:s4+s16], $0x80, s0, s16, $0xb8;
	[tilespmem:$0x1F600] =	vst v63  }
0x2c: {  	s17 =	sadd.s32 @!p0 $0x9200, s20;
	s20 =	simm.s32 @!p0 $0x180;
	s0 =	sshll.u32 s1, $0x8  }
0x2d: {  	[tilespmem:s17], [sflag:s14] =	stream.indirect.gather @!p1 [hbm4b:s4+s16], $0x80, s20, s16, $0xb8;
	[tilespmem:$0x1F600] =	vst v63  }
0x2e: {  	v1 =	vld [tilespmem:s0+$0x5060]  }
0x2f: {  	v2 =	vld [tilespmem:s0+$0x5070]  }
0x30: {  	v3 =	vld [tilespmem:s0+$0x5020]  }
0x31: {  	v4 =	vld [tilespmem:s0+$0x5030]  }
0x32: {  	v6 =	vld [tilespmem:s0+$0x5080]  }
0x33: {  	v8 =	vld [tilespmem:s0+$0x5040]  }
0x34: {  	v7 =	vld [tilespmem:s0+$0x5050];
	v1 =	vsub.s32 v1, v0  }
0x35: {  	v5 =	vld [tilespmem:s0+$0x5000];
	v2 =	vsub.s32 v2, v0;
	v1 =	vmin.u32 v1, $0x1400  }
0x36: {  	v3 =	vsub.s32 v3, v0;
	[tilespmem:s0+$0x5060] =	vst v1;
	v1 =	vmin.u32 v2, $0x1400  }
0x37: {  	v3 =	vmin.u32 v3, $0x1400;
	v2 =	vsub.s32 v4, v0;
	[tilespmem:s0+$0x5070] =	vst v1;
	v1 =	vld [tilespmem:s0+$0x50C0]  }
0x38: {  	v60 =	vsub.s32 v8, v0;
	[tilespmem:s0+$0x5020] =	vst v3;
	v3 =	vld [tilespmem:s0+$0x50F0];
	v2 =	vmin.u32 v2, $0x1400  }
0x39: {  	v57 =	vld [tilespmem:s0+$0x5090];
	v58 =	vsub.s32 v7, v0;
	v7 =	vmin.u32 v60, $0x1400;
	[tilespmem:s0+$0x5030] =	vst v2;
	v2 =	vsub.s32 v6, v0  }
0x3a: {  	v59 =	vld [tilespmem:s0+$0x50B0];
	v56 =	vsub.s32 v5, v0;
	[tilespmem:s0+$0x5040] =	vst v7;
	v2 =	vmin.u32 v2, $0x1400  }
0x3b: {  	v4 =	vmin.u32 v56, $0x1400;
	[tilespmem:s0+$0x5080] =	vst v2;
	v2 =	vld [tilespmem:s0+$0x50A0]  }
0x3c: {  	v61 =	vld [tilespmem:s0+$0x5010];
	[tilespmem:s0+$0x5000] =	vst v4;
	v6 =	vmin.u32 v58, $0x1400;
	v1 =	vsub.s32 v1, v0  }
0x3d: {  	v63 =	vld [tilespmem:s0+$0x50E0];
	[tilespmem:s0+$0x5050] =	vst v6;
	v3 =	vsub.s32 v3, v0;
	v1 =	vmin.u32 v1, $0x1400  }
0x3e: {  	v62 =	vld [tilespmem:s0+$0x50D0];
	v5 =	vsub.s32 v57, v0;
	[tilespmem:s0+$0x50C0] =	vst v1;
	v1 =	vmin.u32 v3, $0x1400  }
0x3f: {  	v4 =	vsub.s32 v59, v0;
	v3 =	vmin.u32 v5, $0x1400;
	[tilespmem:s0+$0x50F0] =	vst v1  }
0x40: {  	[tilespmem:s0+$0x5090] =	vst v3;
	v1 =	vsub.s32 v2, v0;
	v2 =	vmin.u32 v4, $0x1400  }
0x41: {  	s5 =	simm.s32 $0x1;
	s24 =	sadd.s32 $0x20, s11;
	v3 =	vsub.s32 v61, v0;
	v1 =	vmin.u32 v1, $0x1400;
	[tilespmem:s0+$0x50B0] =	vst v2  }
0x42: {  	s22 =	simm.s32 $0x800;
	s28 =	smov.u32 s24;
	p0 =	por $0x0, $0x0;
	v2 =	vmin.u32 v3, $0x1400;
	v3 =	vsub.s32 v63, v0;
	[tilespmem:s0+$0x50A0] =	vst v1  }
0x43: {  	s29 =	simm.s32 @!p0 $0x200;
	s1 =	sshll.u32 s1, $0xF;
	s21 =	sand.u32 $0x1, s5;
	v1 =	vsub.s32 v62, v0;
	[tilespmem:s0+$0x5010] =	vst v2;
	v2 =	vmin.u32 v3, $0x1400  }
0x44: {  	s23 =	sxor.u32 @!p0 $0x1, s21;
	s7 =	sor.u32 $0x5200, s1;
	s26 =	sor.u32 $0x5000, s0;
	v1 =	vmin.u32 v1, $0x1400;
	[tilespmem:s0+$0x50E0] =	vst v2  }
0x45: {  	s1 =	sadd.s32 $0x9200, s1;
	s14 =	sadd.s32 $0x3, s21;
	s16 =	sshll.u32 @!p0 s23, $0x8;
	[tilespmem:s0+$0x50D0] =	vst v1  }
0x46: {  	[spmem:s2] =	stream.indirect.scatter.add.f32 [tilespmem:s7], [sflag:$0x5], $0x80, s26, s15, $0xb8;
	[tilespmem:$0x1F600] =	vst v63  }
0x47: {  	s25 =	sadd.s32 @!p0 $0x3, s23;
	s17 =	sshll.u32 @!p0 s23, $0xF;
	_ =	swait.ge [sflag:s13], $0x4000  }
0x48: {  	s20 =	sshll.u32 s21, $0xF;
	s31 =	sor.u32 @!p0 $0x5000, s16;
	[sflag:s13] =	ssyncset.done $0x0  }
0x49: {  	s30 =	sadd.s32 @!p0 $0x9200, s17;
	s0 =	sor.u32 $0x5080, s0;
	[sflag:s13] =	ssyncadd.s32 $0xFFFFC000  }
0x4a: {  	[spmem:s2] =	stream.indirect.scatter.add.f32 [tilespmem:s1], [sflag:$0x5], $0x80, s0, s15, $0xb8;
	[tilespmem:$0x1F600] =	vst v63  }
0x4b: {  	s26 =	sor.u32 @!p0 $0x5200, s17;
	s1 =	simm.s32 @!p0 $0x280;
	_ =	swait.ge [sflag:s13], $0x4000  }
0x4c: {  	p0 =	por p0, p0;
	s0 =	simm.s32 $0x2;
	[sflag:s13] =	ssyncset.done $0x0  }
.LBB2_2:
0x4d: {  	s24 =	sadd.s32 $0x20, s24  }
0x4e: {  	[sflag:s13] =	ssyncadd.s32 $0xFFFFC000;
	s17 =	smov.u32 s22;
	s22 =	sadd.s32 $0x400, s22  }
0x4f: {  	p1 =	sne.s32 s22, $0x14000;
	_ =	swait.ge [sflag:s14], $0x100  }
0x50: {  	[sflag:s14] =	ssyncset.done $0x0  }
0x51: {  	[sflag:s14] =	ssyncadd.s32 $0xFFFFFF00;
	s14 =	sadd.s32 $0x1, s21  }
0x52: {  	_ =	swait.ge [sflag:s14], $0x4000  }
0x53: {  	[sflag:s14] =	ssyncset.done $0x0  }
0x54: {  	[sflag:s14] =	ssyncadd.s32 $0xFFFFC000  }
0x55: {  	_ =	swait.ge [sflag:s14], $0x4000  }
0x56: {  	[sflag:s14] =	ssyncset.done $0x0  }
0x57: {  	[sflag:s14] =	ssyncadd.s32 $0xFFFFC000;
	s14 =	simm.s32 @!p0 $0x0  }
0x58: {  	[tilespmem:s31], [sflag:s25] =	stream.linear.gather @!p0 [hbm4b:s28+s14], $0x100, $0x38;
	[tilespmem:$0x1F600] =	vst v63  }
0x59: {  	s14 =	sadd.s32 @!p0 $0x1, s23;
	s23 =	simm.s32 @!p0 $0x80;
	s28 =	smov.u32 s24  }
0x5a: {  	[tilespmem:s26], [sflag:s14] =	stream.indirect.gather @!p0 [hbm4b:s4+s23], $0x80, s29, s23, $0xb8;
	[tilespmem:$0x1F600] =	vst v63  }
0x5b: {  	s16 =	sshll.u32 s21, $0x8;
	p2 =	seq.s32 s17, $0x13C00;
	s21 =	sand.u32 $0x1, s0  }
0x5c: {  	[tilespmem:s30], [sflag:s14] =	stream.indirect.gather @!p0 [hbm4b:s4+s23], $0x80, s1, s23, $0xb8;
	[tilespmem:$0x1F600] =	vst v63  }
0x5d: {  	s14 =	sadd.s32 $0x3, s21;
	s23 =	sxor.u32 @!p2 $0x1, s21;
	s1 =	sshra.s32 @!p2 s17, $0x2;
	v1 =	vld [tilespmem:s16+$0x5070]  }
0x5e: {  	s17 =	sshll.u32 @!p2 s23, $0x8;
	s25 =	sadd.s32 @!p2 $0x3, s23;
	s30 =	sshll.u32 @!p2 s23, $0xF;
	v2 =	vld [tilespmem:s16+$0x5060]  }
0x5f: {  	s29 =	sadd.s32 @!p2 $0x100, s1;
	s31 =	sor.u32 @!p2 $0x5000, s17;
	s26 =	sor.u32 @!p2 $0x5200, s30;
	v3 =	vld [tilespmem:s16+$0x5030]  }
0x60: {  	s1 =	sadd.s32 @!p2 $0x180, s1;
	s17 =	sshll.u32 s21, $0xF;
	s30 =	sadd.s32 @!p2 $0x9200, s30;
	v4 =	vld [tilespmem:s16+$0x5020]  }
0x61: {  	p0 =	por p2, p2;
	v5 =	vld [tilespmem:s16+$0x5050]  }
0x62: {  	v6 =	vld [tilespmem:s16+$0x5000]  }
0x63: {  	v2 =	vsub.s32 v2, v0;
	v7 =	vld [tilespmem:s16+$0x5080]  }
0x64: {  	v1 =	vsub.s32 v1, v0;
	v3 =	vsub.s32 v3, v0;
	v2 =	vmin.u32 v2, $0x1400;
	v8 =	vld [tilespmem:s16+$0x50E0]  }
0x65: {  	v1 =	vmin.u32 v1, $0x1400;
	v4 =	vsub.s32 v4, v0;
	v3 =	vmin.u32 v3, $0x1400;
	v9 =	vld [tilespmem:s16+$0x5040];
	[tilespmem:s16+$0x5060] =	vst v2  }
0x66: {  	v2 =	vmin.u32 v4, $0x1400;
	v4 =	vsub.s32 v5, v0;
	[tilespmem:s16+$0x5070] =	vst v1;
	v1 =	vld [tilespmem:s16+$0x50C0]  }
0x67: {  	v5 =	vsub.s32 v6, v0;
	[tilespmem:s16+$0x5020] =	vst v2;
	v2 =	vmin.u32 v4, $0x1400;
	v4 =	vld [tilespmem:s16+$0x50F0]  }
0x68: {  	v5 =	vmin.u32 v5, $0x1400;
	[tilespmem:s16+$0x5030] =	vst v3;
	v3 =	vsub.s32 v7, v0;
	v6 =	vld [tilespmem:s16+$0x5090]  }
0x69: {  	[tilespmem:s16+$0x5000] =	vst v5;
	v3 =	vmin.u32 v3, $0x1400;
	v5 =	vld [tilespmem:s16+$0x50B0];
	v7 =	vsub.s32 v8, v0  }
0x6a: {  	v8 =	vsub.s32 v9, v0;
	[tilespmem:s16+$0x5080] =	vst v3;
	v3 =	vld [tilespmem:s16+$0x50A0];
	v7 =	vmin.u32 v7, $0x1400  }
0x6b: {  	v9 =	vld [tilespmem:s16+$0x5010];
	v8 =	vmin.u32 v8, $0x1400;
	[tilespmem:s16+$0x5050] =	vst v2;
	v1 =	vsub.s32 v1, v0  }
0x6c: {  	[tilespmem:s16+$0x5040] =	vst v8;
	v1 =	vmin.u32 v1, $0x1400;
	v2 =	vld [tilespmem:s16+$0x50D0];
	v4 =	vsub.s32 v4, v0  }
0x6d: {  	v6 =	vsub.s32 v6, v0;
	[tilespmem:s16+$0x50C0] =	vst v1;
	v1 =	vmin.u32 v4, $0x1400  }
0x6e: {  	v4 =	vmin.u32 v6, $0x1400;
	v5 =	vsub.s32 v5, v0;
	[tilespmem:s16+$0x50F0] =	vst v1  }
0x6f: {  	[tilespmem:s16+$0x5090] =	vst v4;
	v1 =	vsub.s32 v3, v0;
	v3 =	vmin.u32 v5, $0x1400  }
0x70: {  	v4 =	vsub.s32 v9, v0;
	v1 =	vmin.u32 v1, $0x1400;
	[tilespmem:s16+$0x50B0] =	vst v3  }
0x71: {  	v3 =	vmin.u32 v4, $0x1400;
	[tilespmem:s16+$0x50A0] =	vst v1;
	v1 =	vsub.s32 v2, v0  }
0x72: {  	[tilespmem:s16+$0x5010] =	vst v3;
	v1 =	vmin.u32 v1, $0x1400  }
0x73: {  	[tilespmem:s16+$0x50D0] =	vst v1  }
0x74: {  	s5 =	sor.u32 $0x5200, s20;
	s7 =	sor.u32 $0x5000, s16;
	[tilespmem:s16+$0x50E0] =	vst v7  }
0x75: {  	[spmem:s2] =	stream.indirect.scatter.add.f32 [tilespmem:s5], [sflag:$0x5], $0x80, s7, s15, $0xb8;
	[tilespmem:$0x1F600] =	vst v63  }
0x76: {  	_ =	swait.ge [sflag:s13], $0x4000  }
.Ltmp0:
0x77: {  	[sflag:s13] =	ssyncset.done $0x0;
	(pc) =	sbr.rel @p1 .LBB2_2-.Ltmp0, $4  }
0x78: {  	s5 =	sadd.s32 $0x9200, s20;
	s7 =	sor.u32 $0x5080, s16;
	[sflag:s13] =	ssyncadd.s32 $0xFFFFC000  }
0x79: {  	[spmem:s2] =	stream.indirect.scatter.add.f32 [tilespmem:s5], [sflag:$0x5], $0x80, s7, s15, $0xb8;
	[tilespmem:$0x1F600] =	vst v63  }
0x7a: {  	s20 =	smov.u32 s17;
	_ =	swait.ge [sflag:s13], $0x4000  }
0x7b: {  	s0 =	sadd.s32 $0x1, s0;
	[sflag:s13] =	ssyncset.done $0x0  }
0x7c: {  	[sflag:s13] =	ssyncadd.s32 $0xFFFFC000  }
0x7d: {  	_ =	swait.ge [sflag:s14], $0x100  }
0x7e: {  	[sflag:s14] =	ssyncset.done $0x0  }
0x7f: {  	s0 =	sadd.s32 $0x1, s21;
	[sflag:s14] =	ssyncadd.s32 $0xFFFFFF00  }
0x80: {  	_ =	swait.ge [sflag:s0], $0x4000  }
0x81: {  	[sflag:s0] =	ssyncset.done $0x0  }
0x82: {  	[sflag:s0] =	ssyncadd.s32 $0xFFFFC000  }
0x83: {  	_ =	swait.ge [sflag:s0], $0x4000  }
0x84: {  	[sflag:s0] =	ssyncset.done $0x0  }
0x85: {  	[sflag:s0] =	ssyncadd.s32 $0xFFFFC000;
	s0 =	simm.s32 @!p0 $0x0  }
0x86: {  	[tilespmem:s31], [sflag:s25] =	stream.linear.gather @!p0 [hbm4b:s28+s0], $0x100, $0x38;
	[tilespmem:$0x1F600] =	vst v63  }
0x87: {  	s5 =	sadd.s32 @!p0 $0x1, s23;
	s7 =	simm.s32 @!p0 $0x80  }
0x88: {  	[tilespmem:s26], [sflag:s5] =	stream.indirect.gather @!p0 [hbm4b:s4+s7], $0x80, s29, s7, $0xb8;
	[tilespmem:$0x1F600] =	vst v63  }
0x89: {  	s28 =	sshll.u32 s21, $0x8  }
0x8a: {  	[tilespmem:s30], [sflag:s5] =	stream.indirect.gather @!p0 [hbm4b:s4+s7], $0x80, s1, s7, $0xb8;
	[tilespmem:$0x1F600] =	vst v63  }
0x8b: {  	v1 =	vld [tilespmem:s28+$0x5060]  }
0x8c: {  	v2 =	vld [tilespmem:s28+$0x5070]  }
0x8d: {  	v3 =	vld [tilespmem:s28+$0x5020]  }
0x8e: {  	v4 =	vld [tilespmem:s28+$0x5030]  }
0x8f: {  	v6 =	vld [tilespmem:s28+$0x5080]  }
0x90: {  	v8 =	vld [tilespmem:s28+$0x5040]  }
0x91: {  	v7 =	vld [tilespmem:s28+$0x5050];
	v1 =	vsub.s32 v1, v0  }
0x92: {  	v5 =	vld [tilespmem:s28+$0x5000];
	v2 =	vsub.s32 v2, v0;
	v1 =	vmin.u32 v1, $0x1400  }
0x93: {  	v3 =	vsub.s32 v3, v0;
	[tilespmem:s28+$0x5060] =	vst v1;
	v1 =	vmin.u32 v2, $0x1400  }
0x94: {  	v3 =	vmin.u32 v3, $0x1400;
	v2 =	vsub.s32 v4, v0;
	[tilespmem:s28+$0x5070] =	vst v1;
	v1 =	vld [tilespmem:s28+$0x50C0]  }
0x95: {  	v60 =	vsub.s32 v8, v0;
	[tilespmem:s28+$0x5020] =	vst v3;
	v3 =	vld [tilespmem:s28+$0x50F0];
	v2 =	vmin.u32 v2, $0x1400  }
0x96: {  	v57 =	vld [tilespmem:s28+$0x5090];
	v58 =	vsub.s32 v7, v0;
	v7 =	vmin.u32 v60, $0x1400;
	[tilespmem:s28+$0x5030] =	vst v2;
	v2 =	vsub.s32 v6, v0  }
0x97: {  	v59 =	vld [tilespmem:s28+$0x50B0];
	v56 =	vsub.s32 v5, v0;
	[tilespmem:s28+$0x5040] =	vst v7;
	v2 =	vmin.u32 v2, $0x1400  }
0x98: {  	v4 =	vmin.u32 v56, $0x1400;
	[tilespmem:s28+$0x5080] =	vst v2;
	v2 =	vld [tilespmem:s28+$0x50A0]  }
0x99: {  	v61 =	vld [tilespmem:s28+$0x5010];
	[tilespmem:s28+$0x5000] =	vst v4;
	v6 =	vmin.u32 v58, $0x1400;
	v1 =	vsub.s32 v1, v0  }
0x9a: {  	v63 =	vld [tilespmem:s28+$0x50E0];
	[tilespmem:s28+$0x5050] =	vst v6;
	v3 =	vsub.s32 v3, v0;
	v1 =	vmin.u32 v1, $0x1400  }
0x9b: {  	v62 =	vld [tilespmem:s28+$0x50D0];
	v5 =	vsub.s32 v57, v0;
	[tilespmem:s28+$0x50C0] =	vst v1;
	v1 =	vmin.u32 v3, $0x1400  }
0x9c: {  	v4 =	vsub.s32 v59, v0;
	v3 =	vmin.u32 v5, $0x1400;
	[tilespmem:s28+$0x50F0] =	vst v1  }
0x9d: {  	[tilespmem:s28+$0x5090] =	vst v3;
	v1 =	vsub.s32 v2, v0;
	v2 =	vmin.u32 v4, $0x1400  }
0x9e: {  	v3 =	vsub.s32 v61, v0;
	v1 =	vmin.u32 v1, $0x1400;
	[tilespmem:s28+$0x50B0] =	vst v2  }
0x9f: {  	v2 =	vmin.u32 v3, $0x1400;
	v3 =	vsub.s32 v63, v0;
	[tilespmem:s28+$0x50A0] =	vst v1  }
0xa0: {  	v1 =	vsub.s32 v62, v0;
	[tilespmem:s28+$0x5010] =	vst v2;
	v2 =	vmin.u32 v3, $0x1400  }
0xa1: {  	v1 =	vmin.u32 v1, $0x1400;
	[tilespmem:s28+$0x50E0] =	vst v2  }
0xa2: {  	s29 =	sor.u32 $0x5200, s20;
	s30 =	sor.u32 $0x5000, s28;
	[tilespmem:s28+$0x50D0] =	vst v1  }
0xa3: {  	[spmem:s2] =	stream.indirect.scatter.add.f32 [tilespmem:s29], [sflag:$0x5], $0x80, s30, s15, $0xb8;
	[tilespmem:$0x1F600] =	vst v63  }
0xa4: {  	_ =	swait.ge [sflag:s13], $0x4000  }
0xa5: {  	[sflag:s13] =	ssyncset.done $0x0  }
0xa6: {  	s31 =	sadd.s32 $0x9200, s20;
	s0 =	sor.u32 $0x5080, s28;
	[sflag:s13] =	ssyncadd.s32 $0xFFFFC000  }
0xa7: {  	[spmem:s2] =	stream.indirect.scatter.add.f32 [tilespmem:s31], [sflag:$0x5], $0x80, s0, s15, $0xb8;
	[tilespmem:$0x1F600] =	vst v63  }
0xa8: {  	_ =	swait.ge [sflag:s13], $0x4000  }
0xa9: {  	s19 =	sadd.s32 $0x1, s19;
	[sflag:s13] =	ssyncset.done $0x0  }
0xaa: {  	p0 =	sne.s32 s19, s10;
	[sflag:s13] =	ssyncadd.s32 $0xFFFFC000  }
.Ltmp1:
0xab: {  	[bflag:$0x0] =	sbarrier.arrive $0xFFFF;
	(pc) =	sbr.rel @p0 .LBB2_1-.Ltmp1, $4  }
0xac: {  	[hbm:s9], [sflag:s6] =	dma.local [spmem:s18], $0x1400  }
0xad: {  	_ =	swait.ge [sflag:s13], $0x1400  }
0xae: {  	[sflag:s13] =	ssyncset.done $0x0  }
0xaf: {  	[sflag:s13] =	ssyncadd.s32 $0xFFFFEC00  }
0xb0: {  	_ =	sfence.sel $0x180000  }
0xb1: {  	[bflag:$0x0] =	sbarrier.arrive $0xFFFF  }
0xb2: {  	_ =	strace $0x9000004D  }
0xb3: {  	s0 =	stileid.u32;
	[bflag:$0x2] =	sbarrier.arrive $0xFFFF  }
0xb4: {  	p0 =	sne.s32 s0, $0x0;
	s0 =	rddreg [dreg:$0x2]  }
0xb5: {  	s0 =	sadd.s32 @!p0 $0x100000, s0  }
0xb6: {  	[sflag:s0] =	ssyncadd.tile.s32 @!p0 $0x1;
	_ =	shalt  }
.Lfunc_end2:
_tile_overlayer_lowered:
.L_overlay_start_2:
0xb7: {  	(tag) =	ssettag $0x2  }
0xb8: {  	s0 =	rddreg [dreg:$0x0];
	s2 =	stileid.u32  }
0xb9: {  	s1 =	rddreg [dreg:$0x1];
	p0 =	sne.s32 s2, $0x0  }
0xba: {  	s3 =	rddreg [dreg:$0x2];
	[bflag:$0x3] =	sbarrier.arrive $0xFFFF;
	s2 =	simm.s32 @!p0 $0x1C05  }
0xbb: {  	[timem:s3], [sflag:s2] =	dma.local @!p0 [hbm:s0], s1  }
0xbc: {  	s0 =	simm.s32 @!p0 $0x5  }
0xbd: {  	_ =	swait.ge @!p0 [sflag:s0], s1  }
0xbe: {  	s1 =	ssub.s32 @!p0 $0x0, s1;
	[sflag:s0] =	ssyncset.done @!p0 $0x0  }
0xbf: {  	[sflag:s0] =	ssyncadd.s32 @!p0 s1  }
0xc0: {  	[bflag:$0x3] =	sbarrier.arrive $0xFFFF  }
0xc1: {  	_ =	shalt  }

// kernel: kernel.8.cloned.1.call-start
scs
__scs_entry_jumppad:
0x0: {  	(pc) =	sbr.rel $0x88, $3  }
0x1: {  	(tag) =	ssettag $0x0;
	lr =	simm.s32 $0x1  }
0x2: {  	[smem:$0x3F96] =	sst lr;
	_ =	strace $0xD0000000  }
0x3: {  	_ = 	snop  }
0x4: {  	_ = 	snop  }
0x5: {  	_ = 	snop  }
0x6: {  	_ = 	snop  }
0x7: {  	_ = 	snop  }
__scs_overlays_trampoline_lowered:
0x8: {  	[smem:$0x3FA5] =	sst s0  }
0x9: {  	[smem:$0x3FA6] =	sst s1  }
0xa: {  	[smem:$0x3FA7] =	sst s2  }
0xb: {  	[smem:$0x3FA8] =	sst s3  }
0xc: {  	[smem:$0x3FA9] =	sst s4  }
0xd: {  	[smem:$0x3FAA] =	sst s5  }
0xe: {  	[smem:$0x3FAB] =	sst s6  }
0xf: {  	[smem:$0x3FAC] =	sst s7  }
0x10: {  	[smem:$0x3FAD] =	sst s8  }
0x11: {  	[smem:$0x3FAE] =	sst s9;
	s0 =	simm.s32 @!p0 $0x0  }
0x12: {  	s1 =	sld [smem:$0x3F94];
	s0 =	simm.s32 @p0 $0x1  }
0x13: {  	[smem:$0x3FAF] =	sst s0;
	s0 =	simm.s32 @!p1 $0x0  }
0x14: {  	s2 =	sld [smem:$0x3F93];
	s0 =	simm.s32 @p1 $0x1  }
0x15: {  	[smem:$0x3FB0] =	sst s0;
	s0 =	simm.s32 @!p2 $0x0  }
0x16: {  	s3 =	sld [smem:$0x3FDB];
	s0 =	simm.s32 @p2 $0x1  }
0x17: {  	s4 =	simm.s32 $0x1BF5;
	[smem:$0x3FB2] =	sst s0  }
0x18: {  	s0 =	sld [smem:$0x3F95];
	_ =	swait.ge [sflag:s4], $0x0  }
0x19: {  	s7 =	sld [smem:$0x3F96]  }
0x1a: {  	s8 =	sadd.s32 $0xFFFFE003, lr  }
0x1b: {  	s9 =	sadd.s32 $0xFFFFFEF7, lr;
	s5 =	simm.s32 $0xFFFFFFFF;
	p2 =	slt.u32 s8, $0xFFFFF086  }
0x1c: {  	p1 =	slt.u32 s9, $0xF7A;
	s5 =	simm.s32 @!p2 $0x0  }
0x1d: {  	s5 =	simm.s32 @p1 $0x1;
	p0 =	seq.s32 s7, s2  }
0x1e: {  	s7 =	smul.u32 @!p0 $0xF7A, s2;
	p2 =	seq.s32 @!p0 s5, $0x0  }
0x1f: {  	s9 =	smul.u32 $0xF7A, s1;
	s8 =	simm.s32 @!p0 $0x1BF5;
	p2 =	por !p2, p0  }
0x20: {  	[sflag:s8] =	ssyncset.s32 @!p0 $0xFFFFF086;
	s6 =	sadd.s32 @!p0 s3, s7;
	s7 =	simm.s32 @!p0 $0x108  }
0x21: {  	s3 =	sadd.s32 s3, s9;
	s6 =	sadd.s32 @!p0 $0x88, s6;
	s7 =	simm.s32 @p2 $0x1082  }
0x22: {  	[simem:s7], [sflag:s8] =	dma.local @!p0 [hbm:s6], $0xF7A  }
0x23: {  	s9 =	sor.u32 $0xD0000000, s2;
	s6 =	simm.s32 $0x108;
	_ =	swait.ge @!p0 [sflag:s8], $0x0  }
0x24: {  	s3 =	sadd.s32 $0x88, s3;
	s6 =	simm.s32 @!p1 $0x1082;
	[sflag:s4] =	ssyncset.s32 $0xFFFFF086  }
0x25: {  	[simem:s6], [sflag:s4] =	dma.local [hbm:s3], $0xF7A  }
0x26: {  	[smem:$0x3F96] =	sst s1;
	(tag) =	ssettag s2;
	_ =	strace s9  }
0x27: {  	s1 =	sld [smem:$0x3FA6]  }
0x28: {  	s2 =	sld [smem:$0x3FA7]  }
0x29: {  	s4 =	sld [smem:$0x3FA9]  }
0x2a: {  	p0 =	seq.s32 s5, $0x0;
	s5 =	sld [smem:$0x3FAA]  }
0x2b: {  	s6 =	sld [smem:$0x3FAB]  }
0x2c: {  	s7 =	sld [smem:$0x3FAC]  }
0x2d: {  	s3 =	simm.s32 $0x108;
	s8 =	sld [smem:$0x3FAD]  }
0x2e: {  	s3 =	simm.s32 @!p0 $0x1082;
	s9 =	sld [smem:$0x3FAE]  }
0x2f: {  	lr =	sadd.s32 s0, s3;
	s0 =	sld [smem:$0x3FA5]  }
0x30: {  	s3 =	sld [smem:$0x3FA8]  }
0x31: {  	[smem:$0x3FB1] =	sst s10  }
0x32: {  	s10 =	sld [smem:$0x3FAF];
	_ =	sdelay $0x3  }
0x33: {  	p0 =	seq.s32 s10, $0x1;
	s10 =	sld [smem:$0x3FB1];
	_ =	sdelay $0x3  }
0x34: {  	[smem:$0x3FB1] =	sst s10  }
0x35: {  	s10 =	sld [smem:$0x3FB0];
	_ =	sdelay $0x3  }
0x36: {  	p1 =	seq.s32 s10, $0x1;
	s10 =	sld [smem:$0x3FB1];
	_ =	sdelay $0x3  }
0x37: {  	[smem:$0x3FB1] =	sst s10  }
0x38: {  	s10 =	sld [smem:$0x3FB2]  }
0x39: {  	_ = 	snop;
	(pc) =	sbr.ind lr, $3  }
0x3a: {  	_ = 	snop  }
0x3b: {  	_ = 	snop  }
0x3c: {  	p2 =	seq.s32 s10, $0x1;
	s10 =	sld [smem:$0x3FB1]  }
0x3d: {  	_ =	shalt  }
0x3e: {  	_ =	shalt  }
0x3f: {  	_ =	shalt  }
0x40: {  	_ =	shalt  }
0x41: {  	_ =	shalt  }
0x42: {  	_ =	shalt  }
0x43: {  	_ =	shalt  }
0x44: {  	_ =	shalt  }
0x45: {  	_ =	shalt  }
0x46: {  	_ =	shalt  }
0x47: {  	_ =	shalt  }
0x48: {  	_ =	shalt  }
0x49: {  	_ =	shalt  }
0x4a: {  	_ =	shalt  }
0x4b: {  	_ =	shalt  }
0x4c: {  	_ =	shalt  }
0x4d: {  	_ =	shalt  }
0x4e: {  	_ =	shalt  }
0x4f: {  	_ =	shalt  }
0x50: {  	_ =	shalt  }
0x51: {  	_ =	shalt  }
0x52: {  	_ =	shalt  }
0x53: {  	_ =	shalt  }
0x54: {  	_ =	shalt  }
0x55: {  	_ =	shalt  }
0x56: {  	_ =	shalt  }
0x57: {  	_ =	shalt  }
0x58: {  	_ =	shalt  }
0x59: {  	_ =	shalt  }
0x5a: {  	_ =	shalt  }
0x5b: {  	_ =	shalt  }
0x5c: {  	_ =	shalt  }
0x5d: {  	_ =	shalt  }
0x5e: {  	_ =	shalt  }
0x5f: {  	_ =	shalt  }
0x60: {  	_ =	shalt  }
0x61: {  	_ =	shalt  }
0x62: {  	_ =	shalt  }
0x63: {  	_ =	shalt  }
0x64: {  	_ =	shalt  }
0x65: {  	_ =	shalt  }
0x66: {  	_ =	shalt  }
0x67: {  	_ =	shalt  }
0x68: {  	_ =	shalt  }
0x69: {  	_ =	shalt  }
0x6a: {  	_ =	shalt  }
0x6b: {  	_ =	shalt  }
0x6c: {  	_ =	shalt  }
0x6d: {  	_ =	shalt  }
0x6e: {  	_ =	shalt  }
0x6f: {  	_ =	shalt  }
0x70: {  	_ =	shalt  }
0x71: {  	_ =	shalt  }
0x72: {  	_ =	shalt  }
0x73: {  	_ =	shalt  }
0x74: {  	_ =	shalt  }
0x75: {  	_ =	shalt  }
0x76: {  	_ =	shalt  }
0x77: {  	_ =	shalt  }
0x78: {  	_ =	shalt  }
0x79: {  	_ =	shalt  }
0x7a: {  	_ =	shalt  }
0x7b: {  	_ =	shalt  }
0x7c: {  	_ =	shalt  }
0x7d: {  	_ =	shalt  }
0x7e: {  	_ =	shalt  }
0x7f: {  	_ =	shalt  }
0x80: {  	_ =	shalt  }
0x81: {  	_ =	shalt  }
0x82: {  	_ =	shalt  }
0x83: {  	_ =	shalt  }
0x84: {  	_ =	shalt  }
0x85: {  	_ =	shalt  }
0x86: {  	_ =	shalt  }
0x87: {  	_ =	shalt  }
.Lfunc_end0:
.L_simem_size_0:
called_computation_lowered:
.L_overlay_start_0:
0x88: {  	s2 =	sld [smem:$0x3FD9]  }
0x89: {  	s3 =	sld [smem:$0x3FFE];
	_ =	sdelay $0x1  }
0x8a: {  	s1 =	srdreg.scid  }
0x8b: {  	s0 =	sand.u32 $0x1, s1  }
0x8c: {  	s17 =	sshll.u32 s0, $0xA;
	s2 =	sadd.s32 s3, s2  }
0x8d: {  	s2 =	sadd.s32 s2, s17  }
0x8e: {  	[smem:$0x3FBD] =	sst s2  }
0x8f: {  	_ = 	snop  }
0x90: {  	s2 =	sld [smem:$0x3FD0];
	(tm) =	ssettm $0x1  }
0x91: {  	s18 =	sld [smem:$0x3FFB];
	_ =	sdelay $0x3  }
0x92: {  	_ =	strace s18  }
0x93: {  	s3 =	sld [smem:$0x3FFC];
	_ =	sdelay $0x3  }
0x94: {  	_ =	strace s3  }
0x95: {  	s3 =	sld [smem:$0x3FFD];
	_ =	sdelay $0x3  }
0x96: {  	_ =	strace s3  }
0x97: {  	_ =	strace $0x8FFFFFFF  }
0x98: {  	s19 =	sld [smem:$0x3FDB];
	_ =	sdelay $0x1  }
0x99: {  	s4 =	simm.s32 $_scs_section_size  }
0x9a: {  	s5 =	simm.s32 $_size__tile_overlayer_lowered;
	s6 =	simm.s32 $_tile_overlayer_lowered  }
0x9b: {  	s22 =	simm.s32 $0x1BFF;
	s21 =	sshll.u32 s6, $0x1;
	s3 =	sadd.s32 s4, s19  }
0x9c: {  	s7 =	simm.s32 $0x0;
	s20 =	sshll.u32 s5, $0x1;
	s5 =	sadd.s32 s21, s3  }
0x9d: {  	[timem:s7], [sflag:s22] =	dma.local [hbm:s5], s20  }
0x9e: {  	_ =	swait.ge [sflag:s22], s20  }
0x9f: {  	s4 =	ssub.s32 $0x0, s20;
	[sflag:s22] =	ssyncset.done $0x0  }
0xa0: {  	[sflag:s22] =	ssyncadd.s32 s4;
	_ =	sdelay $0x1  }
0xa1: {  	s23 =	simm.s32 $0x1B8B  }
0xa2: {  	_ =	swait.ge [sflag:s23], $0x1  }
0xa3: {  	[sflag:s23] =	ssyncset.done $0x0  }
0xa4: {  	s25 =	simm.s32 $0x1B8E;
	s24 =	sld [smem:$0x3FFE];
	[sflag:s23] =	ssyncadd.s32 $0xFFFFFFFF  }
0xa5: {  	s26 =	simm.s32 $execute0_lowered;
	[smem:$0x3FD2] =	sst s25  }
0xa6: {  	s5 =	sshll.u32 s26, $0x1;
	_ =	strace $0x80000046;
	[dreg:$0x1] =	wrdreg $0xFFFFFFFF  }
0xa7: {  	s28 =	simm.s32 $_size_execute0_lowered;
	s3 =	sadd.s32 s3, s5;
	[dreg:$0x0] =	wrdreg $0x0  }
0xa8: {  	s5 =	sshll.u32 s28, $0x1;
	[dreg:$0x2] =	wrdreg s3  }
0xa9: {  	[dreg:$0x3] =	wrdreg s5  }
0xaa: {  	[dreg:$0x4] =	wrdreg $0xC0  }
0xab: {  	_ =	task [dreg:s7], $0x5FFFF  }
0xac: {  	[dreg:$0x1] =	wrdreg $0xFFFFFFFF  }
0xad: {  	[dreg:$0x0] =	wrdreg $0x60  }
0xae: {  	[dreg:$0x2] =	wrdreg s24  }
0xaf: {  	[dreg:$0x3] =	wrdreg s2  }
0xb0: {  	[dreg:$0x4] =	wrdreg $0x90000  }
0xb1: {  	[dreg:$0x5] =	wrdreg $0x9  }
0xb2: {  	_ =	task.clear_ibuf [dreg:s7], $0x6FFFF;
	_ =	strace $0x90000046  }
0xb3: {  	s29 =	simm.s32 $0x9;
	_ =	strace $0x80000048  }
0xb4: {  	_ =	swait.ge [sflag:s29], $0x1  }
0xb5: {  	[sflag:s29] =	ssyncadd.s32 $0xFFFFFFFF  }
0xb6: {  	_ =	strace $0x90000048  }
0xb7: {  	_ =	sfence  }
0xb8: {  	s30 =	sld [smem:$0x0];
	_ =	sdelay $0x2  }
0xb9: {  	s31 =	sshll.u32 s1, $0xD;
	s1 =	sshrl.u32 s1, $0x2  }
0xba: {  	s3 =	sand.u32 $0x4000, s31;
	s1 =	sadd.s32 s1, s30  }
0xbb: {  	s0 =	sor.u32 s3, s0;
	s1 =	sshll.u32 s1, $0x11  }
0xbc: {  	s0 =	sor.u32 s1, s0  }
0xbd: {  	s0 =	sadd.s32 $0x8F2B, s0  }
0xbe: {  	[sflag:s0] =	ssyncadd.remote.s32 $0x1  }
0xbf: {  	_ =	sfence.sel $0xFFFF  }
0xc0: {  	[dreg:$0x0] =	wrdreg $0xFFFFFFFF;
	(pc) =	sbr.abs _section_cstart, $3  }
0xc1: {  	[dreg:$0x1] =	wrdreg $0xFFFFFFFF  }
0xc2: {  	_ =	task.clear_ibuf [dreg:s7], $0x2FFFF;
	_ =	strace $0x9FFFFFFF  }
0xc3: {  	(tm) =	ssettm $0x7FFFFFFF  }
tec
execute0_lowered:
.L_overlay_start_1:
0x0: {  	(tag) =	ssettag $0x1  }
0x1: {  	s6 =	rddreg [dreg:$0x0]  }
0x2: {  	s2 =	rddreg [dreg:$0x1]  }
0x3: {  	s0 =	stileid.u32;
	s1 =	srdreg.scid  }
0x4: {  	s3 =	rddreg [dreg:$0x2];
	s5 =	smul.u32 $0xA00, s0  }
0x5: {  	s4 =	simm.s32 $0x0;
	s16 =	simm.s32 $0x0;
	s8 =	smul.u32 $0x140, s0  }
0x6: {  	s7 =	sand.u32 $0x1, s1;
	s1 =	rddreg [dreg:$0x3];
	s10 =	smul.u32 $0x29000, s0  }
0x7: {  	[smem:$0x7FF] =	sst s4;
	s12 =	smul.u32 $0x28000, s0;
	s31 =	sshll.u32 s0, $0x6  }
0x8: {  	s14 =	smul.u32 $0x1400, s7;
	_ =	strace $0x80000047;
	s7 =	ssub.s32 $0x2, s7  }
0x9: {  	s9 =	sadd.s32 s5, s6;
	s5 =	sadd.s32 $0xD200, s6;
	s11 =	sshrl.u32 s7, $0x1  }
0xa: {  	s29 =	sshrl.u32 s10, $0x2;
	s30 =	sshrl.u32 s12, $0x2;
	s10 =	simm.s32 $0x2  }
0xb: {  	s8 =	sadd.s32 s8, s14;
	s11 =	ssub.s32 s7, s11;
	s13 =	sadd.s32 s29, s3  }
0xc: {  	s15 =	sadd.s32 s30, s3;
	v0 =	vmov s14;
	s14 =	simm.s32 $0x1;
	s8 =	sshll.u32 s8, $0x4  }
0xd: {  	s12 =	sshrl.u32 s13, $0x3;
	s13 =	simm.s32 $0x80;
	s15 =	sshrl.u32 s15, $0x3  }
0xe: {  	s8 =	sadd.s32 s8, s6;
	s6 =	sadd.s32 $0x3200, s9;
	s9 =	simm.s32 $0x5000  }
0xf: {  	s7 =	sadd.s32 $0xE800, s8;
	s8 =	smax.u32 s11, $0x1;
	s11 =	sor.u32 $0x1C02, s31  }
.LBB2_1:
0x10: {  	[tilespmem:s9], [sflag:$0x2] =	stream.linear.gather [hbm4b:s2+s4], $0x4000, $0x38;
	[tilespmem:$0x13400] =	vst v63  }
0x11: {  	_ =	swait.ge [sflag:s10], $0x4000  }
0x12: {  	[sflag:s10] =	ssyncset.done $0x0  }
0x13: {  	[sflag:s10] =	ssyncadd.s32 $0xFFFFC000  }
0x14: {  	[spmem:s12], [sflag:s11] =	dma.local [hbm:s5], $0x1480  }
0x15: {  	_ =	swait.ge [sflag:s10], $0x1480  }
0x16: {  	[sflag:s10] =	ssyncset.done $0x0  }
0x17: {  	[sflag:s10] =	ssyncadd.s32 $0xFFFFEB80  }
0x18: {  	[tilespmem:s4], [sflag:$0x2] =	stream.linear.gather [hbm4b:s6+s4], $0x5000, $0x38;
	[tilespmem:$0x13400] =	vst v63  }
0x19: {  	_ =	swait.ge [sflag:s10], $0x5000  }
0x1a: {  	[sflag:s10] =	ssyncset.done $0x0  }
0x1b: {  	s17 =	simm.s32 $0x0;
	[sflag:s10] =	ssyncadd.s32 $0xFFFFB000  }
0x1c: {  	v2 =	vld [tilespmem:s17+$0x0]  }
0x1d: {  	v3 =	vld [tilespmem:s17+$0x10]  }
0x1e: {  	v5 =	vld [tilespmem:s17+$0x20]  }
0x1f: {  	v4 =	vld [tilespmem:s17+$0x30]  }
0x20: {  	v1 =	vld [tilespmem:s17+$0x40]  }
0x21: {  	v6 =	vsub.s32 v2, v0;
	v2 =	vld [tilespmem:s17+$0x50]  }
0x22: {  	s18 =	simm.s32 $0x200;
	v7 =	vsub.s32 v3, v0;
	v3 =	vld [tilespmem:s17+$0x60];
	v6 =	vmin.u32 v6, $0x1400  }
.LBB2_2:
0x23: {  	s19 =	sshra.s32 s18, $0x2;
	p0 =	sne.s32 s18, $0x13E00;
	[tilespmem:s17+$0x0] =	vst v6;
	v6 =	vmin.u32 v7, $0x1400;
	v5 =	vsub.s32 v5, v0;
	v7 =	vld [tilespmem:s17+$0x70]  }
0x24: {  	v8 =	vld [tilespmem:s19+$0x0];
	[tilespmem:s17+$0x10] =	vst v6;
	v5 =	vmin.u32 v5, $0x1400;
	v4 =	vsub.s32 v4, v0  }
0x25: {  	v9 =	vld [tilespmem:s19+$0x10];
	[tilespmem:s17+$0x20] =	vst v5;
	v4 =	vmin.u32 v4, $0x1400;
	v1 =	vsub.s32 v1, v0  }
.Ltmp0:
0x26: {  	v5 =	vld [tilespmem:s19+$0x20];
	[tilespmem:s17+$0x30] =	vst v4;
	v1 =	vmin.u32 v1, $0x1400;
	v2 =	vsub.s32 v2, v0;
	(pc) =	sbr.rel @p0 .LBB2_2-.Ltmp0, $4  }
0x27: {  	v4 =	vld [tilespmem:s19+$0x30];
	[tilespmem:s17+$0x40] =	vst v1;
	v2 =	vmin.u32 v2, $0x1400;
	v3 =	vsub.s32 v3, v0  }
0x28: {  	v1 =	vld [tilespmem:s19+$0x40];
	[tilespmem:s17+$0x50] =	vst v2;
	v3 =	vmin.u32 v3, $0x1400;
	v6 =	vsub.s32 v7, v0  }
0x29: {  	v7 =	vsub.s32 v8, v0;
	v2 =	vld [tilespmem:s19+$0x50];
	[tilespmem:s17+$0x60] =	vst v3;
	v8 =	vmin.u32 v6, $0x1400  }
0x2a: {  	s18 =	sadd.s32 $0x200, s18;
	v6 =	vmin.u32 v7, $0x1400;
	v7 =	vsub.s32 v9, v0;
	v3 =	vld [tilespmem:s19+$0x60];
	[tilespmem:s17+$0x70] =	vst v8;
	s17 =	smov.u32 s19  }
0x2b: {  	[tilespmem:s17+$0x0] =	vst v6;
	v62 =	vmin.u32 v7, $0x1400;
	v5 =	vsub.s32 v5, v0;
	v63 =	vld [tilespmem:s17+$0x70]  }
0x2c: {  	[tilespmem:s17+$0x10] =	vst v62;
	v5 =	vmin.u32 v5, $0x1400;
	v4 =	vsub.s32 v4, v0  }
0x2d: {  	[tilespmem:s17+$0x20] =	vst v5;
	v4 =	vmin.u32 v4, $0x1400;
	v1 =	vsub.s32 v1, v0  }
0x2e: {  	[tilespmem:s17+$0x30] =	vst v4;
	v1 =	vmin.u32 v1, $0x1400;
	v2 =	vsub.s32 v2, v0  }
0x2f: {  	[tilespmem:s17+$0x40] =	vst v1;
	v1 =	vmin.u32 v2, $0x1400;
	v2 =	vsub.s32 v3, v0  }
0x30: {  	[tilespmem:s17+$0x50] =	vst v1;
	v1 =	vmin.u32 v2, $0x1400;
	v2 =	vsub.s32 v63, v0  }
0x31: {  	[tilespmem:s17+$0x60] =	vst v1;
	v1 =	vmin.u32 v2, $0x1400  }
0x32: {  	[tilespmem:s17+$0x70] =	vst v1  }
0x33: {  	s23 =	simm.s32 $0x0;
	[bflag:$0x0] =	sbarrier.arrive $0xFFFF  }
0x34: {  	[spmem:s3] =	stream.indirect.scatter.add.f32 [tilespmem:s9], [sflag:$0x1], $0x80, s23, s13, $0xb8;
	[tilespmem:$0x13400] =	vst v63  }
0x35: {  	s24 =	simm.s32 $0x80  }
0x36: {  	[spmem:s3] =	stream.indirect.scatter.add.f32 [tilespmem:s9], [sflag:$0x1], $0x80, s24, s13, $0xb8;
	[tilespmem:$0x13400] =	vst v63  }
0x37: {  	s25 =	simm.s32 $0x100  }
0x38: {  	[spmem:s3] =	stream.indirect.scatter.add.f32 [tilespmem:s9], [sflag:$0x1], $0x80, s25, s13, $0xb8;
	[tilespmem:$0x13400] =	vst v63  }
0x39: {  	s26 =	simm.s32 $0x180  }
0x3a: {  	[spmem:s3] =	stream.indirect.scatter.add.f32 [tilespmem:s9], [sflag:$0x1], $0x80, s26, s13, $0xb8;
	[tilespmem:$0x13400] =	vst v63  }
0x3b: {  	s28 =	simm.s32 $0x200  }
0x3c: {  	[spmem:s3] =	stream.indirect.scatter.add.f32 [tilespmem:s9], [sflag:$0x1], $0x80, s28, s13, $0xb8;
	[tilespmem:$0x13400] =	vst v63  }
0x3d: {  	s29 =	simm.s32 $0x280  }
0x3e: {  	[spmem:s3] =	stream.indirect.scatter.add.f32 [tilespmem:s9], [sflag:$0x1], $0x80, s29, s13, $0xb8;
	[tilespmem:$0x13400] =	vst v63  }
0x3f: {  	s30 =	simm.s32 $0x300  }
0x40: {  	[spmem:s3] =	stream.indirect.scatter.add.f32 [tilespmem:s9], [sflag:$0x1], $0x80, s30, s13, $0xb8;
	[tilespmem:$0x13400] =	vst v63  }
0x41: {  	s31 =	simm.s32 $0x380  }
0x42: {  	[spmem:s3] =	stream.indirect.scatter.add.f32 [tilespmem:s9], [sflag:$0x1], $0x80, s31, s13, $0xb8;
	[tilespmem:$0x13400] =	vst v63  }
0x43: {  	_ =	swait.ge [sflag:s14], $0x4000  }
0x44: {  	[sflag:s14] =	ssyncset.done $0x0  }
0x45: {  	[sflag:s14] =	ssyncadd.s32 $0xFFFFC000  }
0x46: {  	_ =	swait.ge [sflag:s14], $0x4000  }
0x47: {  	[sflag:s14] =	ssyncset.done $0x0  }
0x48: {  	[sflag:s14] =	ssyncadd.s32 $0xFFFFC000  }
0x49: {  	_ =	swait.ge [sflag:s14], $0x4000  }
0x4a: {  	[sflag:s14] =	ssyncset.done $0x0  }
0x4b: {  	[sflag:s14] =	ssyncadd.s32 $0xFFFFC000  }
0x4c: {  	_ =	swait.ge [sflag:s14], $0x4000  }
0x4d: {  	[sflag:s14] =	ssyncset.done $0x0  }
0x4e: {  	[sflag:s14] =	ssyncadd.s32 $0xFFFFC000  }
0x4f: {  	_ =	swait.ge [sflag:s14], $0x4000  }
0x50: {  	[sflag:s14] =	ssyncset.done $0x0  }
0x51: {  	[sflag:s14] =	ssyncadd.s32 $0xFFFFC000  }
0x52: {  	_ =	swait.ge [sflag:s14], $0x4000  }
0x53: {  	[sflag:s14] =	ssyncset.done $0x0  }
0x54: {  	[sflag:s14] =	ssyncadd.s32 $0xFFFFC000  }
0x55: {  	_ =	swait.ge [sflag:s14], $0x4000  }
0x56: {  	[sflag:s14] =	ssyncset.done $0x0  }
0x57: {  	[sflag:s14] =	ssyncadd.s32 $0xFFFFC000  }
0x58: {  	_ =	swait.ge [sflag:s14], $0x4000  }
0x59: {  	s19 =	simm.s32 $0x2000;
	s17 =	simm.s32 $0x1000;
	[sflag:s14] =	ssyncset.done $0x0  }
.LBB2_4:
0x5a: {  	s20 =	sshra.s32 s17, $0x2  }
0x5b: {  	[sflag:s14] =	ssyncadd.s32 $0xFFFFC000;
	s17 =	smov.u32 s19;
	s18 =	sadd.s32 $0x1000, s19  }
0x5c: {  	[spmem:s3] =	stream.indirect.scatter.add.f32 [tilespmem:s9], [sflag:$0x1], $0x80, s20, s13, $0xb8;
	[tilespmem:$0x13400] =	vst v63  }
0x5d: {  	p0 =	sne.s32 s19, $0x13000;
	s19 =	sadd.s32 $0x80, s20  }
0x5e: {  	[spmem:s3] =	stream.indirect.scatter.add.f32 [tilespmem:s9], [sflag:$0x1], $0x80, s19, s13, $0xb8;
	[tilespmem:$0x13400] =	vst v63  }
0x5f: {  	s19 =	sadd.s32 $0x100, s20  }
0x60: {  	[spmem:s3] =	stream.indirect.scatter.add.f32 [tilespmem:s9], [sflag:$0x1], $0x80, s19, s13, $0xb8;
	[tilespmem:$0x13400] =	vst v63  }
0x61: {  	s19 =	sadd.s32 $0x180, s20  }
0x62: {  	[spmem:s3] =	stream.indirect.scatter.add.f32 [tilespmem:s9], [sflag:$0x1], $0x80, s19, s13, $0xb8;
	[tilespmem:$0x13400] =	vst v63  }
0x63: {  	s19 =	sadd.s32 $0x200, s20  }
0x64: {  	[spmem:s3] =	stream.indirect.scatter.add.f32 [tilespmem:s9], [sflag:$0x1], $0x80, s19, s13, $0xb8;
	[tilespmem:$0x13400] =	vst v63  }
0x65: {  	s19 =	sadd.s32 $0x280, s20  }
0x66: {  	[spmem:s3] =	stream.indirect.scatter.add.f32 [tilespmem:s9], [sflag:$0x1], $0x80, s19, s13, $0xb8;
	[tilespmem:$0x13400] =	vst v63  }
0x67: {  	s19 =	sadd.s32 $0x300, s20  }
0x68: {  	[spmem:s3] =	stream.indirect.scatter.add.f32 [tilespmem:s9], [sflag:$0x1], $0x80, s19, s13, $0xb8;
	[tilespmem:$0x13400] =	vst v63  }
0x69: {  	s19 =	sadd.s32 $0x380, s20  }
0x6a: {  	[spmem:s3] =	stream.indirect.scatter.add.f32 [tilespmem:s9], [sflag:$0x1], $0x80, s19, s13, $0xb8;
	[tilespmem:$0x13400] =	vst v63  }
0x6b: {  	_ =	swait.ge [sflag:s14], $0x4000  }
0x6c: {  	[sflag:s14] =	ssyncset.done $0x0  }
0x6d: {  	[sflag:s14] =	ssyncadd.s32 $0xFFFFC000  }
0x6e: {  	_ =	swait.ge [sflag:s14], $0x4000  }
0x6f: {  	[sflag:s14] =	ssyncset.done $0x0  }
0x70: {  	[sflag:s14] =	ssyncadd.s32 $0xFFFFC000  }
0x71: {  	_ =	swait.ge [sflag:s14], $0x4000  }
0x72: {  	[sflag:s14] =	ssyncset.done $0x0  }
0x73: {  	[sflag:s14] =	ssyncadd.s32 $0xFFFFC000  }
0x74: {  	_ =	swait.ge [sflag:s14], $0x4000  }
0x75: {  	[sflag:s14] =	ssyncset.done $0x0  }
0x76: {  	[sflag:s14] =	ssyncadd.s32 $0xFFFFC000  }
0x77: {  	_ =	swait.ge [sflag:s14], $0x4000  }
0x78: {  	[sflag:s14] =	ssyncset.done $0x0  }
0x79: {  	[sflag:s14] =	ssyncadd.s32 $0xFFFFC000  }
0x7a: {  	_ =	swait.ge [sflag:s14], $0x4000  }
0x7b: {  	[sflag:s14] =	ssyncset.done $0x0  }
0x7c: {  	[sflag:s14] =	ssyncadd.s32 $0xFFFFC000  }
.Ltmp1:
0x7d: {  	_ =	swait.ge [sflag:s14], $0x4000;
	(pc) =	sbr.rel @p0 .LBB2_4-.Ltmp1, $4  }
0x7e: {  	[sflag:s14] =	ssyncset.done $0x0  }
0x7f: {  	[sflag:s14] =	ssyncadd.s32 $0xFFFFC000  }
0x80: {  	_ =	swait.ge [sflag:s14], $0x4000  }
0x81: {  	s19 =	smov.u32 s18;
	[sflag:s14] =	ssyncset.done $0x0  }
0x82: {  	s17 =	sshra.s32 s17, $0x2;
	[sflag:s14] =	ssyncadd.s32 $0xFFFFC000  }
0x83: {  	[spmem:s3] =	stream.indirect.scatter.add.f32 [tilespmem:s9], [sflag:$0x1], $0x80, s17, s13, $0xb8;
	[tilespmem:$0x13400] =	vst v63  }
0x84: {  	s18 =	sadd.s32 $0x80, s17  }
0x85: {  	[spmem:s3] =	stream.indirect.scatter.add.f32 [tilespmem:s9], [sflag:$0x1], $0x80, s18, s13, $0xb8;
	[tilespmem:$0x13400] =	vst v63  }
0x86: {  	s26 =	sadd.s32 $0x100, s17  }
0x87: {  	[spmem:s3] =	stream.indirect.scatter.add.f32 [tilespmem:s9], [sflag:$0x1], $0x80, s26, s13, $0xb8;
	[tilespmem:$0x13400] =	vst v63  }
0x88: {  	s28 =	sadd.s32 $0x180, s17  }
0x89: {  	[spmem:s3] =	stream.indirect.scatter.add.f32 [tilespmem:s9], [sflag:$0x1], $0x80, s28, s13, $0xb8;
	[tilespmem:$0x13400] =	vst v63  }
0x8a: {  	s29 =	sadd.s32 $0x200, s17  }
0x8b: {  	[spmem:s3] =	stream.indirect.scatter.add.f32 [tilespmem:s9], [sflag:$0x1], $0x80, s29, s13, $0xb8;
	[tilespmem:$0x13400] =	vst v63  }
0x8c: {  	s30 =	sadd.s32 $0x280, s17  }
0x8d: {  	[spmem:s3] =	stream.indirect.scatter.add.f32 [tilespmem:s9], [sflag:$0x1], $0x80, s30, s13, $0xb8;
	[tilespmem:$0x13400] =	vst v63  }
0x8e: {  	s31 =	sadd.s32 $0x300, s17  }
0x8f: {  	[spmem:s3] =	stream.indirect.scatter.add.f32 [tilespmem:s9], [sflag:$0x1], $0x80, s31, s13, $0xb8;
	[tilespmem:$0x13400] =	vst v63  }
0x90: {  	s17 =	sadd.s32 $0x380, s17  }
0x91: {  	[spmem:s3] =	stream.indirect.scatter.add.f32 [tilespmem:s9], [sflag:$0x1], $0x80, s17, s13, $0xb8;
	[tilespmem:$0x13400] =	vst v63  }
0x92: {  	_ =	swait.ge [sflag:s14], $0x4000  }
0x93: {  	[sflag:s14] =	ssyncset.done $0x0  }
0x94: {  	[sflag:s14] =	ssyncadd.s32 $0xFFFFC000  }
0x95: {  	_ =	swait.ge [sflag:s14], $0x4000  }
0x96: {  	[sflag:s14] =	ssyncset.done $0x0  }
0x97: {  	[sflag:s14] =	ssyncadd.s32 $0xFFFFC000  }
0x98: {  	_ =	swait.ge [sflag:s14], $0x4000  }
0x99: {  	[sflag:s14] =	ssyncset.done $0x0  }
0x9a: {  	[sflag:s14] =	ssyncadd.s32 $0xFFFFC000  }
0x9b: {  	_ =	swait.ge [sflag:s14], $0x4000  }
0x9c: {  	[sflag:s14] =	ssyncset.done $0x0  }
0x9d: {  	[sflag:s14] =	ssyncadd.s32 $0xFFFFC000  }
0x9e: {  	_ =	swait.ge [sflag:s14], $0x4000  }
0x9f: {  	[sflag:s14] =	ssyncset.done $0x0  }
0xa0: {  	[sflag:s14] =	ssyncadd.s32 $0xFFFFC000  }
0xa1: {  	_ =	swait.ge [sflag:s14], $0x4000  }
0xa2: {  	[sflag:s14] =	ssyncset.done $0x0  }
0xa3: {  	[sflag:s14] =	ssyncadd.s32 $0xFFFFC000  }
0xa4: {  	_ =	swait.ge [sflag:s14], $0x4000  }
0xa5: {  	[sflag:s14] =	ssyncset.done $0x0  }
0xa6: {  	[sflag:s14] =	ssyncadd.s32 $0xFFFFC000  }
0xa7: {  	_ =	swait.ge [sflag:s14], $0x4000  }
0xa8: {  	s16 =	sadd.s32 $0x1, s16;
	[sflag:s14] =	ssyncset.done $0x0  }
0xa9: {  	p0 =	sne.s32 s16, s8;
	[sflag:s14] =	ssyncadd.s32 $0xFFFFC000  }
.Ltmp2:
0xaa: {  	[bflag:$0x0] =	sbarrier.arrive $0xFFFF;
	(pc) =	sbr.rel @p0 .LBB2_1-.Ltmp2, $4  }
0xab: {  	[hbm:s7], [sflag:s11] =	dma.local [spmem:s15], $0x1400  }
0xac: {  	_ =	swait.ge [sflag:s10], $0x1400  }
0xad: {  	[sflag:s10] =	ssyncset.done $0x0  }
0xae: {  	[sflag:s10] =	ssyncadd.s32 $0xFFFFEC00  }
0xaf: {  	_ =	sfence.sel $0x180000  }
0xb0: {  	[bflag:$0x0] =	sbarrier.arrive $0xFFFF  }
0xb1: {  	p0 =	sne.s32 s0, $0x0;
	_ =	strace $0x90000047  }
0xb2: {  	s0 =	sadd.s32 @!p0 $0x100000, s1;
	[bflag:$0x2] =	sbarrier.arrive $0xFFFF  }
0xb3: {  	[sflag:s0] =	ssyncadd.tile.s32 @!p0 $0x1;
	_ =	shalt  }
.Lfunc_end2:
_tile_overlayer_lowered:
.L_overlay_start_2:
0xb4: {  	(tag) =	ssettag $0x2  }
0xb5: {  	s0 =	rddreg [dreg:$0x0];
	s2 =	stileid.u32  }
0xb6: {  	s1 =	rddreg [dreg:$0x1];
	p0 =	sne.s32 s2, $0x0  }
0xb7: {  	s3 =	rddreg [dreg:$0x2];
	[bflag:$0x3] =	sbarrier.arrive $0xFFFF;
	s2 =	simm.s32 @!p0 $0x1C02  }
0xb8: {  	[timem:s3], [sflag:s2] =	dma.local @!p0 [hbm:s0], s1  }
0xb9: {  	s0 =	simm.s32 @!p0 $0x2  }
0xba: {  	_ =	swait.ge @!p0 [sflag:s0], s1  }
0xbb: {  	s1 =	ssub.s32 @!p0 $0x0, s1;
	[sflag:s0] =	ssyncset.done @!p0 $0x0  }
0xbc: {  	[sflag:s0] =	ssyncadd.s32 @!p0 s1  }
0xbd: {  	[bflag:$0x3] =	sbarrier.arrive $0xFFFF  }
0xbe: {  	_ =	shalt  }

</sc_bundles>
